<compile_context>
chip_gen: v7x
topology: tpu7x:2x2x1
jax: 0.10.2.dev20260603
libtpu: 0.0.44.dev20260713+nightly
codegen_flags: <defaults>
</compile_context>

<pallas_src>
import functools

import jax
import jax.numpy as jnp
from jax import lax
from jax.experimental import pallas as pl
from jax.experimental.pallas import tpu as pltpu
from jax.experimental.pallas import tpu_sc as plsc

N = 10000
NPAD = 10240
E = 320000
D_IN = 128
H = 256
HALF = 128
EPS = 1e-5

NC = 2
NS = 16
CHUNK = 128
SLAB = 32
EPAD = 327680

ROWS_PER_TILE = NPAD // NS
NCH_AGG = EPAD // (NS * CHUNK)
NSLAB_AGG = NCH_AGG // SLAB
NCH_DEG = EPAD // (NC * NS * CHUNK)
DEGW = 128

R = 1024
NBLK = NPAD // R

_mesh = plsc.VectorSubcoreMesh(core_axis_name="c", subcore_axis_name="s",
                               num_cores=NC, num_subcores=NS)



@functools.partial(
    pl.kernel,
    out_type=jax.ShapeDtypeStruct((NC * NPAD, DEGW), jnp.float32),
    mesh=_mesh,
    scratch_types=[
        pltpu.VMEM((NCH_DEG, CHUNK), jnp.int32),
        pltpu.VMEM((CHUNK, DEGW), jnp.float32),
        pltpu.VMEM_SHARED((NPAD, DEGW), jnp.float32),
        pltpu.SemaphoreType.DMA,
    ],
)
def _deg_kernel(dst_hbm, init_hbm, ones_hbm, out_hbm, dst_v, ones_v, acc_sp, sem):
    core = lax.axis_index("c")
    s = lax.axis_index("s")
    tile = core * NS + s
    pltpu.sync_copy(dst_hbm.at[tile], dst_v)
    pltpu.sync_copy(ones_hbm, ones_v)
    gbase = pl.multiple_of(core * NPAD + s * ROWS_PER_TILE, 8)
    lbase = pl.multiple_of(s * ROWS_PER_TILE, 8)
    pltpu.sync_copy(init_hbm.at[pl.ds(gbase, ROWS_PER_TILE)],
                    acc_sp.at[pl.ds(lbase, ROWS_PER_TILE)])
    plsc.subcore_barrier()

    def body(j, carry):
        pltpu.sync_copy(ones_v, acc_sp.at[dst_v.at[j]], add=True)
        return carry

    lax.fori_loop(0, NCH_DEG, body, 0, unroll=False)
    plsc.subcore_barrier()
    pltpu.sync_copy(acc_sp.at[pl.ds(lbase, ROWS_PER_TILE)],
                    out_hbm.at[pl.ds(gbase, ROWS_PER_TILE)])




@functools.partial(
    pl.kernel,
    out_type=jax.ShapeDtypeStruct((NC * NPAD, HALF), jnp.float32),
    mesh=_mesh,
    scratch_types=[
        pltpu.VMEM((SLAB, CHUNK), jnp.int32),
        pltpu.VMEM((SLAB, CHUNK), jnp.int32),
        pltpu.VMEM((CHUNK, HALF), jnp.float32),
        pltpu.VMEM((CHUNK, HALF), jnp.float32),
        pltpu.VMEM_SHARED((NPAD, HALF), jnp.float32),
        pltpu.SemaphoreType.DMA,
        pltpu.SemaphoreType.DMA,
    ],
)
def _agg_kernel(y_hbm, src_hbm, dst_hbm, out_hbm, src_v, dst_v,
                stage0, stage1, acc_sp, sem0, sem1):
    core = lax.axis_index("c")
    s = lax.axis_index("s")
    gbase = pl.multiple_of(core * NPAD + s * ROWS_PER_TILE, 8)
    lbase = pl.multiple_of(s * ROWS_PER_TILE, 8)
    pltpu.sync_copy(y_hbm.at[pl.ds(gbase, ROWS_PER_TILE)],
                    acc_sp.at[pl.ds(lbase, ROWS_PER_TILE)])
    plsc.subcore_barrier()

    def slab(k, carry):
        pltpu.sync_copy(src_hbm.at[core, s, k], src_v)
        pltpu.sync_copy(dst_hbm.at[s, k], dst_v)
        pltpu.async_copy(y_hbm.at[src_v.at[0]], stage0, sem0)

        def pair(t, c2):
            j0 = 2 * t
            j1 = j0 + 1
            pltpu.async_copy(y_hbm.at[src_v.at[j1]], stage1, sem1)
            pltpu.make_async_copy(y_hbm.at[src_v.at[j0]], stage0, sem0).wait()
            pltpu.sync_copy(stage0, acc_sp.at[dst_v.at[j0]], add=True)

            @pl.when(t + 1 < SLAB // 2)
            def _():
                pltpu.async_copy(y_hbm.at[src_v.at[j0 + 2]], stage0, sem0)

            pltpu.make_async_copy(y_hbm.at[src_v.at[j1]], stage1, sem1).wait()
            pltpu.sync_copy(stage1, acc_sp.at[dst_v.at[j1]], add=True)
            return c2

        return lax.fori_loop(0, SLAB // 2, pair, carry, unroll=False)

    lax.fori_loop(0, NSLAB_AGG, slab, 0, unroll=False)
    plsc.subcore_barrier()
    pltpu.sync_copy(acc_sp.at[pl.ds(lbase, ROWS_PER_TILE)],
                    out_hbm.at[pl.ds(gbase, ROWS_PER_TILE)])



def _row_mask(i):
    row = lax.broadcasted_iota(jnp.int32, (R, 1), 0) + i * R
    return row < N


def _bn_from_stats(t, s1, s2, g, be):
    m = s1 * (1.0 / N)
    v = s2 * (1.0 / N) - m * m
    return jnp.maximum((t - m) * lax.rsqrt(v + EPS) * g + be, 0.0)


def _mm1_body(x_ref, w_ref, xw_ref):
    xw_ref[...] = jnp.dot(x_ref[...], w_ref[...], preferred_element_type=jnp.float32)


_mm1 = pl.pallas_call(
    _mm1_body,
    grid=(NBLK,),
    in_specs=[
        pl.BlockSpec((R, D_IN), lambda i: (i, 0)),
        pl.BlockSpec((D_IN, H), lambda i: (0, 0)),
    ],
    out_specs=pl.BlockSpec((R, H), lambda i: (i, 0)),
    out_shape=jax.ShapeDtypeStruct((NPAD, H), jnp.float32),
)


def _prep_body(xw_ref, d0_ref, d1_ref, y_ref, dinv_ref):
    i = pl.program_id(0)
    dinv = lax.rsqrt(d0_ref[:, 0:1] + d1_ref[:, 0:1])
    dinv_ref[...] = dinv
    y = xw_ref[...] * dinv
    y_ref[...] = jnp.where(_row_mask(i), y, 0.0)


_prep = pl.pallas_call(
    _prep_body,
    grid=(NBLK, NC),
    in_specs=[
        pl.BlockSpec((R, HALF), lambda i, c: (i, c)),
        pl.BlockSpec((R, DEGW), lambda i, c: (i, 0)),
        pl.BlockSpec((R, DEGW), lambda i, c: (i, 0)),
    ],
    out_specs=(
        pl.BlockSpec((R, HALF), lambda i, c: (c * NBLK + i, 0)),
        pl.BlockSpec((R, 1), lambda i, c: (i, 0)),
    ),
    out_shape=(jax.ShapeDtypeStruct((NC * NPAD, HALF), jnp.float32),
               jax.ShapeDtypeStruct((NPAD, 1), jnp.float32)),
)


def _stats_mid_body(a0_ref, a1_ref, dinv_ref, s_ref):
    i = pl.program_id(0)
    mask = _row_mask(i)
    dinv = dinv_ref[...]
    z0 = jnp.where(mask, a0_ref[...] * dinv, 0.0)
    z1 = jnp.where(mask, a1_ref[...] * dinv, 0.0)
    z = jnp.concatenate([z0, z1], axis=1)
    part = jnp.concatenate([
        jnp.sum(z, axis=0, keepdims=True),
        jnp.sum(z * z, axis=0, keepdims=True),
        jnp.zeros((6, H), jnp.float32),
    ])

    @pl.when(i == 0)
    def _():
        s_ref[...] = part

    @pl.when(i != 0)
    def _():
        s_ref[...] += part


_stats_mid = pl.pallas_call(
    _stats_mid_body,
    grid=(NBLK,),
    in_specs=[
        pl.BlockSpec((R, HALF), lambda i: (i, 0)),
        pl.BlockSpec((R, HALF), lambda i: (NBLK + i, 0)),
        pl.BlockSpec((R, 1), lambda i: (i, 0)),
    ],
    out_specs=pl.BlockSpec((8, H), lambda i: (0, 0)),
    out_shape=jax.ShapeDtypeStruct((8, H), jnp.float32),
)


def _apply_mid_body(a0_ref, a1_ref, dinv_ref, s_ref, g_ref, be_ref, w_ref, y_ref):
    i = pl.program_id(0)
    dinv = dinv_ref[...]
    h0 = _bn_from_stats(a0_ref[...] * dinv, s_ref[0:1, 0:HALF], s_ref[1:2, 0:HALF],
                        g_ref[0:1, 0:HALF], be_ref[0:1, 0:HALF])
    h1 = _bn_from_stats(a1_ref[...] * dinv, s_ref[0:1, HALF:H], s_ref[1:2, HALF:H],
                        g_ref[0:1, HALF:H], be_ref[0:1, HALF:H])
    y = (jnp.dot(h0, w_ref[0:HALF, :], preferred_element_type=jnp.float32)
         + jnp.dot(h1, w_ref[HALF:H, :], preferred_element_type=jnp.float32)) * dinv
    y_ref[...] = jnp.where(_row_mask(i), y, 0.0)


_apply_mid = pl.pallas_call(
    _apply_mid_body,
    grid=(NBLK, NC),
    in_specs=[
        pl.BlockSpec((R, HALF), lambda i, c: (i, 0)),
        pl.BlockSpec((R, HALF), lambda i, c: (NBLK + i, 0)),
        pl.BlockSpec((R, 1), lambda i, c: (i, 0)),
        pl.BlockSpec((8, H), lambda i, c: (0, 0)),
        pl.BlockSpec((1, H), lambda i, c: (0, 0)),
        pl.BlockSpec((1, H), lambda i, c: (0, 0)),
        pl.BlockSpec((H, HALF), lambda i, c: (0, c)),
    ],
    out_specs=pl.BlockSpec((R, HALF), lambda i, c: (c * NBLK + i, 0)),
    out_shape=jax.ShapeDtypeStruct((NC * NPAD, HALF), jnp.float32),
)


def _emb_body(a0_ref, a1_ref, dinv_ref, s_ref, g_ref, be_ref, fw1_ref, bw1_ref,
              emb_ref, t1_ref, t3_ref):
    i = pl.program_id(0)
    dinv = dinv_ref[...]
    e0 = _bn_from_stats(a0_ref[...] * dinv, s_ref[0:1, 0:HALF], s_ref[1:2, 0:HALF],
                        g_ref[0:1, 0:HALF], be_ref[0:1, 0:HALF])
    e1 = _bn_from_stats(a1_ref[...] * dinv, s_ref[0:1, HALF:H], s_ref[1:2, HALF:H],
                        g_ref[0:1, HALF:H], be_ref[0:1, HALF:H])
    emb = jnp.where(_row_mask(i), jnp.concatenate([e0, e1], axis=1), 0.0)
    emb_ref[...] = emb
    t1_ref[...] = jnp.dot(emb, fw1_ref[...], preferred_element_type=jnp.float32)
    t3_ref[...] = jnp.dot(emb, bw1_ref[...], preferred_element_type=jnp.float32)


_emb = pl.pallas_call(
    _emb_body,
    grid=(NBLK,),
    in_specs=[
        pl.BlockSpec((R, HALF), lambda i: (i, 0)),
        pl.BlockSpec((R, HALF), lambda i: (NBLK + i, 0)),
        pl.BlockSpec((R, 1), lambda i: (i, 0)),
        pl.BlockSpec((8, H), lambda i: (0, 0)),
        pl.BlockSpec((1, H), lambda i: (0, 0)),
        pl.BlockSpec((1, H), lambda i: (0, 0)),
        pl.BlockSpec((H, H), lambda i: (0, 0)),
        pl.BlockSpec((H, HALF), lambda i: (0, 0)),
    ],
    out_specs=(
        pl.BlockSpec((R, H), lambda i: (i, 0)),
        pl.BlockSpec((R, H), lambda i: (i, 0)),
        pl.BlockSpec((R, HALF), lambda i: (i, 0)),
    ),
    out_shape=(jax.ShapeDtypeStruct((NPAD, H), jnp.float32),
               jax.ShapeDtypeStruct((NPAD, H), jnp.float32),
               jax.ShapeDtypeStruct((NPAD, HALF), jnp.float32)),
)


def _make_stats1(m):
    def body(t_ref, s_ref):
        i = pl.program_id(0)
        t = jnp.where(_row_mask(i), t_ref[...], 0.0)
        part = jnp.concatenate([
            jnp.sum(t, axis=0, keepdims=True),
            jnp.sum(t * t, axis=0, keepdims=True),
            jnp.zeros((6, m), jnp.float32),
        ])

        @pl.when(i == 0)
        def _():
            s_ref[...] = part

        @pl.when(i != 0)
        def _():
            s_ref[...] += part

    return pl.pallas_call(
        body,
        grid=(NBLK,),
        in_specs=[pl.BlockSpec((R, m), lambda i: (i, 0))],
        out_specs=pl.BlockSpec((8, m), lambda i: (0, 0)),
        out_shape=jax.ShapeDtypeStruct((8, m), jnp.float32),
    )


_stats_256 = _make_stats1(H)
_stats_128 = _make_stats1(HALF)


def _make_applymm(m_in, m_out, with_bias):
    def body(*refs):
        if with_bias:
            t_ref, s_ref, g_ref, be_ref, w_ref, b_ref, o_ref = refs
        else:
            t_ref, s_ref, g_ref, be_ref, w_ref, o_ref = refs
        tn = _bn_from_stats(t_ref[...], s_ref[0:1, :], s_ref[1:2, :],
                            g_ref[...], be_ref[...])
        o = jnp.dot(tn, w_ref[...], preferred_element_type=jnp.float32)
        if with_bias:
            o = o + b_ref[...]
        o_ref[...] = o

    in_specs = [
        pl.BlockSpec((R, m_in), lambda i: (i, 0)),
        pl.BlockSpec((8, m_in), lambda i: (0, 0)),
        pl.BlockSpec((1, m_in), lambda i: (0, 0)),
        pl.BlockSpec((1, m_in), lambda i: (0, 0)),
        pl.BlockSpec((m_in, m_out), lambda i: (0, 0)),
    ]
    if with_bias:
        in_specs.append(pl.BlockSpec((1, m_out), lambda i: (0, 0)))
    return pl.pallas_call(
        body,
        grid=(NBLK,),
        in_specs=in_specs,
        out_specs=pl.BlockSpec((R, m_out), lambda i: (i, 0)),
        out_shape=jax.ShapeDtypeStruct((NPAD, m_out), jnp.float32),
    )


_applymm_f2 = _make_applymm(H, HALF, False)
_applymm_f3 = _make_applymm(HALF, 3, True)
_applymm_b2 = _make_applymm(HALF, 6, True)



def kernel(x, edge_index, W1, b1, g1, be1, W2, b2, g2, be2, W3, b3, g3, be3,
           fW1, fb1, fg1, fbe1, fW2, fb2, fg2, fbe2, fW3, fb3,
           bW1, bb1, bg1, bbe1, bW2, bb2):
    src = edge_index[0]
    dst = edge_index[1]
    npadE = EPAD - E
    src = jnp.concatenate([src, jnp.full((npadE,), N, jnp.int32)])
    dst = jnp.concatenate([dst, jnp.full((npadE,), N, jnp.int32)])
    src2 = jnp.stack([src, src + NPAD]).reshape(NC, NS, NSLAB_AGG, SLAB, CHUNK)
    dst_agg = dst.reshape(NS, NSLAB_AGG, SLAB, CHUNK)
    dst_deg = dst.reshape(NC * NS, NCH_DEG, CHUNK)

    deg_init = jnp.concatenate([jnp.ones((NPAD, DEGW), jnp.float32),
                                jnp.zeros((NPAD, DEGW), jnp.float32)])
    ones_rows = jnp.ones((CHUNK, DEGW), jnp.float32)
    deg_parts = _deg_kernel(dst_deg, deg_init, ones_rows)
    deg0 = deg_parts[0:NPAD]
    deg1 = deg_parts[NPAD:2 * NPAD]

    xpad = jnp.concatenate([x, jnp.zeros((NPAD - N, D_IN), jnp.float32)])
    g1r, be1r = g1.reshape(1, H), be1.reshape(1, H)
    g2r, be2r = g2.reshape(1, H), be2.reshape(1, H)
    g3r, be3r = g3.reshape(1, H), be3.reshape(1, H)

    y, dinv = _prep(_mm1(xpad, W1), deg0, deg1)
    agg = _agg_kernel(y, src2, dst_agg)
    y = _apply_mid(agg, agg, dinv, _stats_mid(agg, agg, dinv), g1r, be1r, W2)
    agg = _agg_kernel(y, src2, dst_agg)
    y = _apply_mid(agg, agg, dinv, _stats_mid(agg, agg, dinv), g2r, be2r, W3)
    agg = _agg_kernel(y, src2, dst_agg)
    emb, t1, t3 = _emb(agg, agg, dinv, _stats_mid(agg, agg, dinv), g3r, be3r,
                       fW1, bW1)
    t2 = _applymm_f2(t1, _stats_256(t1), fg1.reshape(1, H), fbe1.reshape(1, H), fW2)
    f = _applymm_f3(t2, _stats_128(t2), fg2.reshape(1, HALF), fbe2.reshape(1, HALF),
                    fW3, fb3.reshape(1, 3))
    bk = _applymm_b2(t3, _stats_128(t3), bg1.reshape(1, HALF), bbe1.reshape(1, HALF),
                     bW2, bb2.reshape(1, 6))
    return (f[0:N], bk[0:N], emb[0:N])

# --- scband reference (transcript-rebuilt; emitter-appended) ---
"""Pipeline reference for scband-dual-attribution-model-12214886990589 (READ-ONLY COPY).

The authoritative reference and input builder live on the scoring server;
editing this copy changes nothing except your own understanding.
"""

import jax, jax.numpy as jnp
import numpy as np

N = 10000
E = 320000
D_IN = 128
H = 256
NEX = 3
NCAT = 6
EPS = 1e-5


def _gcn(x, src, dst, norm, W, b):
    xw = x @ W
    msg = xw[src] * norm[:, None]
    out = jnp.zeros((x.shape[0], W.shape[1]), x.dtype).at[dst].add(msg)
    return out + b


def _bn(x, g, b):
    m = jnp.mean(x, axis=0)
    v = jnp.var(x, axis=0)
    return (x - m) / jnp.sqrt(v + EPS) * g + b


def setup_inputs(seed: int = 0) -> dict:
    key = jax.random.key(seed)
    ks = jax.random.split(key, 16)
    inp = {}
    inp["x"] = jax.random.normal(ks[0], (N, D_IN), dtype=jnp.float32)
    inp["edge_index"] = jax.random.randint(ks[1], (2, E), 0, N, dtype=jnp.int32)

    def w(k, shape, fan):
        return (jax.random.normal(k, shape, dtype=jnp.float32) / np.sqrt(fan)).astype(jnp.float32)

    inp["W1"] = w(ks[2], (D_IN, H), D_IN); inp["b1"] = jnp.zeros((H,), jnp.float32)
    inp["g1"] = jnp.ones((H,), jnp.float32); inp["be1"] = jnp.zeros((H,), jnp.float32)
    inp["W2"] = w(ks[3], (H, H), H); inp["b2"] = jnp.zeros((H,), jnp.float32)
    inp["g2"] = jnp.ones((H,), jnp.float32); inp["be2"] = jnp.zeros((H,), jnp.float32)
    inp["W3"] = w(ks[4], (H, H), H); inp["b3"] = jnp.zeros((H,), jnp.float32)
    inp["g3"] = jnp.ones((H,), jnp.float32); inp["be3"] = jnp.zeros((H,), jnp.float32)
    inp["fW1"] = w(ks[5], (H, H), H); inp["fb1"] = jnp.zeros((H,), jnp.float32)
    inp["fg1"] = jnp.ones((H,), jnp.float32); inp["fbe1"] = jnp.zeros((H,), jnp.float32)
    inp["fW2"] = w(ks[6], (H, H // 2), H); inp["fb2"] = jnp.zeros((H // 2,), jnp.float32)
    inp["fg2"] = jnp.ones((H // 2,), jnp.float32); inp["fbe2"] = jnp.zeros((H // 2,), jnp.float32)
    inp["fW3"] = w(ks[7], (H // 2, NEX), H // 2); inp["fb3"] = jnp.zeros((NEX,), jnp.float32)
    inp["bW1"] = w(ks[8], (H, H // 2), H); inp["bb1"] = jnp.zeros((H // 2,), jnp.float32)
    inp["bg1"] = jnp.ones((H // 2,), jnp.float32); inp["bbe1"] = jnp.zeros((H // 2,), jnp.float32)
    inp["bW2"] = w(ks[9], (H // 2, NCAT), H // 2); inp["bb2"] = jnp.zeros((NCAT,), jnp.float32)
    return inp


def reference(x, edge_index, W1, b1, g1, be1, W2, b2, g2, be2, W3, b3, g3, be3,
              fW1, fb1, fg1, fbe1, fW2, fb2, fg2, fbe2, fW3, fb3,
              bW1, bb1, bg1, bbe1, bW2, bb2):
    n = x.shape[0]
    loop = jnp.arange(n, dtype=edge_index.dtype)
    src = jnp.concatenate([edge_index[0], loop])
    dst = jnp.concatenate([edge_index[1], loop])
    deg = jnp.zeros((n,), jnp.float32).at[dst].add(1.0)
    dinv = jnp.where(deg > 0, 1.0 / jnp.sqrt(deg), 0.0)
    norm = dinv[src] * dinv[dst]
    h = x
    for W, b, g, be in ((W1, b1, g1, be1), (W2, b2, g2, be2), (W3, b3, g3, be3)):
        h = _gcn(h, src, dst, norm, W, b)
        h = _bn(h, g, be)
        h = jax.nn.relu(h)
    emb = h
    f = jax.nn.relu(_bn(emb @ fW1 + fb1, fg1, fbe1))
    f = jax.nn.relu(_bn(f @ fW2 + fb2, fg2, fbe2))
    f = f @ fW3 + fb3
    bk = jax.nn.relu(_bn(emb @ bW1 + bb1, bg1, bbe1))
    bk = bk @ bW2 + bb2
    return (f, bk, emb)

if __name__ == "__main__":
    import jax
    _d = setup_inputs()
    print(jax.jit(kernel)(*tuple(_d.values())))

</pallas_src>

<mosaic_0001>
#map = affine_map<(d0, d1) -> (0, 0)>
#map1 = affine_map<(d0, d1) -> (0, 0, 0, 0, 0)>
#map2 = affine_map<(d0, d1) -> (0, 0, 0, 0)>
module attributes {stable_mosaic.version = 14 : i64} {
  func.func @_agg_kernel(%arg0: i32, %arg1: i32, %arg2: memref<20480x128xf32, #tpu.memory_space<hbm>>, %arg3: memref<2x16x5x32x128xi32, #tpu.memory_space<hbm>>, %arg4: memref<16x5x32x128xi32, #tpu.memory_space<hbm>>, %arg5: memref<20480x128xf32, #tpu.memory_space<hbm>>, %arg6: memref<32x128xi32, #tpu.memory_space<vmem>>, %arg7: memref<32x128xi32, #tpu.memory_space<vmem>>, %arg8: memref<128x128xf32, #tpu.memory_space<vmem>>, %arg9: memref<128x128xf32, #tpu.memory_space<vmem>>, %arg10: memref<10240x128xf32, #tpu.memory_space<vmem_shared>>, %arg11: memref<!tpu.dma_semaphore, #tpu.memory_space<semaphore_mem>>, %arg12: memref<!tpu.dma_semaphore, #tpu.memory_space<semaphore_mem>>) attributes {dimension_semantics = [#tpu.dimension_semantics<core_parallel>, #tpu.dimension_semantics<subcore_parallel>], iteration_bounds = array<i64: 2, 16>, scalar_prefetch = 0 : i64, scratch_operands = 7 : i64, tpu.core_type = #tpu.core_type<sc_vector_subcore>, window_params = [{transform_indices = #map}, {transform_indices = #map1}, {transform_indices = #map2}, {transform_indices = #map}]} {
    %mul3A = arith.constant 10240 : i32
    %mul3A_0 = arith.muli %arg0, %mul3A : i32
    %mul3A_1 = arith.constant 640 : i32
    %mul3A_2 = arith.muli %arg1, %mul3A_1 : i32
    %add3A = arith.addi %mul3A_0, %mul3A_2 : i32
    %multiple_of3A = tpu.assume_multiple %add3A, 8 : i32
    %mul3A_3 = arith.constant 640 : i32
    %mul3A_4 = arith.muli %arg1, %mul3A_3 : i32
    %multiple_of3A_5 = tpu.assume_multiple %mul3A_4, 8 : i32
    "tpu.region"() ({
      %run_scoped3A = tpu.sem_alloc : memref<!tpu.dma_semaphore, #tpu.memory_space<semaphore_mem>>
      %dma_start3A = arith.constant 0 : i32
      %dma_start3A_12 = tpu.memref_slice %arg10[%multiple_of3A_5, %dma_start3A] : memref<10240x128xf32, #tpu.memory_space<vmem_shared>> -> memref<640x128xf32, #tpu.memory_space<vmem_shared>>
      %dma_start3A_13 = arith.constant 0 : i32
      %dma_start3A_14 = tpu.memref_slice %arg2[%multiple_of3A, %dma_start3A_13] : memref<20480x128xf32, #tpu.memory_space<hbm>> -> memref<640x128xf32, #tpu.memory_space<hbm>>
      tpu.enqueue_dma source(%dma_start3A_14 : memref<640x128xf32, #tpu.memory_space<hbm>>) target(%dma_start3A_12 : memref<640x128xf32, #tpu.memory_space<vmem_shared>>) target_semaphore(%run_scoped3A : memref<!tpu.dma_semaphore, #tpu.memory_space<semaphore_mem>>)
      %dma_wait3A = arith.constant 0 : i32
      %dma_wait3A_15 = tpu.memref_slice %arg10[%multiple_of3A_5, %dma_wait3A] : memref<10240x128xf32, #tpu.memory_space<vmem_shared>> -> memref<640x128xf32, #tpu.memory_space<vmem_shared>>
      %dma_wait3A_16 = arith.constant 0 : i32
      %dma_wait3A_17 = tpu.memref_slice %arg2[%multiple_of3A, %dma_wait3A_16] : memref<20480x128xf32, #tpu.memory_space<hbm>> -> memref<640x128xf32, #tpu.memory_space<hbm>>
      tpu.wait_dma2 semaphore(%run_scoped3A : memref<!tpu.dma_semaphore, #tpu.memory_space<semaphore_mem>>) src(%dma_wait3A_17 : memref<640x128xf32, #tpu.memory_space<hbm>>) dst(%dma_wait3A_15 : memref<640x128xf32, #tpu.memory_space<vmem_shared>>)
      tpu.yield
    }) : () -> ()
    %barrier3A = arith.constant 0 : index
    tpu.barrier barrier_id(%barrier3A)
    %scan3A = arith.constant 0 : i32
    %scan3A_6 = arith.constant 0 : i32
    %scan3A_7 = arith.constant 5 : i32
    %scan3A_8 = arith.addi %scan3A_6, %scan3A_7 : i32
    %scan3A_9 = arith.constant 1 : i32
    scf.for %scan3A_12 = %scan3A_6 to %scan3A_8 step %scan3A_9  : i32 {
      "tpu.region"() ({
        %run_scoped3A = tpu.sem_alloc : memref<!tpu.dma_semaphore, #tpu.memory_space<semaphore_mem>>
        %dma_start3A_24 = arith.constant 0 : i32
        %dma_start3A_25 = arith.constant 0 : i32
        %dma_start3A_26 = tpu.memref_slice %arg3[%arg0, %arg1, %scan3A_12, %dma_start3A_24, %dma_start3A_25] : memref<2x16x5x32x128xi32, #tpu.memory_space<hbm>> -> memref<1x1x1x32x128xi32, #tpu.memory_space<hbm>>
        %dma_start3A_27 = tpu.memref_squeeze %dma_start3A_26 : memref<1x1x1x32x128xi32, #tpu.memory_space<hbm>> -> memref<32x128xi32, #tpu.memory_space<hbm>>
        %dma_start3A_28 = arith.constant 0 : i32
        %dma_start3A_29 = arith.constant 0 : i32
        %dma_start3A_30 = tpu.memref_slice %arg3[%arg0, %arg1, %scan3A_12, %dma_start3A_28, %dma_start3A_29] : memref<2x16x5x32x128xi32, #tpu.memory_space<hbm>> -> memref<1x1x1x32x128xi32, #tpu.memory_space<hbm>>
        %dma_start3A_31 = tpu.memref_squeeze %dma_start3A_30 : memref<1x1x1x32x128xi32, #tpu.memory_space<hbm>> -> memref<32x128xi32, #tpu.memory_space<hbm>>
        tpu.enqueue_dma source(%dma_start3A_31 : memref<32x128xi32, #tpu.memory_space<hbm>>) target(%arg6 : memref<32x128xi32, #tpu.memory_space<vmem>>) target_semaphore(%run_scoped3A : memref<!tpu.dma_semaphore, #tpu.memory_space<semaphore_mem>>)
        %dma_wait3A = arith.constant 0 : i32
        %dma_wait3A_32 = arith.constant 0 : i32
        %dma_wait3A_33 = tpu.memref_slice %arg3[%arg0, %arg1, %scan3A_12, %dma_wait3A, %dma_wait3A_32] : memref<2x16x5x32x128xi32, #tpu.memory_space<hbm>> -> memref<1x1x1x32x128xi32, #tpu.memory_space<hbm>>
        %dma_wait3A_34 = tpu.memref_squeeze %dma_wait3A_33 : memref<1x1x1x32x128xi32, #tpu.memory_space<hbm>> -> memref<32x128xi32, #tpu.memory_space<hbm>>
        %dma_wait3A_35 = arith.constant 0 : i32
        %dma_wait3A_36 = arith.constant 0 : i32
        %dma_wait3A_37 = tpu.memref_slice %arg3[%arg0, %arg1, %scan3A_12, %dma_wait3A_35, %dma_wait3A_36] : memref<2x16x5x32x128xi32, #tpu.memory_space<hbm>> -> memref<1x1x1x32x128xi32, #tpu.memory_space<hbm>>
        %dma_wait3A_38 = tpu.memref_squeeze %dma_wait3A_37 : memref<1x1x1x32x128xi32, #tpu.memory_space<hbm>> -> memref<32x128xi32, #tpu.memory_space<hbm>>
        tpu.wait_dma2 semaphore(%run_scoped3A : memref<!tpu.dma_semaphore, #tpu.memory_space<semaphore_mem>>) src(%dma_wait3A_38 : memref<32x128xi32, #tpu.memory_space<hbm>>) dst(%arg6 : memref<32x128xi32, #tpu.memory_space<vmem>>)
        tpu.yield
      }) : () -> ()
      "tpu.region"() ({
        %run_scoped3A = tpu.sem_alloc : memref<!tpu.dma_semaphore, #tpu.memory_space<semaphore_mem>>
        %dma_start3A_24 = arith.constant 0 : i32
        %dma_start3A_25 = arith.constant 0 : i32
        %dma_start3A_26 = tpu.memref_slice %arg4[%arg1, %scan3A_12, %dma_start3A_24, %dma_start3A_25] : memref<16x5x32x128xi32, #tpu.memory_space<hbm>> -> memref<1x1x32x128xi32, #tpu.memory_space<hbm>>
        %dma_start3A_27 = tpu.memref_squeeze %dma_start3A_26 : memref<1x1x32x128xi32, #tpu.memory_space<hbm>> -> memref<32x128xi32, #tpu.memory_space<hbm>>
        %dma_start3A_28 = arith.constant 0 : i32
        %dma_start3A_29 = arith.constant 0 : i32
        %dma_start3A_30 = tpu.memref_slice %arg4[%arg1, %scan3A_12, %dma_start3A_28, %dma_start3A_29] : memref<16x5x32x128xi32, #tpu.memory_space<hbm>> -> memref<1x1x32x128xi32, #tpu.memory_space<hbm>>
        %dma_start3A_31 = tpu.memref_squeeze %dma_start3A_30 : memref<1x1x32x128xi32, #tpu.memory_space<hbm>> -> memref<32x128xi32, #tpu.memory_space<hbm>>
        tpu.enqueue_dma source(%dma_start3A_31 : memref<32x128xi32, #tpu.memory_space<hbm>>) target(%arg7 : memref<32x128xi32, #tpu.memory_space<vmem>>) target_semaphore(%run_scoped3A : memref<!tpu.dma_semaphore, #tpu.memory_space<semaphore_mem>>)
        %dma_wait3A = arith.constant 0 : i32
        %dma_wait3A_32 = arith.constant 0 : i32
        %dma_wait3A_33 = tpu.memref_slice %arg4[%arg1, %scan3A_12, %dma_wait3A, %dma_wait3A_32] : memref<16x5x32x128xi32, #tpu.memory_space<hbm>> -> memref<1x1x32x128xi32, #tpu.memory_space<hbm>>
        %dma_wait3A_34 = tpu.memref_squeeze %dma_wait3A_33 : memref<1x1x32x128xi32, #tpu.memory_space<hbm>> -> memref<32x128xi32, #tpu.memory_space<hbm>>
        %dma_wait3A_35 = arith.constant 0 : i32
        %dma_wait3A_36 = arith.constant 0 : i32
        %dma_wait3A_37 = tpu.memref_slice %arg4[%arg1, %scan3A_12, %dma_wait3A_35, %dma_wait3A_36] : memref<16x5x32x128xi32, #tpu.memory_space<hbm>> -> memref<1x1x32x128xi32, #tpu.memory_space<hbm>>
        %dma_wait3A_38 = tpu.memref_squeeze %dma_wait3A_37 : memref<1x1x32x128xi32, #tpu.memory_space<hbm>> -> memref<32x128xi32, #tpu.memory_space<hbm>>
        tpu.wait_dma2 semaphore(%run_scoped3A : memref<!tpu.dma_semaphore, #tpu.memory_space<semaphore_mem>>) src(%dma_wait3A_38 : memref<32x128xi32, #tpu.memory_space<hbm>>) dst(%arg7 : memref<32x128xi32, #tpu.memory_space<vmem>>)
        tpu.yield
      }) : () -> ()
      %dma_start3A = arith.constant 0 : i32
      %dma_start3A_13 = arith.constant 0 : i32
      %dma_start3A_14 = tpu.memref_slice %arg6[%dma_start3A, %dma_start3A_13] : memref<32x128xi32, #tpu.memory_space<vmem>> -> memref<1x128xi32, #tpu.memory_space<vmem>>
      %dma_start3A_15 = tpu.memref_squeeze %dma_start3A_14 : memref<1x128xi32, #tpu.memory_space<vmem>> -> memref<128xi32, #tpu.memory_space<vmem>>
      %dma_start3A_16 = arith.constant 0 : i32
      %dma_start3A_17 = arith.constant 0 : i32
      %dma_start3A_18 = tpu.memref_slice %arg2[%dma_start3A_16, %dma_start3A_17] : memref<20480x128xf32, #tpu.memory_space<hbm>> -> memref<20480x128xf32, #tpu.memory_space<hbm>>
      tpu.enqueue_indirect_dma source(%dma_start3A_18 : memref<20480x128xf32, #tpu.memory_space<hbm>>) target(%arg8 : memref<128x128xf32, #tpu.memory_space<vmem>>) offsets(%dma_start3A_15 : memref<128xi32, #tpu.memory_space<vmem>>) semaphore(%arg11 : memref<!tpu.dma_semaphore, #tpu.memory_space<semaphore_mem>>)
      %scan3A_19 = arith.constant 0 : i32
      %scan3A_20 = arith.constant 16 : i32
      %scan3A_21 = arith.addi %scan3A_19, %scan3A_20 : i32
      %scan3A_22 = arith.constant 1 : i32
      scf.for %scan3A_24 = %scan3A_19 to %scan3A_21 step %scan3A_22  : i32 {
        %mul3A_25 = arith.constant 2 : i32
        %mul3A_26 = arith.muli %mul3A_25, %scan3A_24 : i32
        %add3A_27 = arith.constant 1 : i32
        %add3A_28 = arith.addi %mul3A_26, %add3A_27 : i32
        %dma_start3A_29 = arith.constant 0 : i32
        %dma_start3A_30 = tpu.memref_slice %arg6[%add3A_28, %dma_start3A_29] : memref<32x128xi32, #tpu.memory_space<vmem>> -> memref<1x128xi32, #tpu.memory_space<vmem>>
        %dma_start3A_31 = tpu.memref_squeeze %dma_start3A_30 : memref<1x128xi32, #tpu.memory_space<vmem>> -> memref<128xi32, #tpu.memory_space<vmem>>
        %dma_start3A_32 = arith.constant 0 : i32
        %dma_start3A_33 = arith.constant 0 : i32
        %dma_start3A_34 = tpu.memref_slice %arg2[%dma_start3A_32, %dma_start3A_33] : memref<20480x128xf32, #tpu.memory_space<hbm>> -> memref<20480x128xf32, #tpu.memory_space<hbm>>
        tpu.enqueue_indirect_dma source(%dma_start3A_34 : memref<20480x128xf32, #tpu.memory_space<hbm>>) target(%arg9 : memref<128x128xf32, #tpu.memory_space<vmem>>) offsets(%dma_start3A_31 : memref<128xi32, #tpu.memory_space<vmem>>) semaphore(%arg12 : memref<!tpu.dma_semaphore, #tpu.memory_space<semaphore_mem>>)
        %dma_wait3A = arith.constant 0 : i32
        %dma_wait3A_35 = tpu.memref_slice %arg6[%mul3A_26, %dma_wait3A] : memref<32x128xi32, #tpu.memory_space<vmem>> -> memref<1x128xi32, #tpu.memory_space<vmem>>
        %dma_wait3A_36 = tpu.memref_squeeze %dma_wait3A_35 : memref<1x128xi32, #tpu.memory_space<vmem>> -> memref<128xi32, #tpu.memory_space<vmem>>
        %dma_wait3A_37 = arith.constant 0 : i32
        %dma_wait3A_38 = arith.constant 0 : i32
        %dma_wait3A_39 = tpu.memref_slice %arg2[%dma_wait3A_37, %dma_wait3A_38] : memref<20480x128xf32, #tpu.memory_space<hbm>> -> memref<20480x128xf32, #tpu.memory_space<hbm>>
        tpu.wait_indirect_dma semaphore(%arg11 : memref<!tpu.dma_semaphore, #tpu.memory_space<semaphore_mem>>) src(%dma_wait3A_39 : memref<20480x128xf32, #tpu.memory_space<hbm>>) dst(%arg8 : memref<128x128xf32, #tpu.memory_space<vmem>>)
        "tpu.region"() ({
          %run_scoped3A = tpu.sem_alloc : memref<!tpu.dma_semaphore, #tpu.memory_space<semaphore_mem>>
          %dma_start3A_50 = arith.constant 0 : i32
          %dma_start3A_51 = tpu.memref_slice %arg7[%mul3A_26, %dma_start3A_50] : memref<32x128xi32, #tpu.memory_space<vmem>> -> memref<1x128xi32, #tpu.memory_space<vmem>>
          %dma_start3A_52 = tpu.memref_squeeze %dma_start3A_51 : memref<1x128xi32, #tpu.memory_space<vmem>> -> memref<128xi32, #tpu.memory_space<vmem>>
          %dma_start3A_53 = arith.constant 0 : i32
          %dma_start3A_54 = arith.constant 0 : i32
          %dma_start3A_55 = tpu.memref_slice %arg10[%dma_start3A_53, %dma_start3A_54] : memref<10240x128xf32, #tpu.memory_space<vmem_shared>> -> memref<10240x128xf32, #tpu.memory_space<vmem_shared>>
          tpu.enqueue_indirect_dma source(%arg8 : memref<128x128xf32, #tpu.memory_space<vmem>>) target(%dma_start3A_55 : memref<10240x128xf32, #tpu.memory_space<vmem_shared>>) offsets(%dma_start3A_52 : memref<128xi32, #tpu.memory_space<vmem>>) semaphore(%run_scoped3A : memref<!tpu.dma_semaphore, #tpu.memory_space<semaphore_mem>>) {add = true}
          %dma_wait3A_56 = arith.constant 0 : i32
          %dma_wait3A_57 = tpu.memref_slice %arg7[%mul3A_26, %dma_wait3A_56] : memref<32x128xi32, #tpu.memory_space<vmem>> -> memref<1x128xi32, #tpu.memory_space<vmem>>
          %dma_wait3A_58 = tpu.memref_squeeze %dma_wait3A_57 : memref<1x128xi32, #tpu.memory_space<vmem>> -> memref<128xi32, #tpu.memory_space<vmem>>
          %dma_wait3A_59 = arith.constant 0 : i32
          %dma_wait3A_60 = arith.constant 0 : i32
          %dma_wait3A_61 = tpu.memref_slice %arg10[%dma_wait3A_59, %dma_wait3A_60] : memref<10240x128xf32, #tpu.memory_space<vmem_shared>> -> memref<10240x128xf32, #tpu.memory_space<vmem_shared>>
          tpu.wait_indirect_dma semaphore(%run_scoped3A : memref<!tpu.dma_semaphore, #tpu.memory_space<semaphore_mem>>) src(%arg8 : memref<128x128xf32, #tpu.memory_space<vmem>>) dst(%dma_wait3A_61 : memref<10240x128xf32, #tpu.memory_space<vmem_shared>>)
          tpu.yield
        }) : () -> ()
        %add3A_40 = arith.constant 1 : i32
        %add3A_41 = arith.addi %scan3A_24, %add3A_40 : i32
        %lt3A = arith.constant 16 : i32
        %lt3A_42 = arith.cmpi slt, %add3A_41, %lt3A : i32
        %convert_element_type3A = arith.extui %lt3A_42 : i1 to i32
        %cond3A = arith.constant 0 : i32
        %cond3A_43 = arith.cmpi ne, %convert_element_type3A, %cond3A : i32
        scf.if %cond3A_43 {
          %add3A_50 = arith.constant 2 : i32
          %add3A_51 = arith.addi %mul3A_26, %add3A_50 : i32
          %dma_start3A_52 = arith.constant 0 : i32
          %dma_start3A_53 = tpu.memref_slice %arg6[%add3A_51, %dma_start3A_52] : memref<32x128xi32, #tpu.memory_space<vmem>> -> memref<1x128xi32, #tpu.memory_space<vmem>>
          %dma_start3A_54 = tpu.memref_squeeze %dma_start3A_53 : memref<1x128xi32, #tpu.memory_space<vmem>> -> memref<128xi32, #tpu.memory_space<vmem>>
          %dma_start3A_55 = arith.constant 0 : i32
          %dma_start3A_56 = arith.constant 0 : i32
          %dma_start3A_57 = tpu.memref_slice %arg2[%dma_start3A_55, %dma_start3A_56] : memref<20480x128xf32, #tpu.memory_space<hbm>> -> memref<20480x128xf32, #tpu.memory_space<hbm>>
          tpu.enqueue_indirect_dma source(%dma_start3A_57 : memref<20480x128xf32, #tpu.memory_space<hbm>>) target(%arg8 : memref<128x128xf32, #tpu.memory_space<vmem>>) offsets(%dma_start3A_54 : memref<128xi32, #tpu.memory_space<vmem>>) semaphore(%arg11 : memref<!tpu.dma_semaphore, #tpu.memory_space<semaphore_mem>>)
        } else {
        }
        %dma_wait3A_44 = arith.constant 0 : i32
        %dma_wait3A_45 = tpu.memref_slice %arg6[%add3A_28, %dma_wait3A_44] : memref<32x128xi32, #tpu.memory_space<vmem>> -> memref<1x128xi32, #tpu.memory_space<vmem>>
        %dma_wait3A_46 = tpu.memref_squeeze %dma_wait3A_45 : memref<1x128xi32, #tpu.memory_space<vmem>> -> memref<128xi32, #tpu.memory_space<vmem>>
        %dma_wait3A_47 = arith.constant 0 : i32
        %dma_wait3A_48 = arith.constant 0 : i32
        %dma_wait3A_49 = tpu.memref_slice %arg2[%dma_wait3A_47, %dma_wait3A_48] : memref<20480x128xf32, #tpu.memory_space<hbm>> -> memref<20480x128xf32, #tpu.memory_space<hbm>>
        tpu.wait_indirect_dma semaphore(%arg12 : memref<!tpu.dma_semaphore, #tpu.memory_space<semaphore_mem>>) src(%dma_wait3A_49 : memref<20480x128xf32, #tpu.memory_space<hbm>>) dst(%arg9 : memref<128x128xf32, #tpu.memory_space<vmem>>)
        "tpu.region"() ({
          %run_scoped3A = tpu.sem_alloc : memref<!tpu.dma_semaphore, #tpu.memory_space<semaphore_mem>>
          %dma_start3A_50 = arith.constant 0 : i32
          %dma_start3A_51 = tpu.memref_slice %arg7[%add3A_28, %dma_start3A_50] : memref<32x128xi32, #tpu.memory_space<vmem>> -> memref<1x128xi32, #tpu.memory_space<vmem>>
          %dma_start3A_52 = tpu.memref_squeeze %dma_start3A_51 : memref<1x128xi32, #tpu.memory_space<vmem>> -> memref<128xi32, #tpu.memory_space<vmem>>
          %dma_start3A_53 = arith.constant 0 : i32
          %dma_start3A_54 = arith.constant 0 : i32
          %dma_start3A_55 = tpu.memref_slice %arg10[%dma_start3A_53, %dma_start3A_54] : memref<10240x128xf32, #tpu.memory_space<vmem_shared>> -> memref<10240x128xf32, #tpu.memory_space<vmem_shared>>
          tpu.enqueue_indirect_dma source(%arg9 : memref<128x128xf32, #tpu.memory_space<vmem>>) target(%dma_start3A_55 : memref<10240x128xf32, #tpu.memory_space<vmem_shared>>) offsets(%dma_start3A_52 : memref<128xi32, #tpu.memory_space<vmem>>) semaphore(%run_scoped3A : memref<!tpu.dma_semaphore, #tpu.memory_space<semaphore_mem>>) {add = true}
          %dma_wait3A_56 = arith.constant 0 : i32
          %dma_wait3A_57 = tpu.memref_slice %arg7[%add3A_28, %dma_wait3A_56] : memref<32x128xi32, #tpu.memory_space<vmem>> -> memref<1x128xi32, #tpu.memory_space<vmem>>
          %dma_wait3A_58 = tpu.memref_squeeze %dma_wait3A_57 : memref<1x128xi32, #tpu.memory_space<vmem>> -> memref<128xi32, #tpu.memory_space<vmem>>
          %dma_wait3A_59 = arith.constant 0 : i32
          %dma_wait3A_60 = arith.constant 0 : i32
          %dma_wait3A_61 = tpu.memref_slice %arg10[%dma_wait3A_59, %dma_wait3A_60] : memref<10240x128xf32, #tpu.memory_space<vmem_shared>> -> memref<10240x128xf32, #tpu.memory_space<vmem_shared>>
          tpu.wait_indirect_dma semaphore(%run_scoped3A : memref<!tpu.dma_semaphore, #tpu.memory_space<semaphore_mem>>) src(%arg9 : memref<128x128xf32, #tpu.memory_space<vmem>>) dst(%dma_wait3A_61 : memref<10240x128xf32, #tpu.memory_space<vmem_shared>>)
          tpu.yield
        }) : () -> ()
      }
      %scan3A_23 = arith.constant 16 : i32
    }
    %scan3A_10 = arith.constant 5 : i32
    %barrier3A_11 = arith.constant 0 : index
    tpu.barrier barrier_id(%barrier3A_11)
    "tpu.region"() ({
      %run_scoped3A = tpu.sem_alloc : memref<!tpu.dma_semaphore, #tpu.memory_space<semaphore_mem>>
      %dma_start3A = arith.constant 0 : i32
      %dma_start3A_12 = tpu.memref_slice %arg5[%multiple_of3A, %dma_start3A] : memref<20480x128xf32, #tpu.memory_space<hbm>> -> memref<640x128xf32, #tpu.memory_space<hbm>>
      %dma_start3A_13 = arith.constant 0 : i32
      %dma_start3A_14 = tpu.memref_slice %arg10[%multiple_of3A_5, %dma_start3A_13] : memref<10240x128xf32, #tpu.memory_space<vmem_shared>> -> memref<640x128xf32, #tpu.memory_space<vmem_shared>>
      tpu.enqueue_dma source(%dma_start3A_14 : memref<640x128xf32, #tpu.memory_space<vmem_shared>>) target(%dma_start3A_12 : memref<640x128xf32, #tpu.memory_space<hbm>>) target_semaphore(%run_scoped3A : memref<!tpu.dma_semaphore, #tpu.memory_space<semaphore_mem>>)
      %dma_wait3A = arith.constant 0 : i32
      %dma_wait3A_15 = tpu.memref_slice %arg5[%multiple_of3A, %dma_wait3A] : memref<20480x128xf32, #tpu.memory_space<hbm>> -> memref<640x128xf32, #tpu.memory_space<hbm>>
      %dma_wait3A_16 = arith.constant 0 : i32
      %dma_wait3A_17 = tpu.memref_slice %arg10[%multiple_of3A_5, %dma_wait3A_16] : memref<10240x128xf32, #tpu.memory_space<vmem_shared>> -> memref<640x128xf32, #tpu.memory_space<vmem_shared>>
      tpu.wait_dma2 semaphore(%run_scoped3A : memref<!tpu.dma_semaphore, #tpu.memory_space<semaphore_mem>>) src(%dma_wait3A_17 : memref<640x128xf32, #tpu.memory_space<vmem_shared>>) dst(%dma_wait3A_15 : memref<640x128xf32, #tpu.memory_space<hbm>>)
      tpu.yield
    }) : () -> ()
    return
  }
}

#map = affine_map<(d0, d1) -> (0, 0, 0)>
#map1 = affine_map<(d0, d1) -> (0, 0)>
module attributes {stable_mosaic.version = 14 : i64} {
  func.func @_deg_kernel(%arg0: i32, %arg1: i32, %arg2: memref<32x80x128xi32, #tpu.memory_space<hbm>>, %arg3: memref<20480x128xf32, #tpu.memory_space<hbm>>, %arg4: memref<128x128xf32, #tpu.memory_space<hbm>>, %arg5: memref<20480x128xf32, #tpu.memory_space<hbm>>, %arg6: memref<80x128xi32, #tpu.memory_space<vmem>>, %arg7: memref<128x128xf32, #tpu.memory_space<vmem>>, %arg8: memref<10240x128xf32, #tpu.memory_space<vmem_shared>>, %arg9: memref<!tpu.dma_semaphore, #tpu.memory_space<semaphore_mem>>) attributes {dimension_semantics = [#tpu.dimension_semantics<core_parallel>, #tpu.dimension_semantics<subcore_parallel>], iteration_bounds = array<i64: 2, 16>, scalar_prefetch = 0 : i64, scratch_operands = 4 : i64, tpu.core_type = #tpu.core_type<sc_vector_subcore>, window_params = [{transform_indices = #map}, {transform_indices = #map1}, {transform_indices = #map1}, {transform_indices = #map1}]} {
    %mul3A = arith.constant 16 : i32
    %mul3A_0 = arith.muli %arg0, %mul3A : i32
    %add3A = arith.addi %mul3A_0, %arg1 : i32
    "tpu.region"() ({
      %run_scoped3A = tpu.sem_alloc : memref<!tpu.dma_semaphore, #tpu.memory_space<semaphore_mem>>
      %dma_start3A = arith.constant 0 : i32
      %dma_start3A_15 = arith.constant 0 : i32
      %dma_start3A_16 = tpu.memref_slice %arg2[%add3A, %dma_start3A, %dma_start3A_15] : memref<32x80x128xi32, #tpu.memory_space<hbm>> -> memref<1x80x128xi32, #tpu.memory_space<hbm>>
      %dma_start3A_17 = tpu.memref_squeeze %dma_start3A_16 : memref<1x80x128xi32, #tpu.memory_space<hbm>> -> memref<80x128xi32, #tpu.memory_space<hbm>>
      %dma_start3A_18 = arith.constant 0 : i32
      %dma_start3A_19 = arith.constant 0 : i32
      %dma_start3A_20 = tpu.memref_slice %arg2[%add3A, %dma_start3A_18, %dma_start3A_19] : memref<32x80x128xi32, #tpu.memory_space<hbm>> -> memref<1x80x128xi32, #tpu.memory_space<hbm>>
      %dma_start3A_21 = tpu.memref_squeeze %dma_start3A_20 : memref<1x80x128xi32, #tpu.memory_space<hbm>> -> memref<80x128xi32, #tpu.memory_space<hbm>>
      tpu.enqueue_dma source(%dma_start3A_21 : memref<80x128xi32, #tpu.memory_space<hbm>>) target(%arg6 : memref<80x128xi32, #tpu.memory_space<vmem>>) target_semaphore(%run_scoped3A : memref<!tpu.dma_semaphore, #tpu.memory_space<semaphore_mem>>)
      %dma_wait3A = arith.constant 0 : i32
      %dma_wait3A_22 = arith.constant 0 : i32
      %dma_wait3A_23 = tpu.memref_slice %arg2[%add3A, %dma_wait3A, %dma_wait3A_22] : memref<32x80x128xi32, #tpu.memory_space<hbm>> -> memref<1x80x128xi32, #tpu.memory_space<hbm>>
      %dma_wait3A_24 = tpu.memref_squeeze %dma_wait3A_23 : memref<1x80x128xi32, #tpu.memory_space<hbm>> -> memref<80x128xi32, #tpu.memory_space<hbm>>
      %dma_wait3A_25 = arith.constant 0 : i32
      %dma_wait3A_26 = arith.constant 0 : i32
      %dma_wait3A_27 = tpu.memref_slice %arg2[%add3A, %dma_wait3A_25, %dma_wait3A_26] : memref<32x80x128xi32, #tpu.memory_space<hbm>> -> memref<1x80x128xi32, #tpu.memory_space<hbm>>
      %dma_wait3A_28 = tpu.memref_squeeze %dma_wait3A_27 : memref<1x80x128xi32, #tpu.memory_space<hbm>> -> memref<80x128xi32, #tpu.memory_space<hbm>>
      tpu.wait_dma2 semaphore(%run_scoped3A : memref<!tpu.dma_semaphore, #tpu.memory_space<semaphore_mem>>) src(%dma_wait3A_28 : memref<80x128xi32, #tpu.memory_space<hbm>>) dst(%arg6 : memref<80x128xi32, #tpu.memory_space<vmem>>)
      tpu.yield
    }) : () -> ()
    "tpu.region"() ({
      %run_scoped3A = tpu.sem_alloc : memref<!tpu.dma_semaphore, #tpu.memory_space<semaphore_mem>>
      tpu.enqueue_dma source(%arg4 : memref<128x128xf32, #tpu.memory_space<hbm>>) target(%arg7 : memref<128x128xf32, #tpu.memory_space<vmem>>) target_semaphore(%run_scoped3A : memref<!tpu.dma_semaphore, #tpu.memory_space<semaphore_mem>>)
      tpu.wait_dma2 semaphore(%run_scoped3A : memref<!tpu.dma_semaphore, #tpu.memory_space<semaphore_mem>>) src(%arg4 : memref<128x128xf32, #tpu.memory_space<hbm>>) dst(%arg7 : memref<128x128xf32, #tpu.memory_space<vmem>>)
      tpu.yield
    }) : () -> ()
    %mul3A_1 = arith.constant 10240 : i32
    %mul3A_2 = arith.muli %arg0, %mul3A_1 : i32
    %mul3A_3 = arith.constant 640 : i32
    %mul3A_4 = arith.muli %arg1, %mul3A_3 : i32
    %add3A_5 = arith.addi %mul3A_2, %mul3A_4 : i32
    %multiple_of3A = tpu.assume_multiple %add3A_5, 8 : i32
    %mul3A_6 = arith.constant 640 : i32
    %mul3A_7 = arith.muli %arg1, %mul3A_6 : i32
    %multiple_of3A_8 = tpu.assume_multiple %mul3A_7, 8 : i32
    "tpu.region"() ({
      %run_scoped3A = tpu.sem_alloc : memref<!tpu.dma_semaphore, #tpu.memory_space<semaphore_mem>>
      %dma_start3A = arith.constant 0 : i32
      %dma_start3A_15 = tpu.memref_slice %arg8[%multiple_of3A_8, %dma_start3A] : memref<10240x128xf32, #tpu.memory_space<vmem_shared>> -> memref<640x128xf32, #tpu.memory_space<vmem_shared>>
      %dma_start3A_16 = arith.constant 0 : i32
      %dma_start3A_17 = tpu.memref_slice %arg3[%multiple_of3A, %dma_start3A_16] : memref<20480x128xf32, #tpu.memory_space<hbm>> -> memref<640x128xf32, #tpu.memory_space<hbm>>
      tpu.enqueue_dma source(%dma_start3A_17 : memref<640x128xf32, #tpu.memory_space<hbm>>) target(%dma_start3A_15 : memref<640x128xf32, #tpu.memory_space<vmem_shared>>) target_semaphore(%run_scoped3A : memref<!tpu.dma_semaphore, #tpu.memory_space<semaphore_mem>>)
      %dma_wait3A = arith.constant 0 : i32
      %dma_wait3A_18 = tpu.memref_slice %arg8[%multiple_of3A_8, %dma_wait3A] : memref<10240x128xf32, #tpu.memory_space<vmem_shared>> -> memref<640x128xf32, #tpu.memory_space<vmem_shared>>
      %dma_wait3A_19 = arith.constant 0 : i32
      %dma_wait3A_20 = tpu.memref_slice %arg3[%multiple_of3A, %dma_wait3A_19] : memref<20480x128xf32, #tpu.memory_space<hbm>> -> memref<640x128xf32, #tpu.memory_space<hbm>>
      tpu.wait_dma2 semaphore(%run_scoped3A : memref<!tpu.dma_semaphore, #tpu.memory_space<semaphore_mem>>) src(%dma_wait3A_20 : memref<640x128xf32, #tpu.memory_space<hbm>>) dst(%dma_wait3A_18 : memref<640x128xf32, #tpu.memory_space<vmem_shared>>)
      tpu.yield
    }) : () -> ()
    %barrier3A = arith.constant 0 : index
    tpu.barrier barrier_id(%barrier3A)
    %scan3A = arith.constant 0 : i32
    %scan3A_9 = arith.constant 0 : i32
    %scan3A_10 = arith.constant 80 : i32
    %scan3A_11 = arith.addi %scan3A_9, %scan3A_10 : i32
    %scan3A_12 = arith.constant 1 : i32
    scf.for %scan3A_15 = %scan3A_9 to %scan3A_11 step %scan3A_12  : i32 {
      "tpu.region"() ({
        %run_scoped3A = tpu.sem_alloc : memref<!tpu.dma_semaphore, #tpu.memory_space<semaphore_mem>>
        %dma_start3A = arith.constant 0 : i32
        %dma_start3A_16 = tpu.memref_slice %arg6[%scan3A_15, %dma_start3A] : memref<80x128xi32, #tpu.memory_space<vmem>> -> memref<1x128xi32, #tpu.memory_space<vmem>>
        %dma_start3A_17 = tpu.memref_squeeze %dma_start3A_16 : memref<1x128xi32, #tpu.memory_space<vmem>> -> memref<128xi32, #tpu.memory_space<vmem>>
        %dma_start3A_18 = arith.constant 0 : i32
        %dma_start3A_19 = arith.constant 0 : i32
        %dma_start3A_20 = tpu.memref_slice %arg8[%dma_start3A_18, %dma_start3A_19] : memref<10240x128xf32, #tpu.memory_space<vmem_shared>> -> memref<10240x128xf32, #tpu.memory_space<vmem_shared>>
        tpu.enqueue_indirect_dma source(%arg7 : memref<128x128xf32, #tpu.memory_space<vmem>>) target(%dma_start3A_20 : memref<10240x128xf32, #tpu.memory_space<vmem_shared>>) offsets(%dma_start3A_17 : memref<128xi32, #tpu.memory_space<vmem>>) semaphore(%run_scoped3A : memref<!tpu.dma_semaphore, #tpu.memory_space<semaphore_mem>>) {add = true}
        %dma_wait3A = arith.constant 0 : i32
        %dma_wait3A_21 = tpu.memref_slice %arg6[%scan3A_15, %dma_wait3A] : memref<80x128xi32, #tpu.memory_space<vmem>> -> memref<1x128xi32, #tpu.memory_space<vmem>>
        %dma_wait3A_22 = tpu.memref_squeeze %dma_wait3A_21 : memref<1x128xi32, #tpu.memory_space<vmem>> -> memref<128xi32, #tpu.memory_space<vmem>>
        %dma_wait3A_23 = arith.constant 0 : i32
        %dma_wait3A_24 = arith.constant 0 : i32
        %dma_wait3A_25 = tpu.memref_slice %arg8[%dma_wait3A_23, %dma_wait3A_24] : memref<10240x128xf32, #tpu.memory_space<vmem_shared>> -> memref<10240x128xf32, #tpu.memory_space<vmem_shared>>
        tpu.wait_indirect_dma semaphore(%run_scoped3A : memref<!tpu.dma_semaphore, #tpu.memory_space<semaphore_mem>>) src(%arg7 : memref<128x128xf32, #tpu.memory_space<vmem>>) dst(%dma_wait3A_25 : memref<10240x128xf32, #tpu.memory_space<vmem_shared>>)
        tpu.yield
      }) : () -> ()
    }
    %scan3A_13 = arith.constant 80 : i32
    %barrier3A_14 = arith.constant 0 : index
    tpu.barrier barrier_id(%barrier3A_14)
    "tpu.region"() ({
      %run_scoped3A = tpu.sem_alloc : memref<!tpu.dma_semaphore, #tpu.memory_space<semaphore_mem>>
      %dma_start3A = arith.constant 0 : i32
      %dma_start3A_15 = tpu.memref_slice %arg5[%multiple_of3A, %dma_start3A] : memref<20480x128xf32, #tpu.memory_space<hbm>> -> memref<640x128xf32, #tpu.memory_space<hbm>>
      %dma_start3A_16 = arith.constant 0 : i32
      %dma_start3A_17 = tpu.memref_slice %arg8[%multiple_of3A_8, %dma_start3A_16] : memref<10240x128xf32, #tpu.memory_space<vmem_shared>> -> memref<640x128xf32, #tpu.memory_space<vmem_shared>>
      tpu.enqueue_dma source(%dma_start3A_17 : memref<640x128xf32, #tpu.memory_space<vmem_shared>>) target(%dma_start3A_15 : memref<640x128xf32, #tpu.memory_space<hbm>>) target_semaphore(%run_scoped3A : memref<!tpu.dma_semaphore, #tpu.memory_space<semaphore_mem>>)
      %dma_wait3A = arith.constant 0 : i32
      %dma_wait3A_18 = tpu.memref_slice %arg5[%multiple_of3A, %dma_wait3A] : memref<20480x128xf32, #tpu.memory_space<hbm>> -> memref<640x128xf32, #tpu.memory_space<hbm>>
      %dma_wait3A_19 = arith.constant 0 : i32
      %dma_wait3A_20 = tpu.memref_slice %arg8[%multiple_of3A_8, %dma_wait3A_19] : memref<10240x128xf32, #tpu.memory_space<vmem_shared>> -> memref<640x128xf32, #tpu.memory_space<vmem_shared>>
      tpu.wait_dma2 semaphore(%run_scoped3A : memref<!tpu.dma_semaphore, #tpu.memory_space<semaphore_mem>>) src(%dma_wait3A_20 : memref<640x128xf32, #tpu.memory_space<vmem_shared>>) dst(%dma_wait3A_18 : memref<640x128xf32, #tpu.memory_space<hbm>>)
      tpu.yield
    }) : () -> ()
    return
  }
}

#map = affine_map<(d0, d1) -> (0, 0)>
#map1 = affine_map<(d0, d1) -> (0, 0, 0, 0, 0)>
#map2 = affine_map<(d0, d1) -> (0, 0, 0, 0)>
module attributes {stable_mosaic.version = 14 : i64} {
  func.func @_agg_kernel(%arg0: i32, %arg1: i32, %arg2: memref<20480x128xf32, #tpu.memory_space<hbm>>, %arg3: memref<2x16x5x32x128xi32, #tpu.memory_space<hbm>>, %arg4: memref<16x5x32x128xi32, #tpu.memory_space<hbm>>, %arg5: memref<20480x128xf32, #tpu.memory_space<hbm>>, %arg6: memref<32x128xi32, #tpu.memory_space<vmem>>, %arg7: memref<32x128xi32, #tpu.memory_space<vmem>>, %arg8: memref<128x128xf32, #tpu.memory_space<vmem>>, %arg9: memref<128x128xf32, #tpu.memory_space<vmem>>, %arg10: memref<10240x128xf32, #tpu.memory_space<vmem_shared>>, %arg11: memref<!tpu.dma_semaphore, #tpu.memory_space<semaphore_mem>>, %arg12: memref<!tpu.dma_semaphore, #tpu.memory_space<semaphore_mem>>) attributes {dimension_semantics = [#tpu.dimension_semantics<core_parallel>, #tpu.dimension_semantics<subcore_parallel>], iteration_bounds = array<i64: 2, 16>, scalar_prefetch = 0 : i64, scratch_operands = 7 : i64, tpu.core_type = #tpu.core_type<sc_vector_subcore>, window_params = [{transform_indices = #map}, {transform_indices = #map1}, {transform_indices = #map2}, {transform_indices = #map}]} {
    %mul3A = arith.constant 10240 : i32
    %mul3A_0 = arith.muli %arg0, %mul3A : i32
    %mul3A_1 = arith.constant 640 : i32
    %mul3A_2 = arith.muli %arg1, %mul3A_1 : i32
    %add3A = arith.addi %mul3A_0, %mul3A_2 : i32
    %multiple_of3A = tpu.assume_multiple %add3A, 8 : i32
    %mul3A_3 = arith.constant 640 : i32
    %mul3A_4 = arith.muli %arg1, %mul3A_3 : i32
    %multiple_of3A_5 = tpu.assume_multiple %mul3A_4, 8 : i32
    "tpu.region"() ({
      %run_scoped3A = tpu.sem_alloc : memref<!tpu.dma_semaphore, #tpu.memory_space<semaphore_mem>>
      %dma_start3A = arith.constant 0 : i32
      %dma_start3A_12 = tpu.memref_slice %arg10[%multiple_of3A_5, %dma_start3A] : memref<10240x128xf32, #tpu.memory_space<vmem_shared>> -> memref<640x128xf32, #tpu.memory_space<vmem_shared>>
      %dma_start3A_13 = arith.constant 0 : i32
      %dma_start3A_14 = tpu.memref_slice %arg2[%multiple_of3A, %dma_start3A_13] : memref<20480x128xf32, #tpu.memory_space<hbm>> -> memref<640x128xf32, #tpu.memory_space<hbm>>
      tpu.enqueue_dma source(%dma_start3A_14 : memref<640x128xf32, #tpu.memory_space<hbm>>) target(%dma_start3A_12 : memref<640x128xf32, #tpu.memory_space<vmem_shared>>) target_semaphore(%run_scoped3A : memref<!tpu.dma_semaphore, #tpu.memory_space<semaphore_mem>>)
      %dma_wait3A = arith.constant 0 : i32
      %dma_wait3A_15 = tpu.memref_slice %arg10[%multiple_of3A_5, %dma_wait3A] : memref<10240x128xf32, #tpu.memory_space<vmem_shared>> -> memref<640x128xf32, #tpu.memory_space<vmem_shared>>
      %dma_wait3A_16 = arith.constant 0 : i32
      %dma_wait3A_17 = tpu.memref_slice %arg2[%multiple_of3A, %dma_wait3A_16] : memref<20480x128xf32, #tpu.memory_space<hbm>> -> memref<640x128xf32, #tpu.memory_space<hbm>>
      tpu.wait_dma2 semaphore(%run_scoped3A : memref<!tpu.dma_semaphore, #tpu.memory_space<semaphore_mem>>) src(%dma_wait3A_17 : memref<640x128xf32, #tpu.memory_space<hbm>>) dst(%dma_wait3A_15 : memref<640x128xf32, #tpu.memory_space<vmem_shared>>)
      tpu.yield
    }) : () -> ()
    %barrier3A = arith.constant 0 : index
    tpu.barrier barrier_id(%barrier3A)
    %scan3A = arith.constant 0 : i32
    %scan3A_6 = arith.constant 0 : i32
    %scan3A_7 = arith.constant 5 : i32
    %scan3A_8 = arith.addi %scan3A_6, %scan3A_7 : i32
    %scan3A_9 = arith.constant 1 : i32
    scf.for %scan3A_12 = %scan3A_6 to %scan3A_8 step %scan3A_9  : i32 {
      "tpu.region"() ({
        %run_scoped3A = tpu.sem_alloc : memref<!tpu.dma_semaphore, #tpu.memory_space<semaphore_mem>>
        %dma_start3A_24 = arith.constant 0 : i32
        %dma_start3A_25 = arith.constant 0 : i32
        %dma_start3A_26 = tpu.memref_slice %arg3[%arg0, %arg1, %scan3A_12, %dma_start3A_24, %dma_start3A_25] : memref<2x16x5x32x128xi32, #tpu.memory_space<hbm>> -> memref<1x1x1x32x128xi32, #tpu.memory_space<hbm>>
        %dma_start3A_27 = tpu.memref_squeeze %dma_start3A_26 : memref<1x1x1x32x128xi32, #tpu.memory_space<hbm>> -> memref<32x128xi32, #tpu.memory_space<hbm>>
        %dma_start3A_28 = arith.constant 0 : i32
        %dma_start3A_29 = arith.constant 0 : i32
        %dma_start3A_30 = tpu.memref_slice %arg3[%arg0, %arg1, %scan3A_12, %dma_start3A_28, %dma_start3A_29] : memref<2x16x5x32x128xi32, #tpu.memory_space<hbm>> -> memref<1x1x1x32x128xi32, #tpu.memory_space<hbm>>
        %dma_start3A_31 = tpu.memref_squeeze %dma_start3A_30 : memref<1x1x1x32x128xi32, #tpu.memory_space<hbm>> -> memref<32x128xi32, #tpu.memory_space<hbm>>
        tpu.enqueue_dma source(%dma_start3A_31 : memref<32x128xi32, #tpu.memory_space<hbm>>) target(%arg6 : memref<32x128xi32, #tpu.memory_space<vmem>>) target_semaphore(%run_scoped3A : memref<!tpu.dma_semaphore, #tpu.memory_space<semaphore_mem>>)
        %dma_wait3A = arith.constant 0 : i32
        %dma_wait3A_32 = arith.constant 0 : i32
        %dma_wait3A_33 = tpu.memref_slice %arg3[%arg0, %arg1, %scan3A_12, %dma_wait3A, %dma_wait3A_32] : memref<2x16x5x32x128xi32, #tpu.memory_space<hbm>> -> memref<1x1x1x32x128xi32, #tpu.memory_space<hbm>>
        %dma_wait3A_34 = tpu.memref_squeeze %dma_wait3A_33 : memref<1x1x1x32x128xi32, #tpu.memory_space<hbm>> -> memref<32x128xi32, #tpu.memory_space<hbm>>
        %dma_wait3A_35 = arith.constant 0 : i32
        %dma_wait3A_36 = arith.constant 0 : i32
        %dma_wait3A_37 = tpu.memref_slice %arg3[%arg0, %arg1, %scan3A_12, %dma_wait3A_35, %dma_wait3A_36] : memref<2x16x5x32x128xi32, #tpu.memory_space<hbm>> -> memref<1x1x1x32x128xi32, #tpu.memory_space<hbm>>
        %dma_wait3A_38 = tpu.memref_squeeze %dma_wait3A_37 : memref<1x1x1x32x128xi32, #tpu.memory_space<hbm>> -> memref<32x128xi32, #tpu.memory_space<hbm>>
        tpu.wait_dma2 semaphore(%run_scoped3A : memref<!tpu.dma_semaphore, #tpu.memory_space<semaphore_mem>>) src(%dma_wait3A_38 : memref<32x128xi32, #tpu.memory_space<hbm>>) dst(%arg6 : memref<32x128xi32, #tpu.memory_space<vmem>>)
        tpu.yield
      }) : () -> ()
      "tpu.region"() ({
        %run_scoped3A = tpu.sem_alloc : memref<!tpu.dma_semaphore, #tpu.memory_space<semaphore_mem>>
        %dma_start3A_24 = arith.constant 0 : i32
        %dma_start3A_25 = arith.constant 0 : i32
        %dma_start3A_26 = tpu.memref_slice %arg4[%arg1, %scan3A_12, %dma_start3A_24, %dma_start3A_25] : memref<16x5x32x128xi32, #tpu.memory_space<hbm>> -> memref<1x1x32x128xi32, #tpu.memory_space<hbm>>
        %dma_start3A_27 = tpu.memref_squeeze %dma_start3A_26 : memref<1x1x32x128xi32, #tpu.memory_space<hbm>> -> memref<32x128xi32, #tpu.memory_space<hbm>>
        %dma_start3A_28 = arith.constant 0 : i32
        %dma_start3A_29 = arith.constant 0 : i32
        %dma_start3A_30 = tpu.memref_slice %arg4[%arg1, %scan3A_12, %dma_start3A_28, %dma_start3A_29] : memref<16x5x32x128xi32, #tpu.memory_space<hbm>> -> memref<1x1x32x128xi32, #tpu.memory_space<hbm>>
        %dma_start3A_31 = tpu.memref_squeeze %dma_start3A_30 : memref<1x1x32x128xi32, #tpu.memory_space<hbm>> -> memref<32x128xi32, #tpu.memory_space<hbm>>
        tpu.enqueue_dma source(%dma_start3A_31 : memref<32x128xi32, #tpu.memory_space<hbm>>) target(%arg7 : memref<32x128xi32, #tpu.memory_space<vmem>>) target_semaphore(%run_scoped3A : memref<!tpu.dma_semaphore, #tpu.memory_space<semaphore_mem>>)
        %dma_wait3A = arith.constant 0 : i32
        %dma_wait3A_32 = arith.constant 0 : i32
        %dma_wait3A_33 = tpu.memref_slice %arg4[%arg1, %scan3A_12, %dma_wait3A, %dma_wait3A_32] : memref<16x5x32x128xi32, #tpu.memory_space<hbm>> -> memref<1x1x32x128xi32, #tpu.memory_space<hbm>>
        %dma_wait3A_34 = tpu.memref_squeeze %dma_wait3A_33 : memref<1x1x32x128xi32, #tpu.memory_space<hbm>> -> memref<32x128xi32, #tpu.memory_space<hbm>>
        %dma_wait3A_35 = arith.constant 0 : i32
        %dma_wait3A_36 = arith.constant 0 : i32
        %dma_wait3A_37 = tpu.memref_slice %arg4[%arg1, %scan3A_12, %dma_wait3A_35, %dma_wait3A_36] : memref<16x5x32x128xi32, #tpu.memory_space<hbm>> -> memref<1x1x32x128xi32, #tpu.memory_space<hbm>>
        %dma_wait3A_38 = tpu.memref_squeeze %dma_wait3A_37 : memref<1x1x32x128xi32, #tpu.memory_space<hbm>> -> memref<32x128xi32, #tpu.memory_space<hbm>>
        tpu.wait_dma2 semaphore(%run_scoped3A : memref<!tpu.dma_semaphore, #tpu.memory_space<semaphore_mem>>) src(%dma_wait3A_38 : memref<32x128xi32, #tpu.memory_space<hbm>>) dst(%arg7 : memref<32x128xi32, #tpu.memory_space<vmem>>)
        tpu.yield
      }) : () -> ()
      %dma_start3A = arith.constant 0 : i32
      %dma_start3A_13 = arith.constant 0 : i32
      %dma_start3A_14 = tpu.memref_slice %arg6[%dma_start3A, %dma_start3A_13] : memref<32x128xi32, #tpu.memory_space<vmem>> -> memref<1x128xi32, #tpu.memory_space<vmem>>
      %dma_start3A_15 = tpu.memref_squeeze %dma_start3A_14 : memref<1x128xi32, #tpu.memory_space<vmem>> -> memref<128xi32, #tpu.memory_space<vmem>>
      %dma_start3A_16 = arith.constant 0 : i32
      %dma_start3A_17 = arith.constant 0 : i32
      %dma_start3A_18 = tpu.memref_slice %arg2[%dma_start3A_16, %dma_start3A_17] : memref<20480x128xf32, #tpu.memory_space<hbm>> -> memref<20480x128xf32, #tpu.memory_space<hbm>>
      tpu.enqueue_indirect_dma source(%dma_start3A_18 : memref<20480x128xf32, #tpu.memory_space<hbm>>) target(%arg8 : memref<128x128xf32, #tpu.memory_space<vmem>>) offsets(%dma_start3A_15 : memref<128xi32, #tpu.memory_space<vmem>>) semaphore(%arg11 : memref<!tpu.dma_semaphore, #tpu.memory_space<semaphore_mem>>)
      %scan3A_19 = arith.constant 0 : i32
      %scan3A_20 = arith.constant 16 : i32
      %scan3A_21 = arith.addi %scan3A_19, %scan3A_20 : i32
      %scan3A_22 = arith.constant 1 : i32
      scf.for %scan3A_24 = %scan3A_19 to %scan3A_21 step %scan3A_22  : i32 {
        %mul3A_25 = arith.constant 2 : i32
        %mul3A_26 = arith.muli %mul3A_25, %scan3A_24 : i32
        %add3A_27 = arith.constant 1 : i32
        %add3A_28 = arith.addi %mul3A_26, %add3A_27 : i32
        %dma_start3A_29 = arith.constant 0 : i32
        %dma_start3A_30 = tpu.memref_slice %arg6[%add3A_28, %dma_start3A_29] : memref<32x128xi32, #tpu.memory_space<vmem>> -> memref<1x128xi32, #tpu.memory_space<vmem>>
        %dma_start3A_31 = tpu.memref_squeeze %dma_start3A_30 : memref<1x128xi32, #tpu.memory_space<vmem>> -> memref<128xi32, #tpu.memory_space<vmem>>
        %dma_start3A_32 = arith.constant 0 : i32
        %dma_start3A_33 = arith.constant 0 : i32
        %dma_start3A_34 = tpu.memref_slice %arg2[%dma_start3A_32, %dma_start3A_33] : memref<20480x128xf32, #tpu.memory_space<hbm>> -> memref<20480x128xf32, #tpu.memory_space<hbm>>
        tpu.enqueue_indirect_dma source(%dma_start3A_34 : memref<20480x128xf32, #tpu.memory_space<hbm>>) target(%arg9 : memref<128x128xf32, #tpu.memory_space<vmem>>) offsets(%dma_start3A_31 : memref<128xi32, #tpu.memory_space<vmem>>) semaphore(%arg12 : memref<!tpu.dma_semaphore, #tpu.memory_space<semaphore_mem>>)
        %dma_wait3A = arith.constant 0 : i32
        %dma_wait3A_35 = tpu.memref_slice %arg6[%mul3A_26, %dma_wait3A] : memref<32x128xi32, #tpu.memory_space<vmem>> -> memref<1x128xi32, #tpu.memory_space<vmem>>
        %dma_wait3A_36 = tpu.memref_squeeze %dma_wait3A_35 : memref<1x128xi32, #tpu.memory_space<vmem>> -> memref<128xi32, #tpu.memory_space<vmem>>
        %dma_wait3A_37 = arith.constant 0 : i32
        %dma_wait3A_38 = arith.constant 0 : i32
        %dma_wait3A_39 = tpu.memref_slice %arg2[%dma_wait3A_37, %dma_wait3A_38] : memref<20480x128xf32, #tpu.memory_space<hbm>> -> memref<20480x128xf32, #tpu.memory_space<hbm>>
        tpu.wait_indirect_dma semaphore(%arg11 : memref<!tpu.dma_semaphore, #tpu.memory_space<semaphore_mem>>) src(%dma_wait3A_39 : memref<20480x128xf32, #tpu.memory_space<hbm>>) dst(%arg8 : memref<128x128xf32, #tpu.memory_space<vmem>>)
        "tpu.region"() ({
          %run_scoped3A = tpu.sem_alloc : memref<!tpu.dma_semaphore, #tpu.memory_space<semaphore_mem>>
          %dma_start3A_50 = arith.constant 0 : i32
          %dma_start3A_51 = tpu.memref_slice %arg7[%mul3A_26, %dma_start3A_50] : memref<32x128xi32, #tpu.memory_space<vmem>> -> memref<1x128xi32, #tpu.memory_space<vmem>>
          %dma_start3A_52 = tpu.memref_squeeze %dma_start3A_51 : memref<1x128xi32, #tpu.memory_space<vmem>> -> memref<128xi32, #tpu.memory_space<vmem>>
          %dma_start3A_53 = arith.constant 0 : i32
          %dma_start3A_54 = arith.constant 0 : i32
          %dma_start3A_55 = tpu.memref_slice %arg10[%dma_start3A_53, %dma_start3A_54] : memref<10240x128xf32, #tpu.memory_space<vmem_shared>> -> memref<10240x128xf32, #tpu.memory_space<vmem_shared>>
          tpu.enqueue_indirect_dma source(%arg8 : memref<128x128xf32, #tpu.memory_space<vmem>>) target(%dma_start3A_55 : memref<10240x128xf32, #tpu.memory_space<vmem_shared>>) offsets(%dma_start3A_52 : memref<128xi32, #tpu.memory_space<vmem>>) semaphore(%run_scoped3A : memref<!tpu.dma_semaphore, #tpu.memory_space<semaphore_mem>>) {add = true}
          %dma_wait3A_56 = arith.constant 0 : i32
          %dma_wait3A_57 = tpu.memref_slice %arg7[%mul3A_26, %dma_wait3A_56] : memref<32x128xi32, #tpu.memory_space<vmem>> -> memref<1x128xi32, #tpu.memory_space<vmem>>
          %dma_wait3A_58 = tpu.memref_squeeze %dma_wait3A_57 : memref<1x128xi32, #tpu.memory_space<vmem>> -> memref<128xi32, #tpu.memory_space<vmem>>
          %dma_wait3A_59 = arith.constant 0 : i32
          %dma_wait3A_60 = arith.constant 0 : i32
          %dma_wait3A_61 = tpu.memref_slice %arg10[%dma_wait3A_59, %dma_wait3A_60] : memref<10240x128xf32, #tpu.memory_space<vmem_shared>> -> memref<10240x128xf32, #tpu.memory_space<vmem_shared>>
          tpu.wait_indirect_dma semaphore(%run_scoped3A : memref<!tpu.dma_semaphore, #tpu.memory_space<semaphore_mem>>) src(%arg8 : memref<128x128xf32, #tpu.memory_space<vmem>>) dst(%dma_wait3A_61 : memref<10240x128xf32, #tpu.memory_space<vmem_shared>>)
          tpu.yield
        }) : () -> ()
        %add3A_40 = arith.constant 1 : i32
        %add3A_41 = arith.addi %scan3A_24, %add3A_40 : i32
        %lt3A = arith.constant 16 : i32
        %lt3A_42 = arith.cmpi slt, %add3A_41, %lt3A : i32
        %convert_element_type3A = arith.extui %lt3A_42 : i1 to i32
        %cond3A = arith.constant 0 : i32
        %cond3A_43 = arith.cmpi ne, %convert_element_type3A, %cond3A : i32
        scf.if %cond3A_43 {
          %add3A_50 = arith.constant 2 : i32
          %add3A_51 = arith.addi %mul3A_26, %add3A_50 : i32
          %dma_start3A_52 = arith.constant 0 : i32
          %dma_start3A_53 = tpu.memref_slice %arg6[%add3A_51, %dma_start3A_52] : memref<32x128xi32, #tpu.memory_space<vmem>> -> memref<1x128xi32, #tpu.memory_space<vmem>>
          %dma_start3A_54 = tpu.memref_squeeze %dma_start3A_53 : memref<1x128xi32, #tpu.memory_space<vmem>> -> memref<128xi32, #tpu.memory_space<vmem>>
          %dma_start3A_55 = arith.constant 0 : i32
          %dma_start3A_56 = arith.constant 0 : i32
          %dma_start3A_57 = tpu.memref_slice %arg2[%dma_start3A_55, %dma_start3A_56] : memref<20480x128xf32, #tpu.memory_space<hbm>> -> memref<20480x128xf32, #tpu.memory_space<hbm>>
          tpu.enqueue_indirect_dma source(%dma_start3A_57 : memref<20480x128xf32, #tpu.memory_space<hbm>>) target(%arg8 : memref<128x128xf32, #tpu.memory_space<vmem>>) offsets(%dma_start3A_54 : memref<128xi32, #tpu.memory_space<vmem>>) semaphore(%arg11 : memref<!tpu.dma_semaphore, #tpu.memory_space<semaphore_mem>>)
        } else {
        }
        %dma_wait3A_44 = arith.constant 0 : i32
        %dma_wait3A_45 = tpu.memref_slice %arg6[%add3A_28, %dma_wait3A_44] : memref<32x128xi32, #tpu.memory_space<vmem>> -> memref<1x128xi32, #tpu.memory_space<vmem>>
        %dma_wait3A_46 = tpu.memref_squeeze %dma_wait3A_45 : memref<1x128xi32, #tpu.memory_space<vmem>> -> memref<128xi32, #tpu.memory_space<vmem>>
        %dma_wait3A_47 = arith.constant 0 : i32
        %dma_wait3A_48 = arith.constant 0 : i32
        %dma_wait3A_49 = tpu.memref_slice %arg2[%dma_wait3A_47, %dma_wait3A_48] : memref<20480x128xf32, #tpu.memory_space<hbm>> -> memref<20480x128xf32, #tpu.memory_space<hbm>>
        tpu.wait_indirect_dma semaphore(%arg12 : memref<!tpu.dma_semaphore, #tpu.memory_space<semaphore_mem>>) src(%dma_wait3A_49 : memref<20480x128xf32, #tpu.memory_space<hbm>>) dst(%arg9 : memref<128x128xf32, #tpu.memory_space<vmem>>)
        "tpu.region"() ({
          %run_scoped3A = tpu.sem_alloc : memref<!tpu.dma_semaphore, #tpu.memory_space<semaphore_mem>>
          %dma_start3A_50 = arith.constant 0 : i32
          %dma_start3A_51 = tpu.memref_slice %arg7[%add3A_28, %dma_start3A_50] : memref<32x128xi32, #tpu.memory_space<vmem>> -> memref<1x128xi32, #tpu.memory_space<vmem>>
          %dma_start3A_52 = tpu.memref_squeeze %dma_start3A_51 : memref<1x128xi32, #tpu.memory_space<vmem>> -> memref<128xi32, #tpu.memory_space<vmem>>
          %dma_start3A_53 = arith.constant 0 : i32
          %dma_start3A_54 = arith.constant 0 : i32
          %dma_start3A_55 = tpu.memref_slice %arg10[%dma_start3A_53, %dma_start3A_54] : memref<10240x128xf32, #tpu.memory_space<vmem_shared>> -> memref<10240x128xf32, #tpu.memory_space<vmem_shared>>
          tpu.enqueue_indirect_dma source(%arg9 : memref<128x128xf32, #tpu.memory_space<vmem>>) target(%dma_start3A_55 : memref<10240x128xf32, #tpu.memory_space<vmem_shared>>) offsets(%dma_start3A_52 : memref<128xi32, #tpu.memory_space<vmem>>) semaphore(%run_scoped3A : memref<!tpu.dma_semaphore, #tpu.memory_space<semaphore_mem>>) {add = true}
          %dma_wait3A_56 = arith.constant 0 : i32
          %dma_wait3A_57 = tpu.memref_slice %arg7[%add3A_28, %dma_wait3A_56] : memref<32x128xi32, #tpu.memory_space<vmem>> -> memref<1x128xi32, #tpu.memory_space<vmem>>
          %dma_wait3A_58 = tpu.memref_squeeze %dma_wait3A_57 : memref<1x128xi32, #tpu.memory_space<vmem>> -> memref<128xi32, #tpu.memory_space<vmem>>
          %dma_wait3A_59 = arith.constant 0 : i32
          %dma_wait3A_60 = arith.constant 0 : i32
          %dma_wait3A_61 = tpu.memref_slice %arg10[%dma_wait3A_59, %dma_wait3A_60] : memref<10240x128xf32, #tpu.memory_space<vmem_shared>> -> memref<10240x128xf32, #tpu.memory_space<vmem_shared>>
          tpu.wait_indirect_dma semaphore(%run_scoped3A : memref<!tpu.dma_semaphore, #tpu.memory_space<semaphore_mem>>) src(%arg9 : memref<128x128xf32, #tpu.memory_space<vmem>>) dst(%dma_wait3A_61 : memref<10240x128xf32, #tpu.memory_space<vmem_shared>>)
          tpu.yield
        }) : () -> ()
      }
      %scan3A_23 = arith.constant 16 : i32
    }
    %scan3A_10 = arith.constant 5 : i32
    %barrier3A_11 = arith.constant 0 : index
    tpu.barrier barrier_id(%barrier3A_11)
    "tpu.region"() ({
      %run_scoped3A = tpu.sem_alloc : memref<!tpu.dma_semaphore, #tpu.memory_space<semaphore_mem>>
      %dma_start3A = arith.constant 0 : i32
      %dma_start3A_12 = tpu.memref_slice %arg5[%multiple_of3A, %dma_start3A] : memref<20480x128xf32, #tpu.memory_space<hbm>> -> memref<640x128xf32, #tpu.memory_space<hbm>>
      %dma_start3A_13 = arith.constant 0 : i32
      %dma_start3A_14 = tpu.memref_slice %arg10[%multiple_of3A_5, %dma_start3A_13] : memref<10240x128xf32, #tpu.memory_space<vmem_shared>> -> memref<640x128xf32, #tpu.memory_space<vmem_shared>>
      tpu.enqueue_dma source(%dma_start3A_14 : memref<640x128xf32, #tpu.memory_space<vmem_shared>>) target(%dma_start3A_12 : memref<640x128xf32, #tpu.memory_space<hbm>>) target_semaphore(%run_scoped3A : memref<!tpu.dma_semaphore, #tpu.memory_space<semaphore_mem>>)
      %dma_wait3A = arith.constant 0 : i32
      %dma_wait3A_15 = tpu.memref_slice %arg5[%multiple_of3A, %dma_wait3A] : memref<20480x128xf32, #tpu.memory_space<hbm>> -> memref<640x128xf32, #tpu.memory_space<hbm>>
      %dma_wait3A_16 = arith.constant 0 : i32
      %dma_wait3A_17 = tpu.memref_slice %arg10[%multiple_of3A_5, %dma_wait3A_16] : memref<10240x128xf32, #tpu.memory_space<vmem_shared>> -> memref<640x128xf32, #tpu.memory_space<vmem_shared>>
      tpu.wait_dma2 semaphore(%run_scoped3A : memref<!tpu.dma_semaphore, #tpu.memory_space<semaphore_mem>>) src(%dma_wait3A_17 : memref<640x128xf32, #tpu.memory_space<vmem_shared>>) dst(%dma_wait3A_15 : memref<640x128xf32, #tpu.memory_space<hbm>>)
      tpu.yield
    }) : () -> ()
    return
  }
}

#map = affine_map<(d0, d1) -> (0, 0)>
#map1 = affine_map<(d0, d1) -> (0, 0, 0, 0, 0)>
#map2 = affine_map<(d0, d1) -> (0, 0, 0, 0)>
module attributes {stable_mosaic.version = 14 : i64} {
  func.func @_agg_kernel(%arg0: i32, %arg1: i32, %arg2: memref<20480x128xf32, #tpu.memory_space<hbm>>, %arg3: memref<2x16x5x32x128xi32, #tpu.memory_space<hbm>>, %arg4: memref<16x5x32x128xi32, #tpu.memory_space<hbm>>, %arg5: memref<20480x128xf32, #tpu.memory_space<hbm>>, %arg6: memref<32x128xi32, #tpu.memory_space<vmem>>, %arg7: memref<32x128xi32, #tpu.memory_space<vmem>>, %arg8: memref<128x128xf32, #tpu.memory_space<vmem>>, %arg9: memref<128x128xf32, #tpu.memory_space<vmem>>, %arg10: memref<10240x128xf32, #tpu.memory_space<vmem_shared>>, %arg11: memref<!tpu.dma_semaphore, #tpu.memory_space<semaphore_mem>>, %arg12: memref<!tpu.dma_semaphore, #tpu.memory_space<semaphore_mem>>) attributes {dimension_semantics = [#tpu.dimension_semantics<core_parallel>, #tpu.dimension_semantics<subcore_parallel>], iteration_bounds = array<i64: 2, 16>, scalar_prefetch = 0 : i64, scratch_operands = 7 : i64, tpu.core_type = #tpu.core_type<sc_vector_subcore>, window_params = [{transform_indices = #map}, {transform_indices = #map1}, {transform_indices = #map2}, {transform_indices = #map}]} {
    %mul3A = arith.constant 10240 : i32
    %mul3A_0 = arith.muli %arg0, %mul3A : i32
    %mul3A_1 = arith.constant 640 : i32
    %mul3A_2 = arith.muli %arg1, %mul3A_1 : i32
    %add3A = arith.addi %mul3A_0, %mul3A_2 : i32
    %multiple_of3A = tpu.assume_multiple %add3A, 8 : i32
    %mul3A_3 = arith.constant 640 : i32
    %mul3A_4 = arith.muli %arg1, %mul3A_3 : i32
    %multiple_of3A_5 = tpu.assume_multiple %mul3A_4, 8 : i32
    "tpu.region"() ({
      %run_scoped3A = tpu.sem_alloc : memref<!tpu.dma_semaphore, #tpu.memory_space<semaphore_mem>>
      %dma_start3A = arith.constant 0 : i32
      %dma_start3A_12 = tpu.memref_slice %arg10[%multiple_of3A_5, %dma_start3A] : memref<10240x128xf32, #tpu.memory_space<vmem_shared>> -> memref<640x128xf32, #tpu.memory_space<vmem_shared>>
      %dma_start3A_13 = arith.constant 0 : i32
      %dma_start3A_14 = tpu.memref_slice %arg2[%multiple_of3A, %dma_start3A_13] : memref<20480x128xf32, #tpu.memory_space<hbm>> -> memref<640x128xf32, #tpu.memory_space<hbm>>
      tpu.enqueue_dma source(%dma_start3A_14 : memref<640x128xf32, #tpu.memory_space<hbm>>) target(%dma_start3A_12 : memref<640x128xf32, #tpu.memory_space<vmem_shared>>) target_semaphore(%run_scoped3A : memref<!tpu.dma_semaphore, #tpu.memory_space<semaphore_mem>>)
      %dma_wait3A = arith.constant 0 : i32
      %dma_wait3A_15 = tpu.memref_slice %arg10[%multiple_of3A_5, %dma_wait3A] : memref<10240x128xf32, #tpu.memory_space<vmem_shared>> -> memref<640x128xf32, #tpu.memory_space<vmem_shared>>
      %dma_wait3A_16 = arith.constant 0 : i32
      %dma_wait3A_17 = tpu.memref_slice %arg2[%multiple_of3A, %dma_wait3A_16] : memref<20480x128xf32, #tpu.memory_space<hbm>> -> memref<640x128xf32, #tpu.memory_space<hbm>>
      tpu.wait_dma2 semaphore(%run_scoped3A : memref<!tpu.dma_semaphore, #tpu.memory_space<semaphore_mem>>) src(%dma_wait3A_17 : memref<640x128xf32, #tpu.memory_space<hbm>>) dst(%dma_wait3A_15 : memref<640x128xf32, #tpu.memory_space<vmem_shared>>)
      tpu.yield
    }) : () -> ()
    %barrier3A = arith.constant 0 : index
    tpu.barrier barrier_id(%barrier3A)
    %scan3A = arith.constant 0 : i32
    %scan3A_6 = arith.constant 0 : i32
    %scan3A_7 = arith.constant 5 : i32
    %scan3A_8 = arith.addi %scan3A_6, %scan3A_7 : i32
    %scan3A_9 = arith.constant 1 : i32
    scf.for %scan3A_12 = %scan3A_6 to %scan3A_8 step %scan3A_9  : i32 {
      "tpu.region"() ({
        %run_scoped3A = tpu.sem_alloc : memref<!tpu.dma_semaphore, #tpu.memory_space<semaphore_mem>>
        %dma_start3A_24 = arith.constant 0 : i32
        %dma_start3A_25 = arith.constant 0 : i32
        %dma_start3A_26 = tpu.memref_slice %arg3[%arg0, %arg1, %scan3A_12, %dma_start3A_24, %dma_start3A_25] : memref<2x16x5x32x128xi32, #tpu.memory_space<hbm>> -> memref<1x1x1x32x128xi32, #tpu.memory_space<hbm>>
        %dma_start3A_27 = tpu.memref_squeeze %dma_start3A_26 : memref<1x1x1x32x128xi32, #tpu.memory_space<hbm>> -> memref<32x128xi32, #tpu.memory_space<hbm>>
        %dma_start3A_28 = arith.constant 0 : i32
        %dma_start3A_29 = arith.constant 0 : i32
        %dma_start3A_30 = tpu.memref_slice %arg3[%arg0, %arg1, %scan3A_12, %dma_start3A_28, %dma_start3A_29] : memref<2x16x5x32x128xi32, #tpu.memory_space<hbm>> -> memref<1x1x1x32x128xi32, #tpu.memory_space<hbm>>
        %dma_start3A_31 = tpu.memref_squeeze %dma_start3A_30 : memref<1x1x1x32x128xi32, #tpu.memory_space<hbm>> -> memref<32x128xi32, #tpu.memory_space<hbm>>
        tpu.enqueue_dma source(%dma_start3A_31 : memref<32x128xi32, #tpu.memory_space<hbm>>) target(%arg6 : memref<32x128xi32, #tpu.memory_space<vmem>>) target_semaphore(%run_scoped3A : memref<!tpu.dma_semaphore, #tpu.memory_space<semaphore_mem>>)
        %dma_wait3A = arith.constant 0 : i32
        %dma_wait3A_32 = arith.constant 0 : i32
        %dma_wait3A_33 = tpu.memref_slice %arg3[%arg0, %arg1, %scan3A_12, %dma_wait3A, %dma_wait3A_32] : memref<2x16x5x32x128xi32, #tpu.memory_space<hbm>> -> memref<1x1x1x32x128xi32, #tpu.memory_space<hbm>>
        %dma_wait3A_34 = tpu.memref_squeeze %dma_wait3A_33 : memref<1x1x1x32x128xi32, #tpu.memory_space<hbm>> -> memref<32x128xi32, #tpu.memory_space<hbm>>
        %dma_wait3A_35 = arith.constant 0 : i32
        %dma_wait3A_36 = arith.constant 0 : i32
        %dma_wait3A_37 = tpu.memref_slice %arg3[%arg0, %arg1, %scan3A_12, %dma_wait3A_35, %dma_wait3A_36] : memref<2x16x5x32x128xi32, #tpu.memory_space<hbm>> -> memref<1x1x1x32x128xi32, #tpu.memory_space<hbm>>
        %dma_wait3A_38 = tpu.memref_squeeze %dma_wait3A_37 : memref<1x1x1x32x128xi32, #tpu.memory_space<hbm>> -> memref<32x128xi32, #tpu.memory_space<hbm>>
        tpu.wait_dma2 semaphore(%run_scoped3A : memref<!tpu.dma_semaphore, #tpu.memory_space<semaphore_mem>>) src(%dma_wait3A_38 : memref<32x128xi32, #tpu.memory_space<hbm>>) dst(%arg6 : memref<32x128xi32, #tpu.memory_space<vmem>>)
        tpu.yield
      }) : () -> ()
      "tpu.region"() ({
        %run_scoped3A = tpu.sem_alloc : memref<!tpu.dma_semaphore, #tpu.memory_space<semaphore_mem>>
        %dma_start3A_24 = arith.constant 0 : i32
        %dma_start3A_25 = arith.constant 0 : i32
        %dma_start3A_26 = tpu.memref_slice %arg4[%arg1, %scan3A_12, %dma_start3A_24, %dma_start3A_25] : memref<16x5x32x128xi32, #tpu.memory_space<hbm>> -> memref<1x1x32x128xi32, #tpu.memory_space<hbm>>
        %dma_start3A_27 = tpu.memref_squeeze %dma_start3A_26 : memref<1x1x32x128xi32, #tpu.memory_space<hbm>> -> memref<32x128xi32, #tpu.memory_space<hbm>>
        %dma_start3A_28 = arith.constant 0 : i32
        %dma_start3A_29 = arith.constant 0 : i32
        %dma_start3A_30 = tpu.memref_slice %arg4[%arg1, %scan3A_12, %dma_start3A_28, %dma_start3A_29] : memref<16x5x32x128xi32, #tpu.memory_space<hbm>> -> memref<1x1x32x128xi32, #tpu.memory_space<hbm>>
        %dma_start3A_31 = tpu.memref_squeeze %dma_start3A_30 : memref<1x1x32x128xi32, #tpu.memory_space<hbm>> -> memref<32x128xi32, #tpu.memory_space<hbm>>
        tpu.enqueue_dma source(%dma_start3A_31 : memref<32x128xi32, #tpu.memory_space<hbm>>) target(%arg7 : memref<32x128xi32, #tpu.memory_space<vmem>>) target_semaphore(%run_scoped3A : memref<!tpu.dma_semaphore, #tpu.memory_space<semaphore_mem>>)
        %dma_wait3A = arith.constant 0 : i32
        %dma_wait3A_32 = arith.constant 0 : i32
        %dma_wait3A_33 = tpu.memref_slice %arg4[%arg1, %scan3A_12, %dma_wait3A, %dma_wait3A_32] : memref<16x5x32x128xi32, #tpu.memory_space<hbm>> -> memref<1x1x32x128xi32, #tpu.memory_space<hbm>>
        %dma_wait3A_34 = tpu.memref_squeeze %dma_wait3A_33 : memref<1x1x32x128xi32, #tpu.memory_space<hbm>> -> memref<32x128xi32, #tpu.memory_space<hbm>>
        %dma_wait3A_35 = arith.constant 0 : i32
        %dma_wait3A_36 = arith.constant 0 : i32
        %dma_wait3A_37 = tpu.memref_slice %arg4[%arg1, %scan3A_12, %dma_wait3A_35, %dma_wait3A_36] : memref<16x5x32x128xi32, #tpu.memory_space<hbm>> -> memref<1x1x32x128xi32, #tpu.memory_space<hbm>>
        %dma_wait3A_38 = tpu.memref_squeeze %dma_wait3A_37 : memref<1x1x32x128xi32, #tpu.memory_space<hbm>> -> memref<32x128xi32, #tpu.memory_space<hbm>>
        tpu.wait_dma2 semaphore(%run_scoped3A : memref<!tpu.dma_semaphore, #tpu.memory_space<semaphore_mem>>) src(%dma_wait3A_38 : memref<32x128xi32, #tpu.memory_space<hbm>>) dst(%arg7 : memref<32x128xi32, #tpu.memory_space<vmem>>)
        tpu.yield
      }) : () -> ()
      %dma_start3A = arith.constant 0 : i32
      %dma_start3A_13 = arith.constant 0 : i32
      %dma_start3A_14 = tpu.memref_slice %arg6[%dma_start3A, %dma_start3A_13] : memref<32x128xi32, #tpu.memory_space<vmem>> -> memref<1x128xi32, #tpu.memory_space<vmem>>
      %dma_start3A_15 = tpu.memref_squeeze %dma_start3A_14 : memref<1x128xi32, #tpu.memory_space<vmem>> -> memref<128xi32, #tpu.memory_space<vmem>>
      %dma_start3A_16 = arith.constant 0 : i32
      %dma_start3A_17 = arith.constant 0 : i32
      %dma_start3A_18 = tpu.memref_slice %arg2[%dma_start3A_16, %dma_start3A_17] : memref<20480x128xf32, #tpu.memory_space<hbm>> -> memref<20480x128xf32, #tpu.memory_space<hbm>>
      tpu.enqueue_indirect_dma source(%dma_start3A_18 : memref<20480x128xf32, #tpu.memory_space<hbm>>) target(%arg8 : memref<128x128xf32, #tpu.memory_space<vmem>>) offsets(%dma_start3A_15 : memref<128xi32, #tpu.memory_space<vmem>>) semaphore(%arg11 : memref<!tpu.dma_semaphore, #tpu.memory_space<semaphore_mem>>)
      %scan3A_19 = arith.constant 0 : i32
      %scan3A_20 = arith.constant 16 : i32
      %scan3A_21 = arith.addi %scan3A_19, %scan3A_20 : i32
      %scan3A_22 = arith.constant 1 : i32
      scf.for %scan3A_24 = %scan3A_19 to %scan3A_21 step %scan3A_22  : i32 {
        %mul3A_25 = arith.constant 2 : i32
        %mul3A_26 = arith.muli %mul3A_25, %scan3A_24 : i32
        %add3A_27 = arith.constant 1 : i32
        %add3A_28 = arith.addi %mul3A_26, %add3A_27 : i32
        %dma_start3A_29 = arith.constant 0 : i32
        %dma_start3A_30 = tpu.memref_slice %arg6[%add3A_28, %dma_start3A_29] : memref<32x128xi32, #tpu.memory_space<vmem>> -> memref<1x128xi32, #tpu.memory_space<vmem>>
        %dma_start3A_31 = tpu.memref_squeeze %dma_start3A_30 : memref<1x128xi32, #tpu.memory_space<vmem>> -> memref<128xi32, #tpu.memory_space<vmem>>
        %dma_start3A_32 = arith.constant 0 : i32
        %dma_start3A_33 = arith.constant 0 : i32
        %dma_start3A_34 = tpu.memref_slice %arg2[%dma_start3A_32, %dma_start3A_33] : memref<20480x128xf32, #tpu.memory_space<hbm>> -> memref<20480x128xf32, #tpu.memory_space<hbm>>
        tpu.enqueue_indirect_dma source(%dma_start3A_34 : memref<20480x128xf32, #tpu.memory_space<hbm>>) target(%arg9 : memref<128x128xf32, #tpu.memory_space<vmem>>) offsets(%dma_start3A_31 : memref<128xi32, #tpu.memory_space<vmem>>) semaphore(%arg12 : memref<!tpu.dma_semaphore, #tpu.memory_space<semaphore_mem>>)
        %dma_wait3A = arith.constant 0 : i32
        %dma_wait3A_35 = tpu.memref_slice %arg6[%mul3A_26, %dma_wait3A] : memref<32x128xi32, #tpu.memory_space<vmem>> -> memref<1x128xi32, #tpu.memory_space<vmem>>
        %dma_wait3A_36 = tpu.memref_squeeze %dma_wait3A_35 : memref<1x128xi32, #tpu.memory_space<vmem>> -> memref<128xi32, #tpu.memory_space<vmem>>
        %dma_wait3A_37 = arith.constant 0 : i32
        %dma_wait3A_38 = arith.constant 0 : i32
        %dma_wait3A_39 = tpu.memref_slice %arg2[%dma_wait3A_37, %dma_wait3A_38] : memref<20480x128xf32, #tpu.memory_space<hbm>> -> memref<20480x128xf32, #tpu.memory_space<hbm>>
        tpu.wait_indirect_dma semaphore(%arg11 : memref<!tpu.dma_semaphore, #tpu.memory_space<semaphore_mem>>) src(%dma_wait3A_39 : memref<20480x128xf32, #tpu.memory_space<hbm>>) dst(%arg8 : memref<128x128xf32, #tpu.memory_space<vmem>>)
        "tpu.region"() ({
          %run_scoped3A = tpu.sem_alloc : memref<!tpu.dma_semaphore, #tpu.memory_space<semaphore_mem>>
          %dma_start3A_50 = arith.constant 0 : i32
          %dma_start3A_51 = tpu.memref_slice %arg7[%mul3A_26, %dma_start3A_50] : memref<32x128xi32, #tpu.memory_space<vmem>> -> memref<1x128xi32, #tpu.memory_space<vmem>>
          %dma_start3A_52 = tpu.memref_squeeze %dma_start3A_51 : memref<1x128xi32, #tpu.memory_space<vmem>> -> memref<128xi32, #tpu.memory_space<vmem>>
          %dma_start3A_53 = arith.constant 0 : i32
          %dma_start3A_54 = arith.constant 0 : i32
          %dma_start3A_55 = tpu.memref_slice %arg10[%dma_start3A_53, %dma_start3A_54] : memref<10240x128xf32, #tpu.memory_space<vmem_shared>> -> memref<10240x128xf32, #tpu.memory_space<vmem_shared>>
          tpu.enqueue_indirect_dma source(%arg8 : memref<128x128xf32, #tpu.memory_space<vmem>>) target(%dma_start3A_55 : memref<10240x128xf32, #tpu.memory_space<vmem_shared>>) offsets(%dma_start3A_52 : memref<128xi32, #tpu.memory_space<vmem>>) semaphore(%run_scoped3A : memref<!tpu.dma_semaphore, #tpu.memory_space<semaphore_mem>>) {add = true}
          %dma_wait3A_56 = arith.constant 0 : i32
          %dma_wait3A_57 = tpu.memref_slice %arg7[%mul3A_26, %dma_wait3A_56] : memref<32x128xi32, #tpu.memory_space<vmem>> -> memref<1x128xi32, #tpu.memory_space<vmem>>
          %dma_wait3A_58 = tpu.memref_squeeze %dma_wait3A_57 : memref<1x128xi32, #tpu.memory_space<vmem>> -> memref<128xi32, #tpu.memory_space<vmem>>
          %dma_wait3A_59 = arith.constant 0 : i32
          %dma_wait3A_60 = arith.constant 0 : i32
          %dma_wait3A_61 = tpu.memref_slice %arg10[%dma_wait3A_59, %dma_wait3A_60] : memref<10240x128xf32, #tpu.memory_space<vmem_shared>> -> memref<10240x128xf32, #tpu.memory_space<vmem_shared>>
          tpu.wait_indirect_dma semaphore(%run_scoped3A : memref<!tpu.dma_semaphore, #tpu.memory_space<semaphore_mem>>) src(%arg8 : memref<128x128xf32, #tpu.memory_space<vmem>>) dst(%dma_wait3A_61 : memref<10240x128xf32, #tpu.memory_space<vmem_shared>>)
          tpu.yield
        }) : () -> ()
        %add3A_40 = arith.constant 1 : i32
        %add3A_41 = arith.addi %scan3A_24, %add3A_40 : i32
        %lt3A = arith.constant 16 : i32
        %lt3A_42 = arith.cmpi slt, %add3A_41, %lt3A : i32
        %convert_element_type3A = arith.extui %lt3A_42 : i1 to i32
        %cond3A = arith.constant 0 : i32
        %cond3A_43 = arith.cmpi ne, %convert_element_type3A, %cond3A : i32
        scf.if %cond3A_43 {
          %add3A_50 = arith.constant 2 : i32
          %add3A_51 = arith.addi %mul3A_26, %add3A_50 : i32
          %dma_start3A_52 = arith.constant 0 : i32
          %dma_start3A_53 = tpu.memref_slice %arg6[%add3A_51, %dma_start3A_52] : memref<32x128xi32, #tpu.memory_space<vmem>> -> memref<1x128xi32, #tpu.memory_space<vmem>>
          %dma_start3A_54 = tpu.memref_squeeze %dma_start3A_53 : memref<1x128xi32, #tpu.memory_space<vmem>> -> memref<128xi32, #tpu.memory_space<vmem>>
          %dma_start3A_55 = arith.constant 0 : i32
          %dma_start3A_56 = arith.constant 0 : i32
          %dma_start3A_57 = tpu.memref_slice %arg2[%dma_start3A_55, %dma_start3A_56] : memref<20480x128xf32, #tpu.memory_space<hbm>> -> memref<20480x128xf32, #tpu.memory_space<hbm>>
          tpu.enqueue_indirect_dma source(%dma_start3A_57 : memref<20480x128xf32, #tpu.memory_space<hbm>>) target(%arg8 : memref<128x128xf32, #tpu.memory_space<vmem>>) offsets(%dma_start3A_54 : memref<128xi32, #tpu.memory_space<vmem>>) semaphore(%arg11 : memref<!tpu.dma_semaphore, #tpu.memory_space<semaphore_mem>>)
        } else {
        }
        %dma_wait3A_44 = arith.constant 0 : i32
        %dma_wait3A_45 = tpu.memref_slice %arg6[%add3A_28, %dma_wait3A_44] : memref<32x128xi32, #tpu.memory_space<vmem>> -> memref<1x128xi32, #tpu.memory_space<vmem>>
        %dma_wait3A_46 = tpu.memref_squeeze %dma_wait3A_45 : memref<1x128xi32, #tpu.memory_space<vmem>> -> memref<128xi32, #tpu.memory_space<vmem>>
        %dma_wait3A_47 = arith.constant 0 : i32
        %dma_wait3A_48 = arith.constant 0 : i32
        %dma_wait3A_49 = tpu.memref_slice %arg2[%dma_wait3A_47, %dma_wait3A_48] : memref<20480x128xf32, #tpu.memory_space<hbm>> -> memref<20480x128xf32, #tpu.memory_space<hbm>>
        tpu.wait_indirect_dma semaphore(%arg12 : memref<!tpu.dma_semaphore, #tpu.memory_space<semaphore_mem>>) src(%dma_wait3A_49 : memref<20480x128xf32, #tpu.memory_space<hbm>>) dst(%arg9 : memref<128x128xf32, #tpu.memory_space<vmem>>)
        "tpu.region"() ({
          %run_scoped3A = tpu.sem_alloc : memref<!tpu.dma_semaphore, #tpu.memory_space<semaphore_mem>>
          %dma_start3A_50 = arith.constant 0 : i32
          %dma_start3A_51 = tpu.memref_slice %arg7[%add3A_28, %dma_start3A_50] : memref<32x128xi32, #tpu.memory_space<vmem>> -> memref<1x128xi32, #tpu.memory_space<vmem>>
          %dma_start3A_52 = tpu.memref_squeeze %dma_start3A_51 : memref<1x128xi32, #tpu.memory_space<vmem>> -> memref<128xi32, #tpu.memory_space<vmem>>
          %dma_start3A_53 = arith.constant 0 : i32
          %dma_start3A_54 = arith.constant 0 : i32
          %dma_start3A_55 = tpu.memref_slice %arg10[%dma_start3A_53, %dma_start3A_54] : memref<10240x128xf32, #tpu.memory_space<vmem_shared>> -> memref<10240x128xf32, #tpu.memory_space<vmem_shared>>
          tpu.enqueue_indirect_dma source(%arg9 : memref<128x128xf32, #tpu.memory_space<vmem>>) target(%dma_start3A_55 : memref<10240x128xf32, #tpu.memory_space<vmem_shared>>) offsets(%dma_start3A_52 : memref<128xi32, #tpu.memory_space<vmem>>) semaphore(%run_scoped3A : memref<!tpu.dma_semaphore, #tpu.memory_space<semaphore_mem>>) {add = true}
          %dma_wait3A_56 = arith.constant 0 : i32
          %dma_wait3A_57 = tpu.memref_slice %arg7[%add3A_28, %dma_wait3A_56] : memref<32x128xi32, #tpu.memory_space<vmem>> -> memref<1x128xi32, #tpu.memory_space<vmem>>
          %dma_wait3A_58 = tpu.memref_squeeze %dma_wait3A_57 : memref<1x128xi32, #tpu.memory_space<vmem>> -> memref<128xi32, #tpu.memory_space<vmem>>
          %dma_wait3A_59 = arith.constant 0 : i32
          %dma_wait3A_60 = arith.constant 0 : i32
          %dma_wait3A_61 = tpu.memref_slice %arg10[%dma_wait3A_59, %dma_wait3A_60] : memref<10240x128xf32, #tpu.memory_space<vmem_shared>> -> memref<10240x128xf32, #tpu.memory_space<vmem_shared>>
          tpu.wait_indirect_dma semaphore(%run_scoped3A : memref<!tpu.dma_semaphore, #tpu.memory_space<semaphore_mem>>) src(%arg9 : memref<128x128xf32, #tpu.memory_space<vmem>>) dst(%dma_wait3A_61 : memref<10240x128xf32, #tpu.memory_space<vmem_shared>>)
          tpu.yield
        }) : () -> ()
      }
      %scan3A_23 = arith.constant 16 : i32
    }
    %scan3A_10 = arith.constant 5 : i32
    %barrier3A_11 = arith.constant 0 : index
    tpu.barrier barrier_id(%barrier3A_11)
    "tpu.region"() ({
      %run_scoped3A = tpu.sem_alloc : memref<!tpu.dma_semaphore, #tpu.memory_space<semaphore_mem>>
      %dma_start3A = arith.constant 0 : i32
      %dma_start3A_12 = tpu.memref_slice %arg5[%multiple_of3A, %dma_start3A] : memref<20480x128xf32, #tpu.memory_space<hbm>> -> memref<640x128xf32, #tpu.memory_space<hbm>>
      %dma_start3A_13 = arith.constant 0 : i32
      %dma_start3A_14 = tpu.memref_slice %arg10[%multiple_of3A_5, %dma_start3A_13] : memref<10240x128xf32, #tpu.memory_space<vmem_shared>> -> memref<640x128xf32, #tpu.memory_space<vmem_shared>>
      tpu.enqueue_dma source(%dma_start3A_14 : memref<640x128xf32, #tpu.memory_space<vmem_shared>>) target(%dma_start3A_12 : memref<640x128xf32, #tpu.memory_space<hbm>>) target_semaphore(%run_scoped3A : memref<!tpu.dma_semaphore, #tpu.memory_space<semaphore_mem>>)
      %dma_wait3A = arith.constant 0 : i32
      %dma_wait3A_15 = tpu.memref_slice %arg5[%multiple_of3A, %dma_wait3A] : memref<20480x128xf32, #tpu.memory_space<hbm>> -> memref<640x128xf32, #tpu.memory_space<hbm>>
      %dma_wait3A_16 = arith.constant 0 : i32
      %dma_wait3A_17 = tpu.memref_slice %arg10[%multiple_of3A_5, %dma_wait3A_16] : memref<10240x128xf32, #tpu.memory_space<vmem_shared>> -> memref<640x128xf32, #tpu.memory_space<vmem_shared>>
      tpu.wait_dma2 semaphore(%run_scoped3A : memref<!tpu.dma_semaphore, #tpu.memory_space<semaphore_mem>>) src(%dma_wait3A_17 : memref<640x128xf32, #tpu.memory_space<vmem_shared>>) dst(%dma_wait3A_15 : memref<640x128xf32, #tpu.memory_space<hbm>>)
      tpu.yield
    }) : () -> ()
    return
  }
}

module attributes {stable_mosaic.version = 14 : i64} {
  func.func @_mm1_body(%arg0: i32, %arg1: memref<1024x128xf32, #tpu.memory_space<vmem>>, %arg2: memref<128x256xf32, #tpu.memory_space<vmem>>, %arg3: memref<1024x256xf32, #tpu.memory_space<vmem>>) attributes {dimension_semantics = [#tpu.dimension_semantics<arbitrary>], iteration_bounds = array<i64: 10>, scalar_prefetch = 0 : i64, scratch_operands = 0 : i64, tpu.core_type = #tpu.core_type<tc>, window_params = [{transform_indices = @transform_0, window_bounds = array<i64: 1024, 128>}, {pipeline_mode = #tpu.pipeline_mode<synchronous>, transform_indices = @transform_1, window_bounds = array<i64: 128, 256>}, {transform_indices = @transform_2, window_bounds = array<i64: 1024, 256>}]} {
    %get3A = arith.constant 0 : index
    %get3A_0 = arith.constant 0 : index
    %get3A_1 = vector.load %arg1[%get3A, %get3A_0] : memref<1024x128xf32, #tpu.memory_space<vmem>>, vector<1024x128xf32>
    %get3A_2 = arith.constant 0 : index
    %get3A_3 = arith.constant 0 : index
    %get3A_4 = vector.load %arg2[%get3A_2, %get3A_3] : memref<128x256xf32, #tpu.memory_space<vmem>>, vector<128x256xf32>
    %dot_general3A = arith.constant dense<0.000000e+00> : vector<1024x256xf32>
    %dot_general3A_5 = tpu.matmul %get3A_1, %get3A_4, %dot_general3A {dimension_numbers = #tpu.dot_dimension_numbers<[1], [0], [0], [1], [0, 0, 1, 1], [], []>, transpose_lhs_hint = false} : vector<1024x128xf32>, vector<128x256xf32>, vector<1024x256xf32> -> vector<1024x256xf32>
    %swap3A = arith.constant 0 : index
    %swap3A_6 = arith.constant 0 : index
    %swap3A_7 = vector.load %arg3[%swap3A, %swap3A_6] : memref<1024x256xf32, #tpu.memory_space<vmem>>, vector<1024x256xf32>
    tpu.vector_store %arg3[%swap3A, %swap3A_6], %dot_general3A_5 {strides = array<i32>} : memref<1024x256xf32, #tpu.memory_space<vmem>>, vector<1024x256xf32>,
    return
  }
  func.func @transform_0(%arg0: i32) -> (i32, i32) {
    %c0_i32 = arith.constant 0 : i32
    %c0_i32_0 = arith.constant 0 : i32
    return %arg0, %c0_i32 : i32, i32
  }
  func.func @transform_1(%arg0: i32) -> (i32, i32) {
    %c0_i32 = arith.constant 0 : i32
    %c0_i32_0 = arith.constant 0 : i32
    %c0_i32_1 = arith.constant 0 : i32
    return %c0_i32, %c0_i32_0 : i32, i32
  }
  func.func @transform_2(%arg0: i32) -> (i32, i32) {
    %c0_i32 = arith.constant 0 : i32
    %c0_i32_0 = arith.constant 0 : i32
    return %arg0, %c0_i32 : i32, i32
  }
}

module attributes {stable_mosaic.version = 14 : i64} {
  func.func @_prep_body(%arg0: i32, %arg1: i32, %arg2: memref<1024x128xf32, #tpu.memory_space<vmem>>, %arg3: memref<1024x128xf32, #tpu.memory_space<vmem>>, %arg4: memref<1024x128xf32, #tpu.memory_space<vmem>>, %arg5: memref<1024x128xf32, #tpu.memory_space<vmem>>, %arg6: memref<1024x1xf32, #tpu.memory_space<vmem>>) attributes {dimension_semantics = [#tpu.dimension_semantics<arbitrary>, #tpu.dimension_semantics<arbitrary>], iteration_bounds = array<i64: 10, 2>, scalar_prefetch = 0 : i64, scratch_operands = 0 : i64, tpu.core_type = #tpu.core_type<tc>, window_params = [{transform_indices = @transform_0, window_bounds = array<i64: 1024, 128>}, {transform_indices = @transform_1, window_bounds = array<i64: 1024, 128>}, {transform_indices = @transform_2, window_bounds = array<i64: 1024, 128>}, {transform_indices = @transform_3, window_bounds = array<i64: 1024, 128>}, {transform_indices = @transform_4, window_bounds = array<i64: 1024, 1>}]} {
    %get3A = arith.constant 0 : index
    %get3A_0 = arith.constant 0 : index
    %get3A_1 = vector.load %arg3[%get3A, %get3A_0] : memref<1024x128xf32, #tpu.memory_space<vmem>>, vector<1024x1xf32>
    %get3A_2 = arith.constant 0 : index
    %get3A_3 = arith.constant 0 : index
    %get3A_4 = vector.load %arg4[%get3A_2, %get3A_3] : memref<1024x128xf32, #tpu.memory_space<vmem>>, vector<1024x1xf32>
    %add3A = arith.addf %get3A_1, %get3A_4 : vector<1024x1xf32>
    %rsqrt3A = math.rsqrt %add3A : vector<1024x1xf32>
    %swap3A = arith.constant 0 : index
    %swap3A_5 = arith.constant 0 : index
    %swap3A_6 = vector.load %arg6[%swap3A, %swap3A_5] : memref<1024x1xf32, #tpu.memory_space<vmem>>, vector<1024x1xf32>
    tpu.vector_store %arg6[%swap3A, %swap3A_5], %rsqrt3A {strides = array<i32>} : memref<1024x1xf32, #tpu.memory_space<vmem>>, vector<1024x1xf32>,
    %get3A_7 = arith.constant 0 : index
    %get3A_8 = arith.constant 0 : index
    %get3A_9 = vector.load %arg2[%get3A_7, %get3A_8] : memref<1024x128xf32, #tpu.memory_space<vmem>>, vector<1024x128xf32>
    %mul3A = vector.broadcast %rsqrt3A : vector<1024x1xf32> to vector<1024x128xf32>
    %mul3A_10 = arith.mulf %get3A_9, %mul3A : vector<1024x128xf32>
    %iota3A = tpu.iota {dimensions = array<i32: 0>} : vector<1024x1xi32>
    %mul3A_11 = arith.constant 1024 : i32
    %mul3A_12 = arith.muli %arg0, %mul3A_11 : i32
    %add3A_13 = vector.broadcast %mul3A_12 : i32 to vector<1024x1xi32>
    %add3A_14 = arith.addi %iota3A, %add3A_13 : vector<1024x1xi32>
    %lt3A = arith.constant 10000 : i32
    %lt3A_15 = vector.broadcast %lt3A : i32 to vector<1024x1xi32>
    %lt3A_16 = arith.cmpi slt, %add3A_14, %lt3A_15 : vector<1024x1xi32>
    %jit3A = arith.constant 0.000000e+00 : f32
    %broadcast_in_dim3A = vector.shape_cast %lt3A_16 : vector<1024x1xi1> to vector<1024x1xi1>
    %broadcast_in_dim3A_17 = vector.broadcast %broadcast_in_dim3A : vector<1024x1xi1> to vector<1024x128xi1>
    %broadcast_in_dim3A_18 = vector.broadcast %jit3A : f32 to vector<1024x128xf32>
    %select_n3A = arith.select %broadcast_in_dim3A_17, %mul3A_10, %broadcast_in_dim3A_18 : vector<1024x128xi1>, vector<1024x128xf32>
    %swap3A_19 = arith.constant 0 : index
    %swap3A_20 = arith.constant 0 : index
    %swap3A_21 = vector.load %arg5[%swap3A_19, %swap3A_20] : memref<1024x128xf32, #tpu.memory_space<vmem>>, vector<1024x128xf32>
    tpu.vector_store %arg5[%swap3A_19, %swap3A_20], %select_n3A {strides = array<i32>} : memref<1024x128xf32, #tpu.memory_space<vmem>>, vector<1024x128xf32>,
    return
  }
  func.func @transform_0(%arg0: i32, %arg1: i32) -> (i32, i32) {
    %c0_i32 = arith.constant 0 : i32
    return %arg0, %arg1 : i32, i32
  }
  func.func @transform_1(%arg0: i32, %arg1: i32) -> (i32, i32) {
    %c0_i32 = arith.constant 0 : i32
    %c0_i32_0 = arith.constant 0 : i32
    return %arg0, %c0_i32 : i32, i32
  }
  func.func @transform_2(%arg0: i32, %arg1: i32) -> (i32, i32) {
    %c0_i32 = arith.constant 0 : i32
    %c0_i32_0 = arith.constant 0 : i32
    return %arg0, %c0_i32 : i32, i32
  }
  func.func @transform_3(%arg0: i32, %arg1: i32) -> (i32, i32) {
    %mul3A = arith.constant 10 : i32
    %mul3A_0 = arith.muli %arg1, %mul3A : i32
    %add3A = arith.addi %mul3A_0, %arg0 : i32
    %c0_i32 = arith.constant 0 : i32
    %c0_i32_1 = arith.constant 0 : i32
    return %add3A, %c0_i32 : i32, i32
  }
  func.func @transform_4(%arg0: i32, %arg1: i32) -> (i32, i32) {
    %c0_i32 = arith.constant 0 : i32
    %c0_i32_0 = arith.constant 0 : i32
    return %arg0, %c0_i32 : i32, i32
  }
}

module attributes {stable_mosaic.version = 14 : i64} {
  func.func @_stats_mid_body(%arg0: i32, %arg1: memref<1024x128xf32, #tpu.memory_space<vmem>>, %arg2: memref<1024x128xf32, #tpu.memory_space<vmem>>, %arg3: memref<1024x1xf32, #tpu.memory_space<vmem>>, %arg4: memref<8x256xf32, #tpu.memory_space<vmem>>) attributes {dimension_semantics = [#tpu.dimension_semantics<arbitrary>], iteration_bounds = array<i64: 10>, scalar_prefetch = 0 : i64, scratch_operands = 0 : i64, tpu.core_type = #tpu.core_type<tc>, window_params = [{transform_indices = @transform_0, window_bounds = array<i64: 1024, 128>}, {transform_indices = @transform_1, window_bounds = array<i64: 1024, 128>}, {transform_indices = @transform_2, window_bounds = array<i64: 1024, 1>}, {pipeline_mode = #tpu.pipeline_mode<synchronous>, transform_indices = @transform_3, window_bounds = array<i64: 8, 256>}]} {
    %iota3A = tpu.iota {dimensions = array<i32: 0>} : vector<1024x1xi32>
    %mul3A = arith.constant 1024 : i32
    %mul3A_0 = arith.muli %arg0, %mul3A : i32
    %add3A = vector.broadcast %mul3A_0 : i32 to vector<1024x1xi32>
    %add3A_1 = arith.addi %iota3A, %add3A : vector<1024x1xi32>
    %lt3A = arith.constant 10000 : i32
    %lt3A_2 = vector.broadcast %lt3A : i32 to vector<1024x1xi32>
    %lt3A_3 = arith.cmpi slt, %add3A_1, %lt3A_2 : vector<1024x1xi32>
    %get3A = arith.constant 0 : index
    %get3A_4 = arith.constant 0 : index
    %get3A_5 = vector.load %arg3[%get3A, %get3A_4] : memref<1024x1xf32, #tpu.memory_space<vmem>>, vector<1024x1xf32>
    %get3A_6 = arith.constant 0 : index
    %get3A_7 = arith.constant 0 : index
    %get3A_8 = vector.load %arg1[%get3A_6, %get3A_7] : memref<1024x128xf32, #tpu.memory_space<vmem>>, vector<1024x128xf32>
    %mul3A_9 = vector.broadcast %get3A_5 : vector<1024x1xf32> to vector<1024x128xf32>
    %mul3A_10 = arith.mulf %get3A_8, %mul3A_9 : vector<1024x128xf32>
    %jit3A = arith.constant 0.000000e+00 : f32
    %broadcast_in_dim3A = vector.shape_cast %lt3A_3 : vector<1024x1xi1> to vector<1024x1xi1>
    %broadcast_in_dim3A_11 = vector.broadcast %broadcast_in_dim3A : vector<1024x1xi1> to vector<1024x128xi1>
    %broadcast_in_dim3A_12 = vector.broadcast %jit3A : f32 to vector<1024x128xf32>
    %select_n3A = arith.select %broadcast_in_dim3A_11, %mul3A_10, %broadcast_in_dim3A_12 : vector<1024x128xi1>, vector<1024x128xf32>
    %get3A_13 = arith.constant 0 : index
    %get3A_14 = arith.constant 0 : index
    %get3A_15 = vector.load %arg2[%get3A_13, %get3A_14] : memref<1024x128xf32, #tpu.memory_space<vmem>>, vector<1024x128xf32>
    %mul3A_16 = vector.broadcast %get3A_5 : vector<1024x1xf32> to vector<1024x128xf32>
    %mul3A_17 = arith.mulf %get3A_15, %mul3A_16 : vector<1024x128xf32>
    %jit3A_18 = arith.constant 0.000000e+00 : f32
    %broadcast_in_dim3A_19 = vector.shape_cast %lt3A_3 : vector<1024x1xi1> to vector<1024x1xi1>
    %broadcast_in_dim3A_20 = vector.broadcast %broadcast_in_dim3A_19 : vector<1024x1xi1> to vector<1024x128xi1>
    %broadcast_in_dim3A_21 = vector.broadcast %jit3A_18 : f32 to vector<1024x128xf32>
    %select_n3A_22 = arith.select %broadcast_in_dim3A_20, %mul3A_17, %broadcast_in_dim3A_21 : vector<1024x128xi1>, vector<1024x128xf32>
    %concatenate3A = tpu.concatenate %select_n3A, %select_n3A_22 in 1 : vector<1024x128xf32>, vector<1024x128xf32> -> vector<1024x256xf32>
    %reduce_sum3A = arith.constant dense<0.000000e+00> : vector<256xf32>
    %reduce_sum3A_23 = vector.multi_reduction <add>, %concatenate3A, %reduce_sum3A [0] : vector<1024x256xf32> to vector<256xf32>
    %broadcast_in_dim3A_24 = vector.shape_cast %reduce_sum3A_23 : vector<256xf32> to vector<1x256xf32>
    %mul3A_25 = arith.mulf %concatenate3A, %concatenate3A : vector<1024x256xf32>
    %reduce_sum3A_26 = arith.constant dense<0.000000e+00> : vector<256xf32>
    %reduce_sum3A_27 = vector.multi_reduction <add>, %mul3A_25, %reduce_sum3A_26 [0] : vector<1024x256xf32> to vector<256xf32>
    %broadcast_in_dim3A_28 = vector.shape_cast %reduce_sum3A_27 : vector<256xf32> to vector<1x256xf32>
    %broadcast_in_dim3A_29 = arith.constant 0.000000e+00 : f32
    %broadcast_in_dim3A_30 = vector.broadcast %broadcast_in_dim3A_29 : f32 to vector<6x256xf32>
    %concatenate3A_31 = tpu.concatenate %broadcast_in_dim3A_24, %broadcast_in_dim3A_28, %broadcast_in_dim3A_30 in 0 : vector<1x256xf32>, vector<1x256xf32>, vector<6x256xf32> -> vector<8x256xf32>
    %eq3A = arith.constant 0 : i32
    %eq3A_32 = arith.cmpi eq, %arg0, %eq3A : i32
    %convert_element_type3A = arith.extui %eq3A_32 : i1 to i32
    %cond3A = arith.constant 0 : i32
    %cond3A_33 = arith.cmpi ne, %convert_element_type3A, %cond3A : i32
    scf.if %cond3A_33 {
      %swap3A = arith.constant 0 : index
      %swap3A_38 = arith.constant 0 : index
      %swap3A_39 = vector.load %arg4[%swap3A, %swap3A_38] : memref<8x256xf32, #tpu.memory_space<vmem>>, vector<8x256xf32>
      tpu.vector_store %arg4[%swap3A, %swap3A_38], %concatenate3A_31 {strides = array<i32>} : memref<8x256xf32, #tpu.memory_space<vmem>>, vector<8x256xf32>,
    } else {
    }
    %ne3A = arith.constant 0 : i32
    %ne3A_34 = arith.cmpi ne, %arg0, %ne3A : i32
    %convert_element_type3A_35 = arith.extui %ne3A_34 : i1 to i32
    %cond3A_36 = arith.constant 0 : i32
    %cond3A_37 = arith.cmpi ne, %convert_element_type3A_35, %cond3A_36 : i32
    scf.if %cond3A_37 {
      %get3A_38 = arith.constant 0 : index
      %get3A_39 = arith.constant 0 : index
      %get3A_40 = vector.load %arg4[%get3A_38, %get3A_39] : memref<8x256xf32, #tpu.memory_space<vmem>>, vector<8x256xf32>
      %add3A_41 = arith.addf %get3A_40, %concatenate3A_31 : vector<8x256xf32>
      %swap3A = arith.constant 0 : index
      %swap3A_42 = arith.constant 0 : index
      %swap3A_43 = vector.load %arg4[%swap3A, %swap3A_42] : memref<8x256xf32, #tpu.memory_space<vmem>>, vector<8x256xf32>
      tpu.vector_store %arg4[%swap3A, %swap3A_42], %add3A_41 {strides = array<i32>} : memref<8x256xf32, #tpu.memory_space<vmem>>, vector<8x256xf32>,
    } else {
    }
    return
  }
  func.func @transform_0(%arg0: i32) -> (i32, i32) {
    %c0_i32 = arith.constant 0 : i32
    %c0_i32_0 = arith.constant 0 : i32
    return %arg0, %c0_i32 : i32, i32
  }
  func.func @transform_1(%arg0: i32) -> (i32, i32) {
    %add3A = arith.constant 10 : i32
    %add3A_0 = arith.addi %add3A, %arg0 : i32
    %c0_i32 = arith.constant 0 : i32
    %c0_i32_1 = arith.constant 0 : i32
    return %add3A_0, %c0_i32 : i32, i32
  }
  func.func @transform_2(%arg0: i32) -> (i32, i32) {
    %c0_i32 = arith.constant 0 : i32
    %c0_i32_0 = arith.constant 0 : i32
    return %arg0, %c0_i32 : i32, i32
  }
  func.func @transform_3(%arg0: i32) -> (i32, i32) {
    %c0_i32 = arith.constant 0 : i32
    %c0_i32_0 = arith.constant 0 : i32
    %c0_i32_1 = arith.constant 0 : i32
    return %c0_i32, %c0_i32_0 : i32, i32
  }
}

module attributes {stable_mosaic.version = 14 : i64} {
  func.func @_apply_mid_body(%arg0: i32, %arg1: i32, %arg2: memref<1024x128xf32, #tpu.memory_space<vmem>>, %arg3: memref<1024x128xf32, #tpu.memory_space<vmem>>, %arg4: memref<1024x1xf32, #tpu.memory_space<vmem>>, %arg5: memref<8x256xf32, #tpu.memory_space<vmem>>, %arg6: memref<1x256xf32, #tpu.memory_space<vmem>>, %arg7: memref<1x256xf32, #tpu.memory_space<vmem>>, %arg8: memref<256x128xf32, #tpu.memory_space<vmem>>, %arg9: memref<1024x128xf32, #tpu.memory_space<vmem>>) attributes {dimension_semantics = [#tpu.dimension_semantics<arbitrary>, #tpu.dimension_semantics<arbitrary>], iteration_bounds = array<i64: 10, 2>, scalar_prefetch = 0 : i64, scratch_operands = 0 : i64, tpu.core_type = #tpu.core_type<tc>, window_params = [{transform_indices = @transform_0, window_bounds = array<i64: 1024, 128>}, {transform_indices = @transform_1, window_bounds = array<i64: 1024, 128>}, {transform_indices = @transform_2, window_bounds = array<i64: 1024, 1>}, {pipeline_mode = #tpu.pipeline_mode<synchronous>, transform_indices = @transform_3, window_bounds = array<i64: 8, 256>}, {pipeline_mode = #tpu.pipeline_mode<synchronous>, transform_indices = @transform_4, window_bounds = array<i64: 1, 256>}, {pipeline_mode = #tpu.pipeline_mode<synchronous>, transform_indices = @transform_5, window_bounds = array<i64: 1, 256>}, {transform_indices = @transform_6, window_bounds = array<i64: 256, 128>}, {transform_indices = @transform_7, window_bounds = array<i64: 1024, 128>}]} {
    %get3A = arith.constant 0 : index
    %get3A_0 = arith.constant 0 : index
    %get3A_1 = vector.load %arg4[%get3A, %get3A_0] : memref<1024x1xf32, #tpu.memory_space<vmem>>, vector<1024x1xf32>
    %get3A_2 = arith.constant 0 : index
    %get3A_3 = arith.constant 0 : index
    %get3A_4 = vector.load %arg2[%get3A_2, %get3A_3] : memref<1024x128xf32, #tpu.memory_space<vmem>>, vector<1024x128xf32>
    %mul3A = vector.broadcast %get3A_1 : vector<1024x1xf32> to vector<1024x128xf32>
    %mul3A_5 = arith.mulf %get3A_4, %mul3A : vector<1024x128xf32>
    %get3A_6 = arith.constant 0 : index
    %get3A_7 = arith.constant 0 : index
    %get3A_8 = vector.load %arg5[%get3A_6, %get3A_7] : memref<8x256xf32, #tpu.memory_space<vmem>>, vector<1x128xf32>
    %get3A_9 = arith.constant 1 : index
    %get3A_10 = arith.constant 0 : index
    %get3A_11 = vector.load %arg5[%get3A_9, %get3A_10] : memref<8x256xf32, #tpu.memory_space<vmem>>, vector<1x128xf32>
    %get3A_12 = arith.constant 0 : index
    %get3A_13 = arith.constant 0 : index
    %get3A_14 = vector.load %arg6[%get3A_12, %get3A_13] : memref<1x256xf32, #tpu.memory_space<vmem>>, vector<1x128xf32>
    %get3A_15 = arith.constant 0 : index
    %get3A_16 = arith.constant 0 : index
    %get3A_17 = vector.load %arg7[%get3A_15, %get3A_16] : memref<1x256xf32, #tpu.memory_space<vmem>>, vector<1x128xf32>
    %mul3A_18 = arith.constant 9.99999974E-5 : f32
    %mul3A_19 = vector.broadcast %mul3A_18 : f32 to vector<1x128xf32>
    %mul3A_20 = arith.mulf %get3A_8, %mul3A_19 : vector<1x128xf32>
    %mul3A_21 = arith.constant 9.99999974E-5 : f32
    %mul3A_22 = vector.broadcast %mul3A_21 : f32 to vector<1x128xf32>
    %mul3A_23 = arith.mulf %get3A_11, %mul3A_22 : vector<1x128xf32>
    %mul3A_24 = arith.mulf %mul3A_20, %mul3A_20 : vector<1x128xf32>
    %sub3A = arith.subf %mul3A_23, %mul3A_24 : vector<1x128xf32>
    %sub3A_25 = vector.broadcast %mul3A_20 : vector<1x128xf32> to vector<1024x128xf32>
    %sub3A_26 = arith.subf %mul3A_5, %sub3A_25 : vector<1024x128xf32>
    %add3A = arith.constant 9.99999974E-6 : f32
    %add3A_27 = vector.broadcast %add3A : f32 to vector<1x128xf32>
    %add3A_28 = arith.addf %sub3A, %add3A_27 : vector<1x128xf32>
    %rsqrt3A = math.rsqrt %add3A_28 : vector<1x128xf32>
    %mul3A_29 = vector.broadcast %rsqrt3A : vector<1x128xf32> to vector<1024x128xf32>
    %mul3A_30 = arith.mulf %sub3A_26, %mul3A_29 : vector<1024x128xf32>
    %mul3A_31 = vector.broadcast %get3A_14 : vector<1x128xf32> to vector<1024x128xf32>
    %mul3A_32 = arith.mulf %mul3A_30, %mul3A_31 : vector<1024x128xf32>
    %add3A_33 = vector.broadcast %get3A_17 : vector<1x128xf32> to vector<1024x128xf32>
    %add3A_34 = arith.addf %mul3A_32, %add3A_33 : vector<1024x128xf32>
    %max3A = arith.constant 0.000000e+00 : f32
    %max3A_35 = vector.broadcast %max3A : f32 to vector<1024x128xf32>
    %max3A_36 = arith.maximumf %add3A_34, %max3A_35 : vector<1024x128xf32>
    %get3A_37 = arith.constant 0 : index
    %get3A_38 = arith.constant 0 : index
    %get3A_39 = vector.load %arg3[%get3A_37, %get3A_38] : memref<1024x128xf32, #tpu.memory_space<vmem>>, vector<1024x128xf32>
    %mul3A_40 = vector.broadcast %get3A_1 : vector<1024x1xf32> to vector<1024x128xf32>
    %mul3A_41 = arith.mulf %get3A_39, %mul3A_40 : vector<1024x128xf32>
    %get3A_42 = arith.constant 0 : index
    %get3A_43 = arith.constant 128 : index
    %get3A_44 = vector.load %arg5[%get3A_42, %get3A_43] : memref<8x256xf32, #tpu.memory_space<vmem>>, vector<1x128xf32>
    %get3A_45 = arith.constant 1 : index
    %get3A_46 = arith.constant 128 : index
    %get3A_47 = vector.load %arg5[%get3A_45, %get3A_46] : memref<8x256xf32, #tpu.memory_space<vmem>>, vector<1x128xf32>
    %get3A_48 = arith.constant 0 : index
    %get3A_49 = arith.constant 128 : index
    %get3A_50 = vector.load %arg6[%get3A_48, %get3A_49] : memref<1x256xf32, #tpu.memory_space<vmem>>, vector<1x128xf32>
    %get3A_51 = arith.constant 0 : index
    %get3A_52 = arith.constant 128 : index
    %get3A_53 = vector.load %arg7[%get3A_51, %get3A_52] : memref<1x256xf32, #tpu.memory_space<vmem>>, vector<1x128xf32>
    %mul3A_54 = arith.constant 9.99999974E-5 : f32
    %mul3A_55 = vector.broadcast %mul3A_54 : f32 to vector<1x128xf32>
    %mul3A_56 = arith.mulf %get3A_44, %mul3A_55 : vector<1x128xf32>
    %mul3A_57 = arith.constant 9.99999974E-5 : f32
    %mul3A_58 = vector.broadcast %mul3A_57 : f32 to vector<1x128xf32>
    %mul3A_59 = arith.mulf %get3A_47, %mul3A_58 : vector<1x128xf32>
    %mul3A_60 = arith.mulf %mul3A_56, %mul3A_56 : vector<1x128xf32>
    %sub3A_61 = arith.subf %mul3A_59, %mul3A_60 : vector<1x128xf32>
    %sub3A_62 = vector.broadcast %mul3A_56 : vector<1x128xf32> to vector<1024x128xf32>
    %sub3A_63 = arith.subf %mul3A_41, %sub3A_62 : vector<1024x128xf32>
    %add3A_64 = arith.constant 9.99999974E-6 : f32
    %add3A_65 = vector.broadcast %add3A_64 : f32 to vector<1x128xf32>
    %add3A_66 = arith.addf %sub3A_61, %add3A_65 : vector<1x128xf32>
    %rsqrt3A_67 = math.rsqrt %add3A_66 : vector<1x128xf32>
    %mul3A_68 = vector.broadcast %rsqrt3A_67 : vector<1x128xf32> to vector<1024x128xf32>
    %mul3A_69 = arith.mulf %sub3A_63, %mul3A_68 : vector<1024x128xf32>
    %mul3A_70 = vector.broadcast %get3A_50 : vector<1x128xf32> to vector<1024x128xf32>
    %mul3A_71 = arith.mulf %mul3A_69, %mul3A_70 : vector<1024x128xf32>
    %add3A_72 = vector.broadcast %get3A_53 : vector<1x128xf32> to vector<1024x128xf32>
    %add3A_73 = arith.addf %mul3A_71, %add3A_72 : vector<1024x128xf32>
    %max3A_74 = arith.constant 0.000000e+00 : f32
    %max3A_75 = vector.broadcast %max3A_74 : f32 to vector<1024x128xf32>
    %max3A_76 = arith.maximumf %add3A_73, %max3A_75 : vector<1024x128xf32>
    %get3A_77 = arith.constant 0 : index
    %get3A_78 = arith.constant 0 : index
    %get3A_79 = vector.load %arg8[%get3A_77, %get3A_78] : memref<256x128xf32, #tpu.memory_space<vmem>>, vector<128x128xf32>
    %dot_general3A = arith.constant dense<0.000000e+00> : vector<1024x128xf32>
    %dot_general3A_80 = tpu.matmul %max3A_36, %get3A_79, %dot_general3A {dimension_numbers = #tpu.dot_dimension_numbers<[1], [0], [0], [1], [0, 0, 1, 1], [], []>, transpose_lhs_hint = false} : vector<1024x128xf32>, vector<128x128xf32>, vector<1024x128xf32> -> vector<1024x128xf32>
    %get3A_81 = arith.constant 128 : index
    %get3A_82 = arith.constant 0 : index
    %get3A_83 = vector.load %arg8[%get3A_81, %get3A_82] : memref<256x128xf32, #tpu.memory_space<vmem>>, vector<128x128xf32>
    %dot_general3A_84 = arith.constant dense<0.000000e+00> : vector<1024x128xf32>
    %dot_general3A_85 = tpu.matmul %max3A_76, %get3A_83, %dot_general3A_84 {dimension_numbers = #tpu.dot_dimension_numbers<[1], [0], [0], [1], [0, 0, 1, 1], [], []>, transpose_lhs_hint = false} : vector<1024x128xf32>, vector<128x128xf32>, vector<1024x128xf32> -> vector<1024x128xf32>
    %add3A_86 = arith.addf %dot_general3A_80, %dot_general3A_85 : vector<1024x128xf32>
    %mul3A_87 = vector.broadcast %get3A_1 : vector<1024x1xf32> to vector<1024x128xf32>
    %mul3A_88 = arith.mulf %add3A_86, %mul3A_87 : vector<1024x128xf32>
    %iota3A = tpu.iota {dimensions = array<i32: 0>} : vector<1024x1xi32>
    %mul3A_89 = arith.constant 1024 : i32
    %mul3A_90 = arith.muli %arg0, %mul3A_89 : i32
    %add3A_91 = vector.broadcast %mul3A_90 : i32 to vector<1024x1xi32>
    %add3A_92 = arith.addi %iota3A, %add3A_91 : vector<1024x1xi32>
    %lt3A = arith.constant 10000 : i32
    %lt3A_93 = vector.broadcast %lt3A : i32 to vector<1024x1xi32>
    %lt3A_94 = arith.cmpi slt, %add3A_92, %lt3A_93 : vector<1024x1xi32>
    %jit3A = arith.constant 0.000000e+00 : f32
    %broadcast_in_dim3A = vector.shape_cast %lt3A_94 : vector<1024x1xi1> to vector<1024x1xi1>
    %broadcast_in_dim3A_95 = vector.broadcast %broadcast_in_dim3A : vector<1024x1xi1> to vector<1024x128xi1>
    %broadcast_in_dim3A_96 = vector.broadcast %jit3A : f32 to vector<1024x128xf32>
    %select_n3A = arith.select %broadcast_in_dim3A_95, %mul3A_88, %broadcast_in_dim3A_96 : vector<1024x128xi1>, vector<1024x128xf32>
    %swap3A = arith.constant 0 : index
    %swap3A_97 = arith.constant 0 : index
    %swap3A_98 = vector.load %arg9[%swap3A, %swap3A_97] : memref<1024x128xf32, #tpu.memory_space<vmem>>, vector<1024x128xf32>
    tpu.vector_store %arg9[%swap3A, %swap3A_97], %select_n3A {strides = array<i32>} : memref<1024x128xf32, #tpu.memory_space<vmem>>, vector<1024x128xf32>,
    return
  }
  func.func @transform_0(%arg0: i32, %arg1: i32) -> (i32, i32) {
    %c0_i32 = arith.constant 0 : i32
    %c0_i32_0 = arith.constant 0 : i32
    return %arg0, %c0_i32 : i32, i32
  }
  func.func @transform_1(%arg0: i32, %arg1: i32) -> (i32, i32) {
    %add3A = arith.constant 10 : i32
    %add3A_0 = arith.addi %add3A, %arg0 : i32
    %c0_i32 = arith.constant 0 : i32
    %c0_i32_1 = arith.constant 0 : i32
    return %add3A_0, %c0_i32 : i32, i32
  }
  func.func @transform_2(%arg0: i32, %arg1: i32) -> (i32, i32) {
    %c0_i32 = arith.constant 0 : i32
    %c0_i32_0 = arith.constant 0 : i32
    return %arg0, %c0_i32 : i32, i32
  }
  func.func @transform_3(%arg0: i32, %arg1: i32) -> (i32, i32) {
    %c0_i32 = arith.constant 0 : i32
    %c0_i32_0 = arith.constant 0 : i32
    %c0_i32_1 = arith.constant 0 : i32
    return %c0_i32, %c0_i32_0 : i32, i32
  }
  func.func @transform_4(%arg0: i32, %arg1: i32) -> (i32, i32) {
    %c0_i32 = arith.constant 0 : i32
    %c0_i32_0 = arith.constant 0 : i32
    %c0_i32_1 = arith.constant 0 : i32
    return %c0_i32, %c0_i32_0 : i32, i32
  }
  func.func @transform_5(%arg0: i32, %arg1: i32) -> (i32, i32) {
    %c0_i32 = arith.constant 0 : i32
    %c0_i32_0 = arith.constant 0 : i32
    %c0_i32_1 = arith.constant 0 : i32
    return %c0_i32, %c0_i32_0 : i32, i32
  }
  func.func @transform_6(%arg0: i32, %arg1: i32) -> (i32, i32) {
    %c0_i32 = arith.constant 0 : i32
    %c0_i32_0 = arith.constant 0 : i32
    return %c0_i32, %arg1 : i32, i32
  }
  func.func @transform_7(%arg0: i32, %arg1: i32) -> (i32, i32) {
    %mul3A = arith.constant 10 : i32
    %mul3A_0 = arith.muli %arg1, %mul3A : i32
    %add3A = arith.addi %mul3A_0, %arg0 : i32
    %c0_i32 = arith.constant 0 : i32
    %c0_i32_1 = arith.constant 0 : i32
    return %add3A, %c0_i32 : i32, i32
  }
}

module attributes {stable_mosaic.version = 14 : i64} {
  func.func @_emb_body(%arg0: i32, %arg1: memref<1024x128xf32, #tpu.memory_space<vmem>>, %arg2: memref<1024x128xf32, #tpu.memory_space<vmem>>, %arg3: memref<1024x1xf32, #tpu.memory_space<vmem>>, %arg4: memref<8x256xf32, #tpu.memory_space<vmem>>, %arg5: memref<1x256xf32, #tpu.memory_space<vmem>>, %arg6: memref<1x256xf32, #tpu.memory_space<vmem>>, %arg7: memref<256x256xf32, #tpu.memory_space<vmem>>, %arg8: memref<256x128xf32, #tpu.memory_space<vmem>>, %arg9: memref<1024x256xf32, #tpu.memory_space<vmem>>, %arg10: memref<1024x256xf32, #tpu.memory_space<vmem>>, %arg11: memref<1024x128xf32, #tpu.memory_space<vmem>>) attributes {dimension_semantics = [#tpu.dimension_semantics<arbitrary>], iteration_bounds = array<i64: 10>, scalar_prefetch = 0 : i64, scratch_operands = 0 : i64, tpu.core_type = #tpu.core_type<tc>, window_params = [{transform_indices = @transform_0, window_bounds = array<i64: 1024, 128>}, {transform_indices = @transform_1, window_bounds = array<i64: 1024, 128>}, {transform_indices = @transform_2, window_bounds = array<i64: 1024, 1>}, {pipeline_mode = #tpu.pipeline_mode<synchronous>, transform_indices = @transform_3, window_bounds = array<i64: 8, 256>}, {pipeline_mode = #tpu.pipeline_mode<synchronous>, transform_indices = @transform_4, window_bounds = array<i64: 1, 256>}, {pipeline_mode = #tpu.pipeline_mode<synchronous>, transform_indices = @transform_5, window_bounds = array<i64: 1, 256>}, {pipeline_mode = #tpu.pipeline_mode<synchronous>, transform_indices = @transform_6, window_bounds = array<i64: 256, 256>}, {pipeline_mode = #tpu.pipeline_mode<synchronous>, transform_indices = @transform_7, window_bounds = array<i64: 256, 128>}, {transform_indices = @transform_8, window_bounds = array<i64: 1024, 256>}, {transform_indices = @transform_9, window_bounds = array<i64: 1024, 256>}, {transform_indices = @transform_10, window_bounds = array<i64: 1024, 128>}]} {
    %get3A = arith.constant 0 : index
    %get3A_0 = arith.constant 0 : index
    %get3A_1 = vector.load %arg3[%get3A, %get3A_0] : memref<1024x1xf32, #tpu.memory_space<vmem>>, vector<1024x1xf32>
    %get3A_2 = arith.constant 0 : index
    %get3A_3 = arith.constant 0 : index
    %get3A_4 = vector.load %arg1[%get3A_2, %get3A_3] : memref<1024x128xf32, #tpu.memory_space<vmem>>, vector<1024x128xf32>
    %mul3A = vector.broadcast %get3A_1 : vector<1024x1xf32> to vector<1024x128xf32>
    %mul3A_5 = arith.mulf %get3A_4, %mul3A : vector<1024x128xf32>
    %get3A_6 = arith.constant 0 : index
    %get3A_7 = arith.constant 0 : index
    %get3A_8 = vector.load %arg4[%get3A_6, %get3A_7] : memref<8x256xf32, #tpu.memory_space<vmem>>, vector<1x128xf32>
    %get3A_9 = arith.constant 1 : index
    %get3A_10 = arith.constant 0 : index
    %get3A_11 = vector.load %arg4[%get3A_9, %get3A_10] : memref<8x256xf32, #tpu.memory_space<vmem>>, vector<1x128xf32>
    %get3A_12 = arith.constant 0 : index
    %get3A_13 = arith.constant 0 : index
    %get3A_14 = vector.load %arg5[%get3A_12, %get3A_13] : memref<1x256xf32, #tpu.memory_space<vmem>>, vector<1x128xf32>
    %get3A_15 = arith.constant 0 : index
    %get3A_16 = arith.constant 0 : index
    %get3A_17 = vector.load %arg6[%get3A_15, %get3A_16] : memref<1x256xf32, #tpu.memory_space<vmem>>, vector<1x128xf32>
    %mul3A_18 = arith.constant 9.99999974E-5 : f32
    %mul3A_19 = vector.broadcast %mul3A_18 : f32 to vector<1x128xf32>
    %mul3A_20 = arith.mulf %get3A_8, %mul3A_19 : vector<1x128xf32>
    %mul3A_21 = arith.constant 9.99999974E-5 : f32
    %mul3A_22 = vector.broadcast %mul3A_21 : f32 to vector<1x128xf32>
    %mul3A_23 = arith.mulf %get3A_11, %mul3A_22 : vector<1x128xf32>
    %mul3A_24 = arith.mulf %mul3A_20, %mul3A_20 : vector<1x128xf32>
    %sub3A = arith.subf %mul3A_23, %mul3A_24 : vector<1x128xf32>
    %sub3A_25 = vector.broadcast %mul3A_20 : vector<1x128xf32> to vector<1024x128xf32>
    %sub3A_26 = arith.subf %mul3A_5, %sub3A_25 : vector<1024x128xf32>
    %add3A = arith.constant 9.99999974E-6 : f32
    %add3A_27 = vector.broadcast %add3A : f32 to vector<1x128xf32>
    %add3A_28 = arith.addf %sub3A, %add3A_27 : vector<1x128xf32>
    %rsqrt3A = math.rsqrt %add3A_28 : vector<1x128xf32>
    %mul3A_29 = vector.broadcast %rsqrt3A : vector<1x128xf32> to vector<1024x128xf32>
    %mul3A_30 = arith.mulf %sub3A_26, %mul3A_29 : vector<1024x128xf32>
    %mul3A_31 = vector.broadcast %get3A_14 : vector<1x128xf32> to vector<1024x128xf32>
    %mul3A_32 = arith.mulf %mul3A_30, %mul3A_31 : vector<1024x128xf32>
    %add3A_33 = vector.broadcast %get3A_17 : vector<1x128xf32> to vector<1024x128xf32>
    %add3A_34 = arith.addf %mul3A_32, %add3A_33 : vector<1024x128xf32>
    %max3A = arith.constant 0.000000e+00 : f32
    %max3A_35 = vector.broadcast %max3A : f32 to vector<1024x128xf32>
    %max3A_36 = arith.maximumf %add3A_34, %max3A_35 : vector<1024x128xf32>
    %get3A_37 = arith.constant 0 : index
    %get3A_38 = arith.constant 0 : index
    %get3A_39 = vector.load %arg2[%get3A_37, %get3A_38] : memref<1024x128xf32, #tpu.memory_space<vmem>>, vector<1024x128xf32>
    %mul3A_40 = vector.broadcast %get3A_1 : vector<1024x1xf32> to vector<1024x128xf32>
    %mul3A_41 = arith.mulf %get3A_39, %mul3A_40 : vector<1024x128xf32>
    %get3A_42 = arith.constant 0 : index
    %get3A_43 = arith.constant 128 : index
    %get3A_44 = vector.load %arg4[%get3A_42, %get3A_43] : memref<8x256xf32, #tpu.memory_space<vmem>>, vector<1x128xf32>
    %get3A_45 = arith.constant 1 : index
    %get3A_46 = arith.constant 128 : index
    %get3A_47 = vector.load %arg4[%get3A_45, %get3A_46] : memref<8x256xf32, #tpu.memory_space<vmem>>, vector<1x128xf32>
    %get3A_48 = arith.constant 0 : index
    %get3A_49 = arith.constant 128 : index
    %get3A_50 = vector.load %arg5[%get3A_48, %get3A_49] : memref<1x256xf32, #tpu.memory_space<vmem>>, vector<1x128xf32>
    %get3A_51 = arith.constant 0 : index
    %get3A_52 = arith.constant 128 : index
    %get3A_53 = vector.load %arg6[%get3A_51, %get3A_52] : memref<1x256xf32, #tpu.memory_space<vmem>>, vector<1x128xf32>
    %mul3A_54 = arith.constant 9.99999974E-5 : f32
    %mul3A_55 = vector.broadcast %mul3A_54 : f32 to vector<1x128xf32>
    %mul3A_56 = arith.mulf %get3A_44, %mul3A_55 : vector<1x128xf32>
    %mul3A_57 = arith.constant 9.99999974E-5 : f32
    %mul3A_58 = vector.broadcast %mul3A_57 : f32 to vector<1x128xf32>
    %mul3A_59 = arith.mulf %get3A_47, %mul3A_58 : vector<1x128xf32>
    %mul3A_60 = arith.mulf %mul3A_56, %mul3A_56 : vector<1x128xf32>
    %sub3A_61 = arith.subf %mul3A_59, %mul3A_60 : vector<1x128xf32>
    %sub3A_62 = vector.broadcast %mul3A_56 : vector<1x128xf32> to vector<1024x128xf32>
    %sub3A_63 = arith.subf %mul3A_41, %sub3A_62 : vector<1024x128xf32>
    %add3A_64 = arith.constant 9.99999974E-6 : f32
    %add3A_65 = vector.broadcast %add3A_64 : f32 to vector<1x128xf32>
    %add3A_66 = arith.addf %sub3A_61, %add3A_65 : vector<1x128xf32>
    %rsqrt3A_67 = math.rsqrt %add3A_66 : vector<1x128xf32>
    %mul3A_68 = vector.broadcast %rsqrt3A_67 : vector<1x128xf32> to vector<1024x128xf32>
    %mul3A_69 = arith.mulf %sub3A_63, %mul3A_68 : vector<1024x128xf32>
    %mul3A_70 = vector.broadcast %get3A_50 : vector<1x128xf32> to vector<1024x128xf32>
    %mul3A_71 = arith.mulf %mul3A_69, %mul3A_70 : vector<1024x128xf32>
    %add3A_72 = vector.broadcast %get3A_53 : vector<1x128xf32> to vector<1024x128xf32>
    %add3A_73 = arith.addf %mul3A_71, %add3A_72 : vector<1024x128xf32>
    %max3A_74 = arith.constant 0.000000e+00 : f32
    %max3A_75 = vector.broadcast %max3A_74 : f32 to vector<1024x128xf32>
    %max3A_76 = arith.maximumf %add3A_73, %max3A_75 : vector<1024x128xf32>
    %iota3A = tpu.iota {dimensions = array<i32: 0>} : vector<1024x1xi32>
    %mul3A_77 = arith.constant 1024 : i32
    %mul3A_78 = arith.muli %arg0, %mul3A_77 : i32
    %add3A_79 = vector.broadcast %mul3A_78 : i32 to vector<1024x1xi32>
    %add3A_80 = arith.addi %iota3A, %add3A_79 : vector<1024x1xi32>
    %lt3A = arith.constant 10000 : i32
    %lt3A_81 = vector.broadcast %lt3A : i32 to vector<1024x1xi32>
    %lt3A_82 = arith.cmpi slt, %add3A_80, %lt3A_81 : vector<1024x1xi32>
    %concatenate3A = tpu.concatenate %max3A_36, %max3A_76 in 1 : vector<1024x128xf32>, vector<1024x128xf32> -> vector<1024x256xf32>
    %jit3A = arith.constant 0.000000e+00 : f32
    %broadcast_in_dim3A = vector.shape_cast %lt3A_82 : vector<1024x1xi1> to vector<1024x1xi1>
    %broadcast_in_dim3A_83 = vector.broadcast %broadcast_in_dim3A : vector<1024x1xi1> to vector<1024x256xi1>
    %broadcast_in_dim3A_84 = vector.broadcast %jit3A : f32 to vector<1024x256xf32>
    %select_n3A = arith.select %broadcast_in_dim3A_83, %concatenate3A, %broadcast_in_dim3A_84 : vector<1024x256xi1>, vector<1024x256xf32>
    %swap3A = arith.constant 0 : index
    %swap3A_85 = arith.constant 0 : index
    %swap3A_86 = vector.load %arg9[%swap3A, %swap3A_85] : memref<1024x256xf32, #tpu.memory_space<vmem>>, vector<1024x256xf32>
    tpu.vector_store %arg9[%swap3A, %swap3A_85], %select_n3A {strides = array<i32>} : memref<1024x256xf32, #tpu.memory_space<vmem>>, vector<1024x256xf32>,
    %get3A_87 = arith.constant 0 : index
    %get3A_88 = arith.constant 0 : index
    %get3A_89 = vector.load %arg7[%get3A_87, %get3A_88] : memref<256x256xf32, #tpu.memory_space<vmem>>, vector<256x256xf32>
    %dot_general3A = arith.constant dense<0.000000e+00> : vector<1024x256xf32>
    %dot_general3A_90 = tpu.matmul %select_n3A, %get3A_89, %dot_general3A {dimension_numbers = #tpu.dot_dimension_numbers<[1], [0], [0], [1], [0, 0, 1, 1], [], []>, transpose_lhs_hint = false} : vector<1024x256xf32>, vector<256x256xf32>, vector<1024x256xf32> -> vector<1024x256xf32>
    %swap3A_91 = arith.constant 0 : index
    %swap3A_92 = arith.constant 0 : index
    %swap3A_93 = vector.load %arg10[%swap3A_91, %swap3A_92] : memref<1024x256xf32, #tpu.memory_space<vmem>>, vector<1024x256xf32>
    tpu.vector_store %arg10[%swap3A_91, %swap3A_92], %dot_general3A_90 {strides = array<i32>} : memref<1024x256xf32, #tpu.memory_space<vmem>>, vector<1024x256xf32>,
    %get3A_94 = arith.constant 0 : index
    %get3A_95 = arith.constant 0 : index
    %get3A_96 = vector.load %arg8[%get3A_94, %get3A_95] : memref<256x128xf32, #tpu.memory_space<vmem>>, vector<256x128xf32>
    %dot_general3A_97 = arith.constant dense<0.000000e+00> : vector<1024x128xf32>
    %dot_general3A_98 = tpu.matmul %select_n3A, %get3A_96, %dot_general3A_97 {dimension_numbers = #tpu.dot_dimension_numbers<[1], [0], [0], [1], [0, 0, 1, 1], [], []>, transpose_lhs_hint = false} : vector<1024x256xf32>, vector<256x128xf32>, vector<1024x128xf32> -> vector<1024x128xf32>
    %swap3A_99 = arith.constant 0 : index
    %swap3A_100 = arith.constant 0 : index
    %swap3A_101 = vector.load %arg11[%swap3A_99, %swap3A_100] : memref<1024x128xf32, #tpu.memory_space<vmem>>, vector<1024x128xf32>
    tpu.vector_store %arg11[%swap3A_99, %swap3A_100], %dot_general3A_98 {strides = array<i32>} : memref<1024x128xf32, #tpu.memory_space<vmem>>, vector<1024x128xf32>,
    return
  }
  func.func @transform_0(%arg0: i32) -> (i32, i32) {
    %c0_i32 = arith.constant 0 : i32
    %c0_i32_0 = arith.constant 0 : i32
    return %arg0, %c0_i32 : i32, i32
  }
  func.func @transform_1(%arg0: i32) -> (i32, i32) {
    %add3A = arith.constant 10 : i32
    %add3A_0 = arith.addi %add3A, %arg0 : i32
    %c0_i32 = arith.constant 0 : i32
    %c0_i32_1 = arith.constant 0 : i32
    return %add3A_0, %c0_i32 : i32, i32
  }
  func.func @transform_2(%arg0: i32) -> (i32, i32) {
    %c0_i32 = arith.constant 0 : i32
    %c0_i32_0 = arith.constant 0 : i32
    return %arg0, %c0_i32 : i32, i32
  }
  func.func @transform_3(%arg0: i32) -> (i32, i32) {
    %c0_i32 = arith.constant 0 : i32
    %c0_i32_0 = arith.constant 0 : i32
    %c0_i32_1 = arith.constant 0 : i32
    return %c0_i32, %c0_i32_0 : i32, i32
  }
  func.func @transform_4(%arg0: i32) -> (i32, i32) {
    %c0_i32 = arith.constant 0 : i32
    %c0_i32_0 = arith.constant 0 : i32
    %c0_i32_1 = arith.constant 0 : i32
    return %c0_i32, %c0_i32_0 : i32, i32
  }
  func.func @transform_5(%arg0: i32) -> (i32, i32) {
    %c0_i32 = arith.constant 0 : i32
    %c0_i32_0 = arith.constant 0 : i32
    %c0_i32_1 = arith.constant 0 : i32
    return %c0_i32, %c0_i32_0 : i32, i32
  }
  func.func @transform_6(%arg0: i32) -> (i32, i32) {
    %c0_i32 = arith.constant 0 : i32
    %c0_i32_0 = arith.constant 0 : i32
    %c0_i32_1 = arith.constant 0 : i32
    return %c0_i32, %c0_i32_0 : i32, i32
  }
  func.func @transform_7(%arg0: i32) -> (i32, i32) {
    %c0_i32 = arith.constant 0 : i32
    %c0_i32_0 = arith.constant 0 : i32
    %c0_i32_1 = arith.constant 0 : i32
    return %c0_i32, %c0_i32_0 : i32, i32
  }
  func.func @transform_8(%arg0: i32) -> (i32, i32) {
    %c0_i32 = arith.constant 0 : i32
    %c0_i32_0 = arith.constant 0 : i32
    return %arg0, %c0_i32 : i32, i32
  }
  func.func @transform_9(%arg0: i32) -> (i32, i32) {
    %c0_i32 = arith.constant 0 : i32
    %c0_i32_0 = arith.constant 0 : i32
    return %arg0, %c0_i32 : i32, i32
  }
  func.func @transform_10(%arg0: i32) -> (i32, i32) {
    %c0_i32 = arith.constant 0 : i32
    %c0_i32_0 = arith.constant 0 : i32
    return %arg0, %c0_i32 : i32, i32
  }
}

module attributes {stable_mosaic.version = 14 : i64} {
  func.func @body(%arg0: i32, %arg1: memref<1024x128xf32, #tpu.memory_space<vmem>>, %arg2: memref<8x128xf32, #tpu.memory_space<vmem>>) attributes {dimension_semantics = [#tpu.dimension_semantics<arbitrary>], iteration_bounds = array<i64: 10>, scalar_prefetch = 0 : i64, scratch_operands = 0 : i64, tpu.core_type = #tpu.core_type<tc>, window_params = [{transform_indices = @transform_0, window_bounds = array<i64: 1024, 128>}, {pipeline_mode = #tpu.pipeline_mode<synchronous>, transform_indices = @transform_1, window_bounds = array<i64: 8, 128>}]} {
    %iota3A = tpu.iota {dimensions = array<i32: 0>} : vector<1024x1xi32>
    %mul3A = arith.constant 1024 : i32
    %mul3A_0 = arith.muli %arg0, %mul3A : i32
    %add3A = vector.broadcast %mul3A_0 : i32 to vector<1024x1xi32>
    %add3A_1 = arith.addi %iota3A, %add3A : vector<1024x1xi32>
    %lt3A = arith.constant 10000 : i32
    %lt3A_2 = vector.broadcast %lt3A : i32 to vector<1024x1xi32>
    %lt3A_3 = arith.cmpi slt, %add3A_1, %lt3A_2 : vector<1024x1xi32>
    %get3A = arith.constant 0 : index
    %get3A_4 = arith.constant 0 : index
    %get3A_5 = vector.load %arg1[%get3A, %get3A_4] : memref<1024x128xf32, #tpu.memory_space<vmem>>, vector<1024x128xf32>
    %jit3A = arith.constant 0.000000e+00 : f32
    %broadcast_in_dim3A = vector.shape_cast %lt3A_3 : vector<1024x1xi1> to vector<1024x1xi1>
    %broadcast_in_dim3A_6 = vector.broadcast %broadcast_in_dim3A : vector<1024x1xi1> to vector<1024x128xi1>
    %broadcast_in_dim3A_7 = vector.broadcast %jit3A : f32 to vector<1024x128xf32>
    %select_n3A = arith.select %broadcast_in_dim3A_6, %get3A_5, %broadcast_in_dim3A_7 : vector<1024x128xi1>, vector<1024x128xf32>
    %reduce_sum3A = arith.constant dense<0.000000e+00> : vector<128xf32>
    %reduce_sum3A_8 = vector.multi_reduction <add>, %select_n3A, %reduce_sum3A [0] : vector<1024x128xf32> to vector<128xf32>
    %broadcast_in_dim3A_9 = vector.shape_cast %reduce_sum3A_8 : vector<128xf32> to vector<1x128xf32>
    %mul3A_10 = arith.mulf %select_n3A, %select_n3A : vector<1024x128xf32>
    %reduce_sum3A_11 = arith.constant dense<0.000000e+00> : vector<128xf32>
    %reduce_sum3A_12 = vector.multi_reduction <add>, %mul3A_10, %reduce_sum3A_11 [0] : vector<1024x128xf32> to vector<128xf32>
    %broadcast_in_dim3A_13 = vector.shape_cast %reduce_sum3A_12 : vector<128xf32> to vector<1x128xf32>
    %broadcast_in_dim3A_14 = arith.constant 0.000000e+00 : f32
    %broadcast_in_dim3A_15 = vector.broadcast %broadcast_in_dim3A_14 : f32 to vector<6x128xf32>
    %concatenate3A = tpu.concatenate %broadcast_in_dim3A_9, %broadcast_in_dim3A_13, %broadcast_in_dim3A_15 in 0 : vector<1x128xf32>, vector<1x128xf32>, vector<6x128xf32> -> vector<8x128xf32>
    %eq3A = arith.constant 0 : i32
    %eq3A_16 = arith.cmpi eq, %arg0, %eq3A : i32
    %convert_element_type3A = arith.extui %eq3A_16 : i1 to i32
    %cond3A = arith.constant 0 : i32
    %cond3A_17 = arith.cmpi ne, %convert_element_type3A, %cond3A : i32
    scf.if %cond3A_17 {
      %swap3A = arith.constant 0 : index
      %swap3A_22 = arith.constant 0 : index
      %swap3A_23 = vector.load %arg2[%swap3A, %swap3A_22] : memref<8x128xf32, #tpu.memory_space<vmem>>, vector<8x128xf32>
      tpu.vector_store %arg2[%swap3A, %swap3A_22], %concatenate3A {strides = array<i32>} : memref<8x128xf32, #tpu.memory_space<vmem>>, vector<8x128xf32>,
    } else {
    }
    %ne3A = arith.constant 0 : i32
    %ne3A_18 = arith.cmpi ne, %arg0, %ne3A : i32
    %convert_element_type3A_19 = arith.extui %ne3A_18 : i1 to i32
    %cond3A_20 = arith.constant 0 : i32
    %cond3A_21 = arith.cmpi ne, %convert_element_type3A_19, %cond3A_20 : i32
    scf.if %cond3A_21 {
      %get3A_22 = arith.constant 0 : index
      %get3A_23 = arith.constant 0 : index
      %get3A_24 = vector.load %arg2[%get3A_22, %get3A_23] : memref<8x128xf32, #tpu.memory_space<vmem>>, vector<8x128xf32>
      %add3A_25 = arith.addf %get3A_24, %concatenate3A : vector<8x128xf32>
      %swap3A = arith.constant 0 : index
      %swap3A_26 = arith.constant 0 : index
      %swap3A_27 = vector.load %arg2[%swap3A, %swap3A_26] : memref<8x128xf32, #tpu.memory_space<vmem>>, vector<8x128xf32>
      tpu.vector_store %arg2[%swap3A, %swap3A_26], %add3A_25 {strides = array<i32>} : memref<8x128xf32, #tpu.memory_space<vmem>>, vector<8x128xf32>,
    } else {
    }
    return
  }
  func.func @transform_0(%arg0: i32) -> (i32, i32) {
    %c0_i32 = arith.constant 0 : i32
    %c0_i32_0 = arith.constant 0 : i32
    return %arg0, %c0_i32 : i32, i32
  }
  func.func @transform_1(%arg0: i32) -> (i32, i32) {
    %c0_i32 = arith.constant 0 : i32
    %c0_i32_0 = arith.constant 0 : i32
    %c0_i32_1 = arith.constant 0 : i32
    return %c0_i32, %c0_i32_0 : i32, i32
  }
}

module attributes {stable_mosaic.version = 14 : i64} {
  func.func @body(%arg0: i32, %arg1: memref<1024x128xf32, #tpu.memory_space<vmem>>, %arg2: memref<8x128xf32, #tpu.memory_space<vmem>>, %arg3: memref<1x128xf32, #tpu.memory_space<vmem>>, %arg4: memref<1x128xf32, #tpu.memory_space<vmem>>, %arg5: memref<128x6xf32, #tpu.memory_space<vmem>>, %arg6: memref<1x6xf32, #tpu.memory_space<vmem>>, %arg7: memref<1024x6xf32, #tpu.memory_space<vmem>>) attributes {dimension_semantics = [#tpu.dimension_semantics<arbitrary>], iteration_bounds = array<i64: 10>, scalar_prefetch = 0 : i64, scratch_operands = 0 : i64, tpu.core_type = #tpu.core_type<tc>, window_params = [{transform_indices = @transform_0, window_bounds = array<i64: 1024, 128>}, {pipeline_mode = #tpu.pipeline_mode<synchronous>, transform_indices = @transform_1, window_bounds = array<i64: 8, 128>}, {pipeline_mode = #tpu.pipeline_mode<synchronous>, transform_indices = @transform_2, window_bounds = array<i64: 1, 128>}, {pipeline_mode = #tpu.pipeline_mode<synchronous>, transform_indices = @transform_3, window_bounds = array<i64: 1, 128>}, {pipeline_mode = #tpu.pipeline_mode<synchronous>, transform_indices = @transform_4, window_bounds = array<i64: 128, 6>}, {pipeline_mode = #tpu.pipeline_mode<synchronous>, transform_indices = @transform_5, window_bounds = array<i64: 1, 6>}, {transform_indices = @transform_6, window_bounds = array<i64: 1024, 6>}]} {
    %get3A = arith.constant 0 : index
    %get3A_0 = arith.constant 0 : index
    %get3A_1 = vector.load %arg1[%get3A, %get3A_0] : memref<1024x128xf32, #tpu.memory_space<vmem>>, vector<1024x128xf32>
    %get3A_2 = arith.constant 0 : index
    %get3A_3 = arith.constant 0 : index
    %get3A_4 = vector.load %arg2[%get3A_2, %get3A_3] : memref<8x128xf32, #tpu.memory_space<vmem>>, vector<1x128xf32>
    %get3A_5 = arith.constant 1 : index
    %get3A_6 = arith.constant 0 : index
    %get3A_7 = vector.load %arg2[%get3A_5, %get3A_6] : memref<8x128xf32, #tpu.memory_space<vmem>>, vector<1x128xf32>
    %get3A_8 = arith.constant 0 : index
    %get3A_9 = arith.constant 0 : index
    %get3A_10 = vector.load %arg3[%get3A_8, %get3A_9] : memref<1x128xf32, #tpu.memory_space<vmem>>, vector<1x128xf32>
    %get3A_11 = arith.constant 0 : index
    %get3A_12 = arith.constant 0 : index
    %get3A_13 = vector.load %arg4[%get3A_11, %get3A_12] : memref<1x128xf32, #tpu.memory_space<vmem>>, vector<1x128xf32>
    %mul3A = arith.constant 9.99999974E-5 : f32
    %mul3A_14 = vector.broadcast %mul3A : f32 to vector<1x128xf32>
    %mul3A_15 = arith.mulf %get3A_4, %mul3A_14 : vector<1x128xf32>
    %mul3A_16 = arith.constant 9.99999974E-5 : f32
    %mul3A_17 = vector.broadcast %mul3A_16 : f32 to vector<1x128xf32>
    %mul3A_18 = arith.mulf %get3A_7, %mul3A_17 : vector<1x128xf32>
    %mul3A_19 = arith.mulf %mul3A_15, %mul3A_15 : vector<1x128xf32>
    %sub3A = arith.subf %mul3A_18, %mul3A_19 : vector<1x128xf32>
    %sub3A_20 = vector.broadcast %mul3A_15 : vector<1x128xf32> to vector<1024x128xf32>
    %sub3A_21 = arith.subf %get3A_1, %sub3A_20 : vector<1024x128xf32>
    %add3A = arith.constant 9.99999974E-6 : f32
    %add3A_22 = vector.broadcast %add3A : f32 to vector<1x128xf32>
    %add3A_23 = arith.addf %sub3A, %add3A_22 : vector<1x128xf32>
    %rsqrt3A = math.rsqrt %add3A_23 : vector<1x128xf32>
    %mul3A_24 = vector.broadcast %rsqrt3A : vector<1x128xf32> to vector<1024x128xf32>
    %mul3A_25 = arith.mulf %sub3A_21, %mul3A_24 : vector<1024x128xf32>
    %mul3A_26 = vector.broadcast %get3A_10 : vector<1x128xf32> to vector<1024x128xf32>
    %mul3A_27 = arith.mulf %mul3A_25, %mul3A_26 : vector<1024x128xf32>
    %add3A_28 = vector.broadcast %get3A_13 : vector<1x128xf32> to vector<1024x128xf32>
    %add3A_29 = arith.addf %mul3A_27, %add3A_28 : vector<1024x128xf32>
    %max3A = arith.constant 0.000000e+00 : f32
    %max3A_30 = vector.broadcast %max3A : f32 to vector<1024x128xf32>
    %max3A_31 = arith.maximumf %add3A_29, %max3A_30 : vector<1024x128xf32>
    %get3A_32 = arith.constant 0 : index
    %get3A_33 = arith.constant 0 : index
    %get3A_34 = vector.load %arg5[%get3A_32, %get3A_33] : memref<128x6xf32, #tpu.memory_space<vmem>>, vector<128x6xf32>
    %dot_general3A = arith.constant dense<0.000000e+00> : vector<1024x6xf32>
    %dot_general3A_35 = tpu.matmul %max3A_31, %get3A_34, %dot_general3A {dimension_numbers = #tpu.dot_dimension_numbers<[1], [0], [0], [1], [0, 0, 1, 1], [], []>, transpose_lhs_hint = false} : vector<1024x128xf32>, vector<128x6xf32>, vector<1024x6xf32> -> vector<1024x6xf32>
    %get3A_36 = arith.constant 0 : index
    %get3A_37 = arith.constant 0 : index
    %get3A_38 = vector.load %arg6[%get3A_36, %get3A_37] : memref<1x6xf32, #tpu.memory_space<vmem>>, vector<1x6xf32>
    %add3A_39 = vector.broadcast %get3A_38 : vector<1x6xf32> to vector<1024x6xf32>
    %add3A_40 = arith.addf %dot_general3A_35, %add3A_39 : vector<1024x6xf32>
    %swap3A = arith.constant 0 : index
    %swap3A_41 = arith.constant 0 : index
    %swap3A_42 = vector.load %arg7[%swap3A, %swap3A_41] : memref<1024x6xf32, #tpu.memory_space<vmem>>, vector<1024x6xf32>
    tpu.vector_store %arg7[%swap3A, %swap3A_41], %add3A_40 {strides = array<i32>} : memref<1024x6xf32, #tpu.memory_space<vmem>>, vector<1024x6xf32>,
    return
  }
  func.func @transform_0(%arg0: i32) -> (i32, i32) {
    %c0_i32 = arith.constant 0 : i32
    %c0_i32_0 = arith.constant 0 : i32
    return %arg0, %c0_i32 : i32, i32
  }
  func.func @transform_1(%arg0: i32) -> (i32, i32) {
    %c0_i32 = arith.constant 0 : i32
    %c0_i32_0 = arith.constant 0 : i32
    %c0_i32_1 = arith.constant 0 : i32
    return %c0_i32, %c0_i32_0 : i32, i32
  }
  func.func @transform_2(%arg0: i32) -> (i32, i32) {
    %c0_i32 = arith.constant 0 : i32
    %c0_i32_0 = arith.constant 0 : i32
    %c0_i32_1 = arith.constant 0 : i32
    return %c0_i32, %c0_i32_0 : i32, i32
  }
  func.func @transform_3(%arg0: i32) -> (i32, i32) {
    %c0_i32 = arith.constant 0 : i32
    %c0_i32_0 = arith.constant 0 : i32
    %c0_i32_1 = arith.constant 0 : i32
    return %c0_i32, %c0_i32_0 : i32, i32
  }
  func.func @transform_4(%arg0: i32) -> (i32, i32) {
    %c0_i32 = arith.constant 0 : i32
    %c0_i32_0 = arith.constant 0 : i32
    %c0_i32_1 = arith.constant 0 : i32
    return %c0_i32, %c0_i32_0 : i32, i32
  }
  func.func @transform_5(%arg0: i32) -> (i32, i32) {
    %c0_i32 = arith.constant 0 : i32
    %c0_i32_0 = arith.constant 0 : i32
    %c0_i32_1 = arith.constant 0 : i32
    return %c0_i32, %c0_i32_0 : i32, i32
  }
  func.func @transform_6(%arg0: i32) -> (i32, i32) {
    %c0_i32 = arith.constant 0 : i32
    %c0_i32_0 = arith.constant 0 : i32
    return %arg0, %c0_i32 : i32, i32
  }
}

module attributes {stable_mosaic.version = 14 : i64} {
  func.func @body(%arg0: i32, %arg1: memref<1024x256xf32, #tpu.memory_space<vmem>>, %arg2: memref<8x256xf32, #tpu.memory_space<vmem>>) attributes {dimension_semantics = [#tpu.dimension_semantics<arbitrary>], iteration_bounds = array<i64: 10>, scalar_prefetch = 0 : i64, scratch_operands = 0 : i64, tpu.core_type = #tpu.core_type<tc>, window_params = [{transform_indices = @transform_0, window_bounds = array<i64: 1024, 256>}, {pipeline_mode = #tpu.pipeline_mode<synchronous>, transform_indices = @transform_1, window_bounds = array<i64: 8, 256>}]} {
    %iota3A = tpu.iota {dimensions = array<i32: 0>} : vector<1024x1xi32>
    %mul3A = arith.constant 1024 : i32
    %mul3A_0 = arith.muli %arg0, %mul3A : i32
    %add3A = vector.broadcast %mul3A_0 : i32 to vector<1024x1xi32>
    %add3A_1 = arith.addi %iota3A, %add3A : vector<1024x1xi32>
    %lt3A = arith.constant 10000 : i32
    %lt3A_2 = vector.broadcast %lt3A : i32 to vector<1024x1xi32>
    %lt3A_3 = arith.cmpi slt, %add3A_1, %lt3A_2 : vector<1024x1xi32>
    %get3A = arith.constant 0 : index
    %get3A_4 = arith.constant 0 : index
    %get3A_5 = vector.load %arg1[%get3A, %get3A_4] : memref<1024x256xf32, #tpu.memory_space<vmem>>, vector<1024x256xf32>
    %jit3A = arith.constant 0.000000e+00 : f32
    %broadcast_in_dim3A = vector.shape_cast %lt3A_3 : vector<1024x1xi1> to vector<1024x1xi1>
    %broadcast_in_dim3A_6 = vector.broadcast %broadcast_in_dim3A : vector<1024x1xi1> to vector<1024x256xi1>
    %broadcast_in_dim3A_7 = vector.broadcast %jit3A : f32 to vector<1024x256xf32>
    %select_n3A = arith.select %broadcast_in_dim3A_6, %get3A_5, %broadcast_in_dim3A_7 : vector<1024x256xi1>, vector<1024x256xf32>
    %reduce_sum3A = arith.constant dense<0.000000e+00> : vector<256xf32>
    %reduce_sum3A_8 = vector.multi_reduction <add>, %select_n3A, %reduce_sum3A [0] : vector<1024x256xf32> to vector<256xf32>
    %broadcast_in_dim3A_9 = vector.shape_cast %reduce_sum3A_8 : vector<256xf32> to vector<1x256xf32>
    %mul3A_10 = arith.mulf %select_n3A, %select_n3A : vector<1024x256xf32>
    %reduce_sum3A_11 = arith.constant dense<0.000000e+00> : vector<256xf32>
    %reduce_sum3A_12 = vector.multi_reduction <add>, %mul3A_10, %reduce_sum3A_11 [0] : vector<1024x256xf32> to vector<256xf32>
    %broadcast_in_dim3A_13 = vector.shape_cast %reduce_sum3A_12 : vector<256xf32> to vector<1x256xf32>
    %broadcast_in_dim3A_14 = arith.constant 0.000000e+00 : f32
    %broadcast_in_dim3A_15 = vector.broadcast %broadcast_in_dim3A_14 : f32 to vector<6x256xf32>
    %concatenate3A = tpu.concatenate %broadcast_in_dim3A_9, %broadcast_in_dim3A_13, %broadcast_in_dim3A_15 in 0 : vector<1x256xf32>, vector<1x256xf32>, vector<6x256xf32> -> vector<8x256xf32>
    %eq3A = arith.constant 0 : i32
    %eq3A_16 = arith.cmpi eq, %arg0, %eq3A : i32
    %convert_element_type3A = arith.extui %eq3A_16 : i1 to i32
    %cond3A = arith.constant 0 : i32
    %cond3A_17 = arith.cmpi ne, %convert_element_type3A, %cond3A : i32
    scf.if %cond3A_17 {
      %swap3A = arith.constant 0 : index
      %swap3A_22 = arith.constant 0 : index
      %swap3A_23 = vector.load %arg2[%swap3A, %swap3A_22] : memref<8x256xf32, #tpu.memory_space<vmem>>, vector<8x256xf32>
      tpu.vector_store %arg2[%swap3A, %swap3A_22], %concatenate3A {strides = array<i32>} : memref<8x256xf32, #tpu.memory_space<vmem>>, vector<8x256xf32>,
    } else {
    }
    %ne3A = arith.constant 0 : i32
    %ne3A_18 = arith.cmpi ne, %arg0, %ne3A : i32
    %convert_element_type3A_19 = arith.extui %ne3A_18 : i1 to i32
    %cond3A_20 = arith.constant 0 : i32
    %cond3A_21 = arith.cmpi ne, %convert_element_type3A_19, %cond3A_20 : i32
    scf.if %cond3A_21 {
      %get3A_22 = arith.constant 0 : index
      %get3A_23 = arith.constant 0 : index
      %get3A_24 = vector.load %arg2[%get3A_22, %get3A_23] : memref<8x256xf32, #tpu.memory_space<vmem>>, vector<8x256xf32>
      %add3A_25 = arith.addf %get3A_24, %concatenate3A : vector<8x256xf32>
      %swap3A = arith.constant 0 : index
      %swap3A_26 = arith.constant 0 : index
      %swap3A_27 = vector.load %arg2[%swap3A, %swap3A_26] : memref<8x256xf32, #tpu.memory_space<vmem>>, vector<8x256xf32>
      tpu.vector_store %arg2[%swap3A, %swap3A_26], %add3A_25 {strides = array<i32>} : memref<8x256xf32, #tpu.memory_space<vmem>>, vector<8x256xf32>,
    } else {
    }
    return
  }
  func.func @transform_0(%arg0: i32) -> (i32, i32) {
    %c0_i32 = arith.constant 0 : i32
    %c0_i32_0 = arith.constant 0 : i32
    return %arg0, %c0_i32 : i32, i32
  }
  func.func @transform_1(%arg0: i32) -> (i32, i32) {
    %c0_i32 = arith.constant 0 : i32
    %c0_i32_0 = arith.constant 0 : i32
    %c0_i32_1 = arith.constant 0 : i32
    return %c0_i32, %c0_i32_0 : i32, i32
  }
}

module attributes {stable_mosaic.version = 14 : i64} {
  func.func @body(%arg0: i32, %arg1: memref<1024x256xf32, #tpu.memory_space<vmem>>, %arg2: memref<8x256xf32, #tpu.memory_space<vmem>>, %arg3: memref<1x256xf32, #tpu.memory_space<vmem>>, %arg4: memref<1x256xf32, #tpu.memory_space<vmem>>, %arg5: memref<256x128xf32, #tpu.memory_space<vmem>>, %arg6: memref<1024x128xf32, #tpu.memory_space<vmem>>) attributes {dimension_semantics = [#tpu.dimension_semantics<arbitrary>], iteration_bounds = array<i64: 10>, scalar_prefetch = 0 : i64, scratch_operands = 0 : i64, tpu.core_type = #tpu.core_type<tc>, window_params = [{transform_indices = @transform_0, window_bounds = array<i64: 1024, 256>}, {pipeline_mode = #tpu.pipeline_mode<synchronous>, transform_indices = @transform_1, window_bounds = array<i64: 8, 256>}, {pipeline_mode = #tpu.pipeline_mode<synchronous>, transform_indices = @transform_2, window_bounds = array<i64: 1, 256>}, {pipeline_mode = #tpu.pipeline_mode<synchronous>, transform_indices = @transform_3, window_bounds = array<i64: 1, 256>}, {pipeline_mode = #tpu.pipeline_mode<synchronous>, transform_indices = @transform_4, window_bounds = array<i64: 256, 128>}, {transform_indices = @transform_5, window_bounds = array<i64: 1024, 128>}]} {
    %get3A = arith.constant 0 : index
    %get3A_0 = arith.constant 0 : index
    %get3A_1 = vector.load %arg1[%get3A, %get3A_0] : memref<1024x256xf32, #tpu.memory_space<vmem>>, vector<1024x256xf32>
    %get3A_2 = arith.constant 0 : index
    %get3A_3 = arith.constant 0 : index
    %get3A_4 = vector.load %arg2[%get3A_2, %get3A_3] : memref<8x256xf32, #tpu.memory_space<vmem>>, vector<1x256xf32>
    %get3A_5 = arith.constant 1 : index
    %get3A_6 = arith.constant 0 : index
    %get3A_7 = vector.load %arg2[%get3A_5, %get3A_6] : memref<8x256xf32, #tpu.memory_space<vmem>>, vector<1x256xf32>
    %get3A_8 = arith.constant 0 : index
    %get3A_9 = arith.constant 0 : index
    %get3A_10 = vector.load %arg3[%get3A_8, %get3A_9] : memref<1x256xf32, #tpu.memory_space<vmem>>, vector<1x256xf32>
    %get3A_11 = arith.constant 0 : index
    %get3A_12 = arith.constant 0 : index
    %get3A_13 = vector.load %arg4[%get3A_11, %get3A_12] : memref<1x256xf32, #tpu.memory_space<vmem>>, vector<1x256xf32>
    %mul3A = arith.constant 9.99999974E-5 : f32
    %mul3A_14 = vector.broadcast %mul3A : f32 to vector<1x256xf32>
    %mul3A_15 = arith.mulf %get3A_4, %mul3A_14 : vector<1x256xf32>
    %mul3A_16 = arith.constant 9.99999974E-5 : f32
    %mul3A_17 = vector.broadcast %mul3A_16 : f32 to vector<1x256xf32>
    %mul3A_18 = arith.mulf %get3A_7, %mul3A_17 : vector<1x256xf32>
    %mul3A_19 = arith.mulf %mul3A_15, %mul3A_15 : vector<1x256xf32>
    %sub3A = arith.subf %mul3A_18, %mul3A_19 : vector<1x256xf32>
    %sub3A_20 = vector.broadcast %mul3A_15 : vector<1x256xf32> to vector<1024x256xf32>
    %sub3A_21 = arith.subf %get3A_1, %sub3A_20 : vector<1024x256xf32>
    %add3A = arith.constant 9.99999974E-6 : f32
    %add3A_22 = vector.broadcast %add3A : f32 to vector<1x256xf32>
    %add3A_23 = arith.addf %sub3A, %add3A_22 : vector<1x256xf32>
    %rsqrt3A = math.rsqrt %add3A_23 : vector<1x256xf32>
    %mul3A_24 = vector.broadcast %rsqrt3A : vector<1x256xf32> to vector<1024x256xf32>
    %mul3A_25 = arith.mulf %sub3A_21, %mul3A_24 : vector<1024x256xf32>
    %mul3A_26 = vector.broadcast %get3A_10 : vector<1x256xf32> to vector<1024x256xf32>
    %mul3A_27 = arith.mulf %mul3A_25, %mul3A_26 : vector<1024x256xf32>
    %add3A_28 = vector.broadcast %get3A_13 : vector<1x256xf32> to vector<1024x256xf32>
    %add3A_29 = arith.addf %mul3A_27, %add3A_28 : vector<1024x256xf32>
    %max3A = arith.constant 0.000000e+00 : f32
    %max3A_30 = vector.broadcast %max3A : f32 to vector<1024x256xf32>
    %max3A_31 = arith.maximumf %add3A_29, %max3A_30 : vector<1024x256xf32>
    %get3A_32 = arith.constant 0 : index
    %get3A_33 = arith.constant 0 : index
    %get3A_34 = vector.load %arg5[%get3A_32, %get3A_33] : memref<256x128xf32, #tpu.memory_space<vmem>>, vector<256x128xf32>
    %dot_general3A = arith.constant dense<0.000000e+00> : vector<1024x128xf32>
    %dot_general3A_35 = tpu.matmul %max3A_31, %get3A_34, %dot_general3A {dimension_numbers = #tpu.dot_dimension_numbers<[1], [0], [0], [1], [0, 0, 1, 1], [], []>, transpose_lhs_hint = false} : vector<1024x256xf32>, vector<256x128xf32>, vector<1024x128xf32> -> vector<1024x128xf32>
    %swap3A = arith.constant 0 : index
    %swap3A_36 = arith.constant 0 : index
    %swap3A_37 = vector.load %arg6[%swap3A, %swap3A_36] : memref<1024x128xf32, #tpu.memory_space<vmem>>, vector<1024x128xf32>
    tpu.vector_store %arg6[%swap3A, %swap3A_36], %dot_general3A_35 {strides = array<i32>} : memref<1024x128xf32, #tpu.memory_space<vmem>>, vector<1024x128xf32>,
    return
  }
  func.func @transform_0(%arg0: i32) -> (i32, i32) {
    %c0_i32 = arith.constant 0 : i32
    %c0_i32_0 = arith.constant 0 : i32
    return %arg0, %c0_i32 : i32, i32
  }
  func.func @transform_1(%arg0: i32) -> (i32, i32) {
    %c0_i32 = arith.constant 0 : i32
    %c0_i32_0 = arith.constant 0 : i32
    %c0_i32_1 = arith.constant 0 : i32
    return %c0_i32, %c0_i32_0 : i32, i32
  }
  func.func @transform_2(%arg0: i32) -> (i32, i32) {
    %c0_i32 = arith.constant 0 : i32
    %c0_i32_0 = arith.constant 0 : i32
    %c0_i32_1 = arith.constant 0 : i32
    return %c0_i32, %c0_i32_0 : i32, i32
  }
  func.func @transform_3(%arg0: i32) -> (i32, i32) {
    %c0_i32 = arith.constant 0 : i32
    %c0_i32_0 = arith.constant 0 : i32
    %c0_i32_1 = arith.constant 0 : i32
    return %c0_i32, %c0_i32_0 : i32, i32
  }
  func.func @transform_4(%arg0: i32) -> (i32, i32) {
    %c0_i32 = arith.constant 0 : i32
    %c0_i32_0 = arith.constant 0 : i32
    %c0_i32_1 = arith.constant 0 : i32
    return %c0_i32, %c0_i32_0 : i32, i32
  }
  func.func @transform_5(%arg0: i32) -> (i32, i32) {
    %c0_i32 = arith.constant 0 : i32
    %c0_i32_0 = arith.constant 0 : i32
    return %arg0, %c0_i32 : i32, i32
  }
}

module attributes {stable_mosaic.version = 14 : i64} {
  func.func @body(%arg0: i32, %arg1: memref<1024x128xf32, #tpu.memory_space<vmem>>, %arg2: memref<8x128xf32, #tpu.memory_space<vmem>>, %arg3: memref<1x128xf32, #tpu.memory_space<vmem>>, %arg4: memref<1x128xf32, #tpu.memory_space<vmem>>, %arg5: memref<128x3xf32, #tpu.memory_space<vmem>>, %arg6: memref<1x3xf32, #tpu.memory_space<vmem>>, %arg7: memref<1024x3xf32, #tpu.memory_space<vmem>>) attributes {dimension_semantics = [#tpu.dimension_semantics<arbitrary>], iteration_bounds = array<i64: 10>, scalar_prefetch = 0 : i64, scratch_operands = 0 : i64, tpu.core_type = #tpu.core_type<tc>, window_params = [{transform_indices = @transform_0, window_bounds = array<i64: 1024, 128>}, {pipeline_mode = #tpu.pipeline_mode<synchronous>, transform_indices = @transform_1, window_bounds = array<i64: 8, 128>}, {pipeline_mode = #tpu.pipeline_mode<synchronous>, transform_indices = @transform_2, window_bounds = array<i64: 1, 128>}, {pipeline_mode = #tpu.pipeline_mode<synchronous>, transform_indices = @transform_3, window_bounds = array<i64: 1, 128>}, {pipeline_mode = #tpu.pipeline_mode<synchronous>, transform_indices = @transform_4, window_bounds = array<i64: 128, 3>}, {pipeline_mode = #tpu.pipeline_mode<synchronous>, transform_indices = @transform_5, window_bounds = array<i64: 1, 3>}, {transform_indices = @transform_6, window_bounds = array<i64: 1024, 3>}]} {
    %get3A = arith.constant 0 : index
    %get3A_0 = arith.constant 0 : index
    %get3A_1 = vector.load %arg1[%get3A, %get3A_0] : memref<1024x128xf32, #tpu.memory_space<vmem>>, vector<1024x128xf32>
    %get3A_2 = arith.constant 0 : index
    %get3A_3 = arith.constant 0 : index
    %get3A_4 = vector.load %arg2[%get3A_2, %get3A_3] : memref<8x128xf32, #tpu.memory_space<vmem>>, vector<1x128xf32>
    %get3A_5 = arith.constant 1 : index
    %get3A_6 = arith.constant 0 : index
    %get3A_7 = vector.load %arg2[%get3A_5, %get3A_6] : memref<8x128xf32, #tpu.memory_space<vmem>>, vector<1x128xf32>
    %get3A_8 = arith.constant 0 : index
    %get3A_9 = arith.constant 0 : index
    %get3A_10 = vector.load %arg3[%get3A_8, %get3A_9] : memref<1x128xf32, #tpu.memory_space<vmem>>, vector<1x128xf32>
    %get3A_11 = arith.constant 0 : index
    %get3A_12 = arith.constant 0 : index
    %get3A_13 = vector.load %arg4[%get3A_11, %get3A_12] : memref<1x128xf32, #tpu.memory_space<vmem>>, vector<1x128xf32>
    %mul3A = arith.constant 9.99999974E-5 : f32
    %mul3A_14 = vector.broadcast %mul3A : f32 to vector<1x128xf32>
    %mul3A_15 = arith.mulf %get3A_4, %mul3A_14 : vector<1x128xf32>
    %mul3A_16 = arith.constant 9.99999974E-5 : f32
    %mul3A_17 = vector.broadcast %mul3A_16 : f32 to vector<1x128xf32>
    %mul3A_18 = arith.mulf %get3A_7, %mul3A_17 : vector<1x128xf32>
    %mul3A_19 = arith.mulf %mul3A_15, %mul3A_15 : vector<1x128xf32>
    %sub3A = arith.subf %mul3A_18, %mul3A_19 : vector<1x128xf32>
    %sub3A_20 = vector.broadcast %mul3A_15 : vector<1x128xf32> to vector<1024x128xf32>
    %sub3A_21 = arith.subf %get3A_1, %sub3A_20 : vector<1024x128xf32>
    %add3A = arith.constant 9.99999974E-6 : f32
    %add3A_22 = vector.broadcast %add3A : f32 to vector<1x128xf32>
    %add3A_23 = arith.addf %sub3A, %add3A_22 : vector<1x128xf32>
    %rsqrt3A = math.rsqrt %add3A_23 : vector<1x128xf32>
    %mul3A_24 = vector.broadcast %rsqrt3A : vector<1x128xf32> to vector<1024x128xf32>
    %mul3A_25 = arith.mulf %sub3A_21, %mul3A_24 : vector<1024x128xf32>
    %mul3A_26 = vector.broadcast %get3A_10 : vector<1x128xf32> to vector<1024x128xf32>
    %mul3A_27 = arith.mulf %mul3A_25, %mul3A_26 : vector<1024x128xf32>
    %add3A_28 = vector.broadcast %get3A_13 : vector<1x128xf32> to vector<1024x128xf32>
    %add3A_29 = arith.addf %mul3A_27, %add3A_28 : vector<1024x128xf32>
    %max3A = arith.constant 0.000000e+00 : f32
    %max3A_30 = vector.broadcast %max3A : f32 to vector<1024x128xf32>
    %max3A_31 = arith.maximumf %add3A_29, %max3A_30 : vector<1024x128xf32>
    %get3A_32 = arith.constant 0 : index
    %get3A_33 = arith.constant 0 : index
    %get3A_34 = vector.load %arg5[%get3A_32, %get3A_33] : memref<128x3xf32, #tpu.memory_space<vmem>>, vector<128x3xf32>
    %dot_general3A = arith.constant dense<0.000000e+00> : vector<1024x3xf32>
    %dot_general3A_35 = tpu.matmul %max3A_31, %get3A_34, %dot_general3A {dimension_numbers = #tpu.dot_dimension_numbers<[1], [0], [0], [1], [0, 0, 1, 1], [], []>, transpose_lhs_hint = false} : vector<1024x128xf32>, vector<128x3xf32>, vector<1024x3xf32> -> vector<1024x3xf32>
    %get3A_36 = arith.constant 0 : index
    %get3A_37 = arith.constant 0 : index
    %get3A_38 = vector.load %arg6[%get3A_36, %get3A_37] : memref<1x3xf32, #tpu.memory_space<vmem>>, vector<1x3xf32>
    %add3A_39 = vector.broadcast %get3A_38 : vector<1x3xf32> to vector<1024x3xf32>
    %add3A_40 = arith.addf %dot_general3A_35, %add3A_39 : vector<1024x3xf32>
    %swap3A = arith.constant 0 : index
    %swap3A_41 = arith.constant 0 : index
    %swap3A_42 = vector.load %arg7[%swap3A, %swap3A_41] : memref<1024x3xf32, #tpu.memory_space<vmem>>, vector<1024x3xf32>
    tpu.vector_store %arg7[%swap3A, %swap3A_41], %add3A_40 {strides = array<i32>} : memref<1024x3xf32, #tpu.memory_space<vmem>>, vector<1024x3xf32>,
    return
  }
  func.func @transform_0(%arg0: i32) -> (i32, i32) {
    %c0_i32 = arith.constant 0 : i32
    %c0_i32_0 = arith.constant 0 : i32
    return %arg0, %c0_i32 : i32, i32
  }
  func.func @transform_1(%arg0: i32) -> (i32, i32) {
    %c0_i32 = arith.constant 0 : i32
    %c0_i32_0 = arith.constant 0 : i32
    %c0_i32_1 = arith.constant 0 : i32
    return %c0_i32, %c0_i32_0 : i32, i32
  }
  func.func @transform_2(%arg0: i32) -> (i32, i32) {
    %c0_i32 = arith.constant 0 : i32
    %c0_i32_0 = arith.constant 0 : i32
    %c0_i32_1 = arith.constant 0 : i32
    return %c0_i32, %c0_i32_0 : i32, i32
  }
  func.func @transform_3(%arg0: i32) -> (i32, i32) {
    %c0_i32 = arith.constant 0 : i32
    %c0_i32_0 = arith.constant 0 : i32
    %c0_i32_1 = arith.constant 0 : i32
    return %c0_i32, %c0_i32_0 : i32, i32
  }
  func.func @transform_4(%arg0: i32) -> (i32, i32) {
    %c0_i32 = arith.constant 0 : i32
    %c0_i32_0 = arith.constant 0 : i32
    %c0_i32_1 = arith.constant 0 : i32
    return %c0_i32, %c0_i32_0 : i32, i32
  }
  func.func @transform_5(%arg0: i32) -> (i32, i32) {
    %c0_i32 = arith.constant 0 : i32
    %c0_i32_0 = arith.constant 0 : i32
    %c0_i32_1 = arith.constant 0 : i32
    return %c0_i32, %c0_i32_0 : i32, i32
  }
  func.func @transform_6(%arg0: i32) -> (i32, i32) {
    %c0_i32 = arith.constant 0 : i32
    %c0_i32_0 = arith.constant 0 : i32
    return %arg0, %c0_i32 : i32, i32
  }
}

</mosaic_0001>

<sc_bundles>
// kernel: kernel.20.cloned.1.call-start
scs
__scs_entry_jumppad:
0x0: {  	(pc) =	sbr.rel $0x88, $3  }
0x1: {  	(tag) =	ssettag $0x0;
	lr =	simm.s32 $0x1  }
0x2: {  	[smem:$0x3F89] =	sst lr;
	_ =	strace $0xD0000000  }
0x3: {  	_ = 	snop  }
0x4: {  	_ = 	snop  }
0x5: {  	_ = 	snop  }
0x6: {  	_ = 	snop  }
0x7: {  	_ = 	snop  }
__scs_overlays_trampoline_lowered:
0x8: {  	[smem:$0x3F98] =	sst s0  }
0x9: {  	[smem:$0x3F99] =	sst s1  }
0xa: {  	[smem:$0x3F9A] =	sst s2  }
0xb: {  	[smem:$0x3F9B] =	sst s3  }
0xc: {  	[smem:$0x3F9C] =	sst s4  }
0xd: {  	[smem:$0x3F9D] =	sst s5  }
0xe: {  	[smem:$0x3F9E] =	sst s6  }
0xf: {  	[smem:$0x3F9F] =	sst s7  }
0x10: {  	[smem:$0x3FA0] =	sst s8  }
0x11: {  	[smem:$0x3FA1] =	sst s9;
	s0 =	simm.s32 @!p0 $0x0  }
0x12: {  	s1 =	sld [smem:$0x3F87];
	s0 =	simm.s32 @p0 $0x1  }
0x13: {  	[smem:$0x3FA2] =	sst s0;
	s0 =	simm.s32 @!p1 $0x0  }
0x14: {  	s2 =	sld [smem:$0x3F86];
	s0 =	simm.s32 @p1 $0x1  }
0x15: {  	[smem:$0x3FA3] =	sst s0;
	s0 =	simm.s32 @!p2 $0x0  }
0x16: {  	s3 =	sld [smem:$0x3FDB];
	s0 =	simm.s32 @p2 $0x1  }
0x17: {  	s4 =	simm.s32 $0x1BF5;
	[smem:$0x3FA5] =	sst s0  }
0x18: {  	s0 =	sld [smem:$0x3F88];
	_ =	swait.ge [sflag:s4], $0x0  }
0x19: {  	s7 =	sld [smem:$0x3F89]  }
0x1a: {  	s8 =	sadd.s32 $0xFFFFE003, lr  }
0x1b: {  	s9 =	sadd.s32 $0xFFFFFEF7, lr;
	s5 =	simm.s32 $0xFFFFFFFF;
	p2 =	slt.u32 s8, $0xFFFFF086  }
0x1c: {  	p1 =	slt.u32 s9, $0xF7A;
	s5 =	simm.s32 @!p2 $0x0  }
0x1d: {  	s5 =	simm.s32 @p1 $0x1;
	p0 =	seq.s32 s7, s2  }
0x1e: {  	s7 =	smul.u32 @!p0 $0xF7A, s2;
	p2 =	seq.s32 @!p0 s5, $0x0  }
0x1f: {  	s9 =	smul.u32 $0xF7A, s1;
	s8 =	simm.s32 @!p0 $0x1BF5;
	p2 =	por !p2, p0  }
0x20: {  	[sflag:s8] =	ssyncset.s32 @!p0 $0xFFFFF086;
	s6 =	sadd.s32 @!p0 s3, s7;
	s7 =	simm.s32 @!p0 $0x108  }
0x21: {  	s3 =	sadd.s32 s3, s9;
	s6 =	sadd.s32 @!p0 $0x88, s6;
	s7 =	simm.s32 @p2 $0x1082  }
0x22: {  	[simem:s7], [sflag:s8] =	dma.local @!p0 [hbm:s6], $0xF7A  }
0x23: {  	s9 =	sor.u32 $0xD0000000, s2;
	s6 =	simm.s32 $0x108;
	_ =	swait.ge @!p0 [sflag:s8], $0x0  }
0x24: {  	s3 =	sadd.s32 $0x88, s3;
	s6 =	simm.s32 @!p1 $0x1082;
	[sflag:s4] =	ssyncset.s32 $0xFFFFF086  }
0x25: {  	[simem:s6], [sflag:s4] =	dma.local [hbm:s3], $0xF7A  }
0x26: {  	[smem:$0x3F89] =	sst s1;
	(tag) =	ssettag s2;
	_ =	strace s9  }
0x27: {  	s1 =	sld [smem:$0x3F99]  }
0x28: {  	s2 =	sld [smem:$0x3F9A]  }
0x29: {  	s4 =	sld [smem:$0x3F9C]  }
0x2a: {  	p0 =	seq.s32 s5, $0x0;
	s5 =	sld [smem:$0x3F9D]  }
0x2b: {  	s6 =	sld [smem:$0x3F9E]  }
0x2c: {  	s7 =	sld [smem:$0x3F9F]  }
0x2d: {  	s3 =	simm.s32 $0x108;
	s8 =	sld [smem:$0x3FA0]  }
0x2e: {  	s3 =	simm.s32 @!p0 $0x1082;
	s9 =	sld [smem:$0x3FA1]  }
0x2f: {  	lr =	sadd.s32 s0, s3;
	s0 =	sld [smem:$0x3F98]  }
0x30: {  	s3 =	sld [smem:$0x3F9B]  }
0x31: {  	[smem:$0x3FA4] =	sst s10  }
0x32: {  	s10 =	sld [smem:$0x3FA2];
	_ =	sdelay $0x3  }
0x33: {  	p0 =	seq.s32 s10, $0x1;
	s10 =	sld [smem:$0x3FA4];
	_ =	sdelay $0x3  }
0x34: {  	[smem:$0x3FA4] =	sst s10  }
0x35: {  	s10 =	sld [smem:$0x3FA3];
	_ =	sdelay $0x3  }
0x36: {  	p1 =	seq.s32 s10, $0x1;
	s10 =	sld [smem:$0x3FA4];
	_ =	sdelay $0x3  }
0x37: {  	[smem:$0x3FA4] =	sst s10  }
0x38: {  	s10 =	sld [smem:$0x3FA5]  }
0x39: {  	_ = 	snop;
	(pc) =	sbr.ind lr, $3  }
0x3a: {  	_ = 	snop  }
0x3b: {  	_ = 	snop  }
0x3c: {  	p2 =	seq.s32 s10, $0x1;
	s10 =	sld [smem:$0x3FA4]  }
0x3d: {  	_ =	shalt  }
0x3e: {  	_ =	shalt  }
0x3f: {  	_ =	shalt  }
0x40: {  	_ =	shalt  }
0x41: {  	_ =	shalt  }
0x42: {  	_ =	shalt  }
0x43: {  	_ =	shalt  }
0x44: {  	_ =	shalt  }
0x45: {  	_ =	shalt  }
0x46: {  	_ =	shalt  }
0x47: {  	_ =	shalt  }
0x48: {  	_ =	shalt  }
0x49: {  	_ =	shalt  }
0x4a: {  	_ =	shalt  }
0x4b: {  	_ =	shalt  }
0x4c: {  	_ =	shalt  }
0x4d: {  	_ =	shalt  }
0x4e: {  	_ =	shalt  }
0x4f: {  	_ =	shalt  }
0x50: {  	_ =	shalt  }
0x51: {  	_ =	shalt  }
0x52: {  	_ =	shalt  }
0x53: {  	_ =	shalt  }
0x54: {  	_ =	shalt  }
0x55: {  	_ =	shalt  }
0x56: {  	_ =	shalt  }
0x57: {  	_ =	shalt  }
0x58: {  	_ =	shalt  }
0x59: {  	_ =	shalt  }
0x5a: {  	_ =	shalt  }
0x5b: {  	_ =	shalt  }
0x5c: {  	_ =	shalt  }
0x5d: {  	_ =	shalt  }
0x5e: {  	_ =	shalt  }
0x5f: {  	_ =	shalt  }
0x60: {  	_ =	shalt  }
0x61: {  	_ =	shalt  }
0x62: {  	_ =	shalt  }
0x63: {  	_ =	shalt  }
0x64: {  	_ =	shalt  }
0x65: {  	_ =	shalt  }
0x66: {  	_ =	shalt  }
0x67: {  	_ =	shalt  }
0x68: {  	_ =	shalt  }
0x69: {  	_ =	shalt  }
0x6a: {  	_ =	shalt  }
0x6b: {  	_ =	shalt  }
0x6c: {  	_ =	shalt  }
0x6d: {  	_ =	shalt  }
0x6e: {  	_ =	shalt  }
0x6f: {  	_ =	shalt  }
0x70: {  	_ =	shalt  }
0x71: {  	_ =	shalt  }
0x72: {  	_ =	shalt  }
0x73: {  	_ =	shalt  }
0x74: {  	_ =	shalt  }
0x75: {  	_ =	shalt  }
0x76: {  	_ =	shalt  }
0x77: {  	_ =	shalt  }
0x78: {  	_ =	shalt  }
0x79: {  	_ =	shalt  }
0x7a: {  	_ =	shalt  }
0x7b: {  	_ =	shalt  }
0x7c: {  	_ =	shalt  }
0x7d: {  	_ =	shalt  }
0x7e: {  	_ =	shalt  }
0x7f: {  	_ =	shalt  }
0x80: {  	_ =	shalt  }
0x81: {  	_ =	shalt  }
0x82: {  	_ =	shalt  }
0x83: {  	_ =	shalt  }
0x84: {  	_ =	shalt  }
0x85: {  	_ =	shalt  }
0x86: {  	_ =	shalt  }
0x87: {  	_ =	shalt  }
.Lfunc_end0:
.L_simem_size_0:
called_computation_lowered:
.L_overlay_start_0:
0x88: {  	s2 =	sld [smem:$0x3FD9]  }
0x89: {  	s3 =	sld [smem:$0x3FFE];
	_ =	sdelay $0x1  }
0x8a: {  	s1 =	srdreg.scid  }
0x8b: {  	s0 =	sand.u32 $0x1, s1  }
0x8c: {  	s14 =	sshll.u32 s0, $0xA;
	s2 =	sadd.s32 s3, s2  }
0x8d: {  	s2 =	sadd.s32 s2, s14  }
0x8e: {  	[smem:$0x3FB0] =	sst s2  }
0x8f: {  	_ = 	snop  }
0x90: {  	s2 =	sld [smem:$0x3FD0];
	_ =	sdelay $0x2  }
0x91: {  	s15 =	simm.s32 $0xA;
	s4 =	simm.s32 $0x10  }
0x92: {  	[smem:s4], [sflag:s15] =	dma.local [hbm:s2], $0x1  }
0x93: {  	_ =	swait.eq [sflag:s15], $0x1  }
0x94: {  	[sflag:s15] =	ssyncset.done $0x0  }
0x95: {  	[sflag:s15] =	ssyncadd.s32 $0xFFFFFFFF  }
0x96: {  	s16 =	sld [smem:$0x10];
	(tm) =	ssettm $0x1  }
0x97: {  	s17 =	sld [smem:$0x3FFB];
	_ =	sdelay $0x3  }
0x98: {  	_ =	strace s17  }
0x99: {  	s3 =	sld [smem:$0x3FFC];
	_ =	sdelay $0x3  }
0x9a: {  	_ =	strace s3  }
0x9b: {  	s3 =	sld [smem:$0x3FFD];
	_ =	sdelay $0x3  }
0x9c: {  	_ =	strace s3  }
0x9d: {  	_ =	strace $0x8FFFFFFF  }
0x9e: {  	s18 =	sld [smem:$0x3FDB];
	_ =	sdelay $0x1  }
0x9f: {  	s19 =	simm.s32 $_scs_section_size  }
0xa0: {  	s5 =	simm.s32 $_size__tile_overlayer_lowered;
	s6 =	simm.s32 $_tile_overlayer_lowered  }
0xa1: {  	s22 =	simm.s32 $0x1BFF;
	s21 =	sshll.u32 s6, $0x1;
	s3 =	sadd.s32 s19, s18  }
0xa2: {  	s7 =	simm.s32 $0x0;
	s20 =	sshll.u32 s5, $0x1;
	s5 =	sadd.s32 s21, s3  }
0xa3: {  	[timem:s7], [sflag:s22] =	dma.local [hbm:s5], s20  }
0xa4: {  	_ =	swait.ge [sflag:s22], s20  }
0xa5: {  	s4 =	ssub.s32 $0x0, s20;
	[sflag:s22] =	ssyncset.done $0x0  }
0xa6: {  	[sflag:s22] =	ssyncadd.s32 s4;
	_ =	sdelay $0x1  }
0xa7: {  	s23 =	simm.s32 $0x1B8B  }
0xa8: {  	_ =	swait.ge [sflag:s23], $0x1  }
0xa9: {  	[sflag:s23] =	ssyncset.done $0x0  }
0xaa: {  	s25 =	simm.s32 $0x1B8E;
	s24 =	sld [smem:$0x3FFE];
	[sflag:s23] =	ssyncadd.s32 $0xFFFFFFFF  }
0xab: {  	s26 =	simm.s32 $execute0_lowered;
	[smem:$0x3FD2] =	sst s25  }
0xac: {  	s5 =	sshll.u32 s26, $0x1;
	_ =	strace $0x80000046;
	[dreg:$0x1] =	wrdreg $0xFFFFFFFF  }
0xad: {  	s28 =	simm.s32 $_size_execute0_lowered;
	s3 =	sadd.s32 s3, s5;
	[dreg:$0x0] =	wrdreg $0x0  }
0xae: {  	s5 =	sshll.u32 s28, $0x1;
	[dreg:$0x2] =	wrdreg s3  }
0xaf: {  	[dreg:$0x3] =	wrdreg s5  }
0xb0: {  	[dreg:$0x4] =	wrdreg $0xC0  }
0xb1: {  	_ =	task [dreg:s7], $0x5FFFF  }
0xb2: {  	[dreg:$0x1] =	wrdreg $0xFFFFFFFF  }
0xb3: {  	[dreg:$0x0] =	wrdreg $0x60  }
0xb4: {  	[dreg:$0x2] =	wrdreg s24  }
0xb5: {  	[dreg:$0x3] =	wrdreg s16  }
0xb6: {  	[dreg:$0x4] =	wrdreg $0x68000  }
0xb7: {  	[dreg:$0x5] =	wrdreg $0x9  }
0xb8: {  	_ =	task.clear_ibuf [dreg:s7], $0x6FFFF;
	_ =	strace $0x90000046  }
0xb9: {  	s29 =	simm.s32 $0x9;
	_ =	strace $0x80000048  }
0xba: {  	_ =	swait.ge [sflag:s29], $0x1  }
0xbb: {  	[sflag:s29] =	ssyncadd.s32 $0xFFFFFFFF  }
0xbc: {  	_ =	strace $0x90000048  }
0xbd: {  	_ =	sfence  }
0xbe: {  	s30 =	sld [smem:$0x0];
	_ =	sdelay $0x2  }
0xbf: {  	s31 =	sshll.u32 s1, $0xD;
	s1 =	sshrl.u32 s1, $0x2  }
0xc0: {  	s3 =	sand.u32 $0x4000, s31;
	s1 =	sadd.s32 s1, s30  }
0xc1: {  	s0 =	sor.u32 s3, s0;
	s1 =	sshll.u32 s1, $0x11  }
0xc2: {  	s0 =	sor.u32 s1, s0  }
0xc3: {  	s0 =	sadd.s32 $0x8F2B, s0  }
0xc4: {  	[sflag:s0] =	ssyncadd.remote.s32 $0x1  }
0xc5: {  	_ =	sfence.sel $0xFFFF  }
0xc6: {  	[dreg:$0x0] =	wrdreg $0xFFFFFFFF;
	(pc) =	sbr.abs _section_cstart, $3  }
0xc7: {  	[dreg:$0x1] =	wrdreg $0xFFFFFFFF  }
0xc8: {  	_ =	task.clear_ibuf [dreg:s7], $0x2FFFF;
	_ =	strace $0x9FFFFFFF  }
0xc9: {  	(tm) =	ssettm $0x7FFFFFFF  }
tec
execute0_lowered:
.L_overlay_start_1:
0x0: {  	(tag) =	ssettag $0x1  }
0x1: {  	s5 =	rddreg [dreg:$0x0]  }
0x2: {  	s1 =	rddreg [dreg:$0x1]  }
0x3: {  	s2 =	rddreg [dreg:$0x2]  }
0x4: {  	s3 =	srdreg.scid;
	s0 =	rddreg [dreg:$0x3];
	s4 =	simm.s32 $0x0  }
0x5: {  	s13 =	simm.s32 $0x80;
	s6 =	sand.u32 $0x1, s3;
	s3 =	stileid.u32  }
0x6: {  	s14 =	simm.s32 $0x0;
	[smem:$0x7FF] =	sst s4;
	s8 =	smul.u32 $0x2800, s6  }
0x7: {  	s7 =	sshll.u32 s6, $0x4;
	s9 =	smul.u32 $0x280, s3;
	_ =	strace $0x80000047  }
0x8: {  	s6 =	ssub.s32 $0x2, s6;
	s30 =	smul.u32 $0x50000, s3;
	s11 =	sshll.u32 s3, $0x6  }
0x9: {  	s7 =	sor.u32 s3, s7;
	s10 =	sshrl.u32 s6, $0x1;
	s11 =	sor.u32 $0x1C01, s11  }
0xa: {  	s7 =	smul.u32 $0x500, s7;
	s8 =	sadd.s32 s9, s8;
	s10 =	ssub.s32 s6, s10  }
0xb: {  	s31 =	sshrl.u32 s30, $0x2;
	s9 =	simm.s32 $0x1;
	s8 =	sshll.u32 s8, $0x4  }
0xc: {  	s12 =	sadd.s32 s31, s2;
	s7 =	sadd.s32 s7, s5;
	s8 =	sadd.s32 s8, s5  }
0xd: {  	s12 =	sshrl.u32 s12, $0x3;
	s5 =	sadd.s32 $0x6A00, s7;
	s6 =	sadd.s32 $0x10A00, s8  }
0xe: {  	s7 =	sadd.s32 $0x60A00, s8;
	s8 =	smax.u32 s10, $0x1;
	s10 =	simm.s32 $0x2800  }
.LBB2_1:
0xf: {  	[tilespmem:s4], [sflag:$0x1] =	stream.linear.gather [hbm4b:s5+s4], $0x2800, $0x38;
	[tilespmem:$0x1A800] =	vst v63  }
0x10: {  	_ =	swait.ge [sflag:s9], $0x2800  }
0x11: {  	[sflag:s9] =	ssyncset.done $0x0  }
0x12: {  	[sflag:s9] =	ssyncadd.s32 $0xFFFFD800  }
0x13: {  	[tilespmem:s10], [sflag:$0x1] =	stream.linear.gather [hbm4b:s1+s4], $0x4000, $0x38;
	[tilespmem:$0x1A800] =	vst v63  }
0x14: {  	_ =	swait.ge [sflag:s9], $0x4000  }
0x15: {  	[sflag:s9] =	ssyncset.done $0x0  }
0x16: {  	[sflag:s9] =	ssyncadd.s32 $0xFFFFC000  }
0x17: {  	[spmem:s12], [sflag:s11] =	dma.local [hbm:s6], $0x2800  }
0x18: {  	_ =	swait.ge [sflag:s9], $0x2800  }
0x19: {  	[sflag:s9] =	ssyncset.done $0x0  }
0x1a: {  	[sflag:s9] =	ssyncadd.s32 $0xFFFFD800  }
0x1b: {  	s15 =	simm.s32 $0x0;
	[bflag:$0x0] =	sbarrier.arrive $0xFFFF  }
0x1c: {  	[spmem:s2] =	stream.indirect.scatter.add.f32 [tilespmem:s10], [sflag:$0x1], $0x80, s15, s13, $0xb8;
	[tilespmem:$0x1A800] =	vst v63  }
0x1d: {  	_ =	swait.ge [sflag:s9], $0x4000  }
0x1e: {  	s15 =	simm.s32 $0x200;
	[sflag:s9] =	ssyncset.done $0x0  }
.LBB2_2:
0x1f: {  	s16 =	sshra.s32 s15, $0x2;
	[sflag:s9] =	ssyncadd.s32 $0xFFFFC000;
	p0 =	sne.s32 s15, $0x9E00  }
0x20: {  	[spmem:s2] =	stream.indirect.scatter.add.f32 [tilespmem:s10], [sflag:$0x1], $0x80, s16, s13, $0xb8;
	[tilespmem:$0x1A800] =	vst v63  }
.Ltmp0:
0x21: {  	_ = 	snop;
	(pc) =	sbr.rel @p0 .LBB2_2-.Ltmp0, $4  }
0x22: {  	_ = 	snop  }
0x23: {  	s15 =	sadd.s32 $0x200, s15  }
0x24: {  	_ =	swait.ge [sflag:s9], $0x4000  }
0x25: {  	[sflag:s9] =	ssyncset.done $0x0  }
0x26: {  	s14 =	sadd.s32 $0x1, s14  }
0x27: {  	[sflag:s9] =	ssyncadd.s32 $0xFFFFC000;
	p0 =	sne.s32 s14, s8  }
.Ltmp1:
0x28: {  	[bflag:$0x0] =	sbarrier.arrive $0xFFFF;
	(pc) =	sbr.rel @p0 .LBB2_1-.Ltmp1, $4  }
0x29: {  	[hbm:s7], [sflag:s11] =	dma.local [spmem:s12], $0x2800  }
0x2a: {  	_ =	swait.ge [sflag:s9], $0x2800  }
0x2b: {  	[sflag:s9] =	ssyncset.done $0x0  }
0x2c: {  	[sflag:s9] =	ssyncadd.s32 $0xFFFFD800  }
0x2d: {  	_ =	sfence.sel $0x180000  }
0x2e: {  	[bflag:$0x0] =	sbarrier.arrive $0xFFFF  }
0x2f: {  	p0 =	sne.s32 s3, $0x0;
	_ =	strace $0x90000047  }
0x30: {  	s0 =	sadd.s32 @!p0 $0x100000, s0;
	[bflag:$0x2] =	sbarrier.arrive $0xFFFF  }
0x31: {  	[sflag:s0] =	ssyncadd.tile.s32 @!p0 $0x1;
	_ =	shalt  }
.Lfunc_end2:
_tile_overlayer_lowered:
.L_overlay_start_2:
0x32: {  	(tag) =	ssettag $0x2  }
0x33: {  	s0 =	rddreg [dreg:$0x0];
	s2 =	stileid.u32  }
0x34: {  	s1 =	rddreg [dreg:$0x1];
	p0 =	sne.s32 s2, $0x0  }
0x35: {  	s3 =	rddreg [dreg:$0x2];
	[bflag:$0x3] =	sbarrier.arrive $0xFFFF;
	s2 =	simm.s32 @!p0 $0x1C01  }
0x36: {  	[timem:s3], [sflag:s2] =	dma.local @!p0 [hbm:s0], s1  }
0x37: {  	s0 =	simm.s32 @!p0 $0x1  }
0x38: {  	_ =	swait.ge @!p0 [sflag:s0], s1  }
0x39: {  	s1 =	ssub.s32 @!p0 $0x0, s1;
	[sflag:s0] =	ssyncset.done @!p0 $0x0  }
0x3a: {  	[sflag:s0] =	ssyncadd.s32 @!p0 s1  }
0x3b: {  	[bflag:$0x3] =	sbarrier.arrive $0xFFFF  }
0x3c: {  	_ =	shalt  }

// kernel: kernel.23.cloned.1.call-start
scs
__scs_entry_jumppad:
0x0: {  	(pc) =	sbr.rel $0x88, $3  }
0x1: {  	(tag) =	ssettag $0x0;
	lr =	simm.s32 $0x1  }
0x2: {  	[smem:$0x3F89] =	sst lr;
	_ =	strace $0xD0000000  }
0x3: {  	_ = 	snop  }
0x4: {  	_ = 	snop  }
0x5: {  	_ = 	snop  }
0x6: {  	_ = 	snop  }
0x7: {  	_ = 	snop  }
__scs_overlays_trampoline_lowered:
0x8: {  	[smem:$0x3F98] =	sst s0  }
0x9: {  	[smem:$0x3F99] =	sst s1  }
0xa: {  	[smem:$0x3F9A] =	sst s2  }
0xb: {  	[smem:$0x3F9B] =	sst s3  }
0xc: {  	[smem:$0x3F9C] =	sst s4  }
0xd: {  	[smem:$0x3F9D] =	sst s5  }
0xe: {  	[smem:$0x3F9E] =	sst s6  }
0xf: {  	[smem:$0x3F9F] =	sst s7  }
0x10: {  	[smem:$0x3FA0] =	sst s8  }
0x11: {  	[smem:$0x3FA1] =	sst s9;
	s0 =	simm.s32 @!p0 $0x0  }
0x12: {  	s1 =	sld [smem:$0x3F87];
	s0 =	simm.s32 @p0 $0x1  }
0x13: {  	[smem:$0x3FA2] =	sst s0;
	s0 =	simm.s32 @!p1 $0x0  }
0x14: {  	s2 =	sld [smem:$0x3F86];
	s0 =	simm.s32 @p1 $0x1  }
0x15: {  	[smem:$0x3FA3] =	sst s0;
	s0 =	simm.s32 @!p2 $0x0  }
0x16: {  	s3 =	sld [smem:$0x3FDB];
	s0 =	simm.s32 @p2 $0x1  }
0x17: {  	s4 =	simm.s32 $0x1BF5;
	[smem:$0x3FA5] =	sst s0  }
0x18: {  	s0 =	sld [smem:$0x3F88];
	_ =	swait.ge [sflag:s4], $0x0  }
0x19: {  	s7 =	sld [smem:$0x3F89]  }
0x1a: {  	s8 =	sadd.s32 $0xFFFFE003, lr  }
0x1b: {  	s9 =	sadd.s32 $0xFFFFFEF7, lr;
	s5 =	simm.s32 $0xFFFFFFFF;
	p2 =	slt.u32 s8, $0xFFFFF086  }
0x1c: {  	p1 =	slt.u32 s9, $0xF7A;
	s5 =	simm.s32 @!p2 $0x0  }
0x1d: {  	s5 =	simm.s32 @p1 $0x1;
	p0 =	seq.s32 s7, s2  }
0x1e: {  	s7 =	smul.u32 @!p0 $0xF7A, s2;
	p2 =	seq.s32 @!p0 s5, $0x0  }
0x1f: {  	s9 =	smul.u32 $0xF7A, s1;
	s8 =	simm.s32 @!p0 $0x1BF5;
	p2 =	por !p2, p0  }
0x20: {  	[sflag:s8] =	ssyncset.s32 @!p0 $0xFFFFF086;
	s6 =	sadd.s32 @!p0 s3, s7;
	s7 =	simm.s32 @!p0 $0x108  }
0x21: {  	s3 =	sadd.s32 s3, s9;
	s6 =	sadd.s32 @!p0 $0x88, s6;
	s7 =	simm.s32 @p2 $0x1082  }
0x22: {  	[simem:s7], [sflag:s8] =	dma.local @!p0 [hbm:s6], $0xF7A  }
0x23: {  	s9 =	sor.u32 $0xD0000000, s2;
	s6 =	simm.s32 $0x108;
	_ =	swait.ge @!p0 [sflag:s8], $0x0  }
0x24: {  	s3 =	sadd.s32 $0x88, s3;
	s6 =	simm.s32 @!p1 $0x1082;
	[sflag:s4] =	ssyncset.s32 $0xFFFFF086  }
0x25: {  	[simem:s6], [sflag:s4] =	dma.local [hbm:s3], $0xF7A  }
0x26: {  	[smem:$0x3F89] =	sst s1;
	(tag) =	ssettag s2;
	_ =	strace s9  }
0x27: {  	s1 =	sld [smem:$0x3F99]  }
0x28: {  	s2 =	sld [smem:$0x3F9A]  }
0x29: {  	s4 =	sld [smem:$0x3F9C]  }
0x2a: {  	p0 =	seq.s32 s5, $0x0;
	s5 =	sld [smem:$0x3F9D]  }
0x2b: {  	s6 =	sld [smem:$0x3F9E]  }
0x2c: {  	s7 =	sld [smem:$0x3F9F]  }
0x2d: {  	s3 =	simm.s32 $0x108;
	s8 =	sld [smem:$0x3FA0]  }
0x2e: {  	s3 =	simm.s32 @!p0 $0x1082;
	s9 =	sld [smem:$0x3FA1]  }
0x2f: {  	lr =	sadd.s32 s0, s3;
	s0 =	sld [smem:$0x3F98]  }
0x30: {  	s3 =	sld [smem:$0x3F9B]  }
0x31: {  	[smem:$0x3FA4] =	sst s10  }
0x32: {  	s10 =	sld [smem:$0x3FA2];
	_ =	sdelay $0x3  }
0x33: {  	p0 =	seq.s32 s10, $0x1;
	s10 =	sld [smem:$0x3FA4];
	_ =	sdelay $0x3  }
0x34: {  	[smem:$0x3FA4] =	sst s10  }
0x35: {  	s10 =	sld [smem:$0x3FA3];
	_ =	sdelay $0x3  }
0x36: {  	p1 =	seq.s32 s10, $0x1;
	s10 =	sld [smem:$0x3FA4];
	_ =	sdelay $0x3  }
0x37: {  	[smem:$0x3FA4] =	sst s10  }
0x38: {  	s10 =	sld [smem:$0x3FA5]  }
0x39: {  	_ = 	snop;
	(pc) =	sbr.ind lr, $3  }
0x3a: {  	_ = 	snop  }
0x3b: {  	_ = 	snop  }
0x3c: {  	p2 =	seq.s32 s10, $0x1;
	s10 =	sld [smem:$0x3FA4]  }
0x3d: {  	_ =	shalt  }
0x3e: {  	_ =	shalt  }
0x3f: {  	_ =	shalt  }
0x40: {  	_ =	shalt  }
0x41: {  	_ =	shalt  }
0x42: {  	_ =	shalt  }
0x43: {  	_ =	shalt  }
0x44: {  	_ =	shalt  }
0x45: {  	_ =	shalt  }
0x46: {  	_ =	shalt  }
0x47: {  	_ =	shalt  }
0x48: {  	_ =	shalt  }
0x49: {  	_ =	shalt  }
0x4a: {  	_ =	shalt  }
0x4b: {  	_ =	shalt  }
0x4c: {  	_ =	shalt  }
0x4d: {  	_ =	shalt  }
0x4e: {  	_ =	shalt  }
0x4f: {  	_ =	shalt  }
0x50: {  	_ =	shalt  }
0x51: {  	_ =	shalt  }
0x52: {  	_ =	shalt  }
0x53: {  	_ =	shalt  }
0x54: {  	_ =	shalt  }
0x55: {  	_ =	shalt  }
0x56: {  	_ =	shalt  }
0x57: {  	_ =	shalt  }
0x58: {  	_ =	shalt  }
0x59: {  	_ =	shalt  }
0x5a: {  	_ =	shalt  }
0x5b: {  	_ =	shalt  }
0x5c: {  	_ =	shalt  }
0x5d: {  	_ =	shalt  }
0x5e: {  	_ =	shalt  }
0x5f: {  	_ =	shalt  }
0x60: {  	_ =	shalt  }
0x61: {  	_ =	shalt  }
0x62: {  	_ =	shalt  }
0x63: {  	_ =	shalt  }
0x64: {  	_ =	shalt  }
0x65: {  	_ =	shalt  }
0x66: {  	_ =	shalt  }
0x67: {  	_ =	shalt  }
0x68: {  	_ =	shalt  }
0x69: {  	_ =	shalt  }
0x6a: {  	_ =	shalt  }
0x6b: {  	_ =	shalt  }
0x6c: {  	_ =	shalt  }
0x6d: {  	_ =	shalt  }
0x6e: {  	_ =	shalt  }
0x6f: {  	_ =	shalt  }
0x70: {  	_ =	shalt  }
0x71: {  	_ =	shalt  }
0x72: {  	_ =	shalt  }
0x73: {  	_ =	shalt  }
0x74: {  	_ =	shalt  }
0x75: {  	_ =	shalt  }
0x76: {  	_ =	shalt  }
0x77: {  	_ =	shalt  }
0x78: {  	_ =	shalt  }
0x79: {  	_ =	shalt  }
0x7a: {  	_ =	shalt  }
0x7b: {  	_ =	shalt  }
0x7c: {  	_ =	shalt  }
0x7d: {  	_ =	shalt  }
0x7e: {  	_ =	shalt  }
0x7f: {  	_ =	shalt  }
0x80: {  	_ =	shalt  }
0x81: {  	_ =	shalt  }
0x82: {  	_ =	shalt  }
0x83: {  	_ =	shalt  }
0x84: {  	_ =	shalt  }
0x85: {  	_ =	shalt  }
0x86: {  	_ =	shalt  }
0x87: {  	_ =	shalt  }
.Lfunc_end0:
.L_simem_size_0:
called_computation.1_lowered:
.L_overlay_start_0:
0x88: {  	s2 =	sld [smem:$0x3FD9]  }
0x89: {  	s3 =	sld [smem:$0x3FFE];
	_ =	sdelay $0x1  }
0x8a: {  	s1 =	srdreg.scid  }
0x8b: {  	s0 =	sand.u32 $0x1, s1  }
0x8c: {  	s14 =	sshll.u32 s0, $0xA;
	s2 =	sadd.s32 s3, s2  }
0x8d: {  	s2 =	sadd.s32 s2, s14  }
0x8e: {  	[smem:$0x3FB0] =	sst s2  }
0x8f: {  	_ = 	snop  }
0x90: {  	s2 =	sld [smem:$0x3FD0];
	_ =	sdelay $0x2  }
0x91: {  	s15 =	simm.s32 $0xA;
	s4 =	simm.s32 $0x10  }
0x92: {  	[smem:s4], [sflag:s15] =	dma.local [hbm:s2], $0x1  }
0x93: {  	_ =	swait.eq [sflag:s15], $0x1  }
0x94: {  	[sflag:s15] =	ssyncset.done $0x0  }
0x95: {  	[sflag:s15] =	ssyncadd.s32 $0xFFFFFFFF  }
0x96: {  	s16 =	sld [smem:$0x12];
	(tm) =	ssettm $0x1  }
0x97: {  	s17 =	sld [smem:$0x3FFB];
	_ =	sdelay $0x3  }
0x98: {  	_ =	strace s17  }
0x99: {  	s3 =	sld [smem:$0x3FFC];
	_ =	sdelay $0x3  }
0x9a: {  	_ =	strace s3  }
0x9b: {  	s3 =	sld [smem:$0x3FFD];
	_ =	sdelay $0x3  }
0x9c: {  	_ =	strace s3  }
0x9d: {  	_ =	strace $0x8FFFFFFF  }
0x9e: {  	s18 =	sld [smem:$0x3FDB];
	_ =	sdelay $0x1  }
0x9f: {  	s19 =	simm.s32 $_scs_section_size  }
0xa0: {  	s5 =	simm.s32 $_size__tile_overlayer_lowered;
	s6 =	simm.s32 $_tile_overlayer_lowered  }
0xa1: {  	s22 =	simm.s32 $0x1BFF;
	s21 =	sshll.u32 s6, $0x1;
	s3 =	sadd.s32 s19, s18  }
0xa2: {  	s7 =	simm.s32 $0x0;
	s20 =	sshll.u32 s5, $0x1;
	s5 =	sadd.s32 s21, s3  }
0xa3: {  	[timem:s7], [sflag:s22] =	dma.local [hbm:s5], s20  }
0xa4: {  	_ =	swait.ge [sflag:s22], s20  }
0xa5: {  	s4 =	ssub.s32 $0x0, s20;
	[sflag:s22] =	ssyncset.done $0x0  }
0xa6: {  	[sflag:s22] =	ssyncadd.s32 s4;
	_ =	sdelay $0x1  }
0xa7: {  	s23 =	simm.s32 $0x1B8B  }
0xa8: {  	_ =	swait.ge [sflag:s23], $0x1  }
0xa9: {  	[sflag:s23] =	ssyncset.done $0x0  }
0xaa: {  	s25 =	simm.s32 $0x1B8E;
	s24 =	sld [smem:$0x3FFE];
	[sflag:s23] =	ssyncadd.s32 $0xFFFFFFFF  }
0xab: {  	s26 =	simm.s32 $execute0_lowered;
	[smem:$0x3FD2] =	sst s25  }
0xac: {  	s5 =	sshll.u32 s26, $0x1;
	_ =	strace $0x80000049;
	[dreg:$0x1] =	wrdreg $0xFFFFFFFF  }
0xad: {  	s28 =	simm.s32 $_size_execute0_lowered;
	s3 =	sadd.s32 s3, s5;
	[dreg:$0x0] =	wrdreg $0x0  }
0xae: {  	s5 =	sshll.u32 s28, $0x1;
	[dreg:$0x2] =	wrdreg s3  }
0xaf: {  	[dreg:$0x3] =	wrdreg s5  }
0xb0: {  	[dreg:$0x4] =	wrdreg $0xC0  }
0xb1: {  	_ =	task [dreg:s7], $0x5FFFF  }
0xb2: {  	[dreg:$0x1] =	wrdreg $0xFFFFFFFF  }
0xb3: {  	[dreg:$0x0] =	wrdreg $0x60  }
0xb4: {  	[dreg:$0x2] =	wrdreg s24  }
0xb5: {  	[dreg:$0x3] =	wrdreg s16  }
0xb6: {  	[dreg:$0x4] =	wrdreg $0xA0000  }
0xb7: {  	[dreg:$0x5] =	wrdreg $0x9  }
0xb8: {  	_ =	task.clear_ibuf [dreg:s7], $0x6FFFF;
	_ =	strace $0x90000049  }
0xb9: {  	s29 =	simm.s32 $0x9;
	_ =	strace $0x8000004B  }
0xba: {  	_ =	swait.ge [sflag:s29], $0x1  }
0xbb: {  	[sflag:s29] =	ssyncadd.s32 $0xFFFFFFFF  }
0xbc: {  	_ =	strace $0x9000004B  }
0xbd: {  	_ =	sfence  }
0xbe: {  	s30 =	sld [smem:$0x0];
	_ =	sdelay $0x2  }
0xbf: {  	s31 =	sshll.u32 s1, $0xD;
	s1 =	sshrl.u32 s1, $0x2  }
0xc0: {  	s3 =	sand.u32 $0x4000, s31;
	s1 =	sadd.s32 s1, s30  }
0xc1: {  	s0 =	sor.u32 s3, s0;
	s1 =	sshll.u32 s1, $0x11  }
0xc2: {  	s0 =	sor.u32 s1, s0  }
0xc3: {  	s0 =	sadd.s32 $0x8F2B, s0  }
0xc4: {  	[sflag:s0] =	ssyncadd.remote.s32 $0x1  }
0xc5: {  	_ =	sfence.sel $0xFFFF  }
0xc6: {  	[dreg:$0x0] =	wrdreg $0xFFFFFFFF;
	(pc) =	sbr.abs _section_cstart, $3  }
0xc7: {  	[dreg:$0x1] =	wrdreg $0xFFFFFFFF  }
0xc8: {  	_ =	task.clear_ibuf [dreg:s7], $0x2FFFF;
	_ =	strace $0x9FFFFFFF  }
0xc9: {  	(tm) =	ssettm $0x7FFFFFFF  }
tec
execute0_lowered:
.L_overlay_start_1:
0x0: {  	(tag) =	ssettag $0x1  }
0x1: {  	s7 =	rddreg [dreg:$0x0]  }
0x2: {  	s1 =	rddreg [dreg:$0x1]  }
0x3: {  	s2 =	rddreg [dreg:$0x2]  }
0x4: {  	s3 =	srdreg.scid;
	s0 =	rddreg [dreg:$0x3];
	s4 =	simm.s32 $0x0  }
0x5: {  	s16 =	simm.s32 $0x80;
	s17 =	simm.s32 $0x2000;
	s18 =	simm.s32 $0x6000  }
0x6: {  	s19 =	simm.s32 $0x1;
	s20 =	simm.s32 $0x2;
	s21 =	simm.s32 $0xF80  }
0x7: {  	s22 =	simm.s32 $0x1F00;
	s8 =	sand.u32 $0x1, s3;
	s3 =	stileid.u32  }
0x8: {  	s23 =	simm.s32 $0x1F80;
	[smem:$0x7FF] =	sst s4;
	s9 =	smul.u32 $0x2800, s8  }
0x9: {  	s5 =	sadd.s32 $0x10A00, s7;
	s6 =	sadd.s32 $0x6A00, s7;
	s10 =	smul.u32 $0x280, s3  }
0xa: {  	_ =	strace $0x8000004A;
	s28 =	ssub.s32 $0x2, s8;
	s11 =	smul.u32 $0x50000, s3  }
0xb: {  	s13 =	smul.u32 $0x50000, s8;
	s31 =	sshll.u32 s3, $0x6;
	s9 =	sadd.s32 s10, s9  }
0xc: {  	s29 =	sshrl.u32 s28, $0x1;
	s30 =	sshrl.u32 s11, $0x2;
	s9 =	sshll.u32 s9, $0x4  }
0xd: {  	s14 =	ssub.s32 s28, s29;
	s15 =	sadd.s32 s30, s2;
	s12 =	sadd.s32 s9, s7  }
0xe: {  	s7 =	smul.u32 $0x5000, s3;
	s8 =	sadd.s32 s5, s9;
	s9 =	sor.u32 $0x1C03, s31  }
0xf: {  	s11 =	sadd.s32 $0x60A00, s12;
	s12 =	smax.u32 s14, $0x1;
	s14 =	simm.s32 $0x3  }
0x10: {  	s10 =	sadd.s32 s13, s7;
	s13 =	sshrl.u32 s15, $0x3;
	s15 =	simm.s32 $0x1000  }
.LBB2_1:
0x11: {  	[spmem:s13], [sflag:s9] =	dma.local [hbm:s8], $0x2800  }
0x12: {  	_ =	swait.ge [sflag:s14], $0x2800  }
0x13: {  	[sflag:s14] =	ssyncset.done $0x0  }
0x14: {  	[sflag:s14] =	ssyncadd.s32 $0xFFFFD800  }
0x15: {  	s24 =	simm.s32 $0x0;
	[bflag:$0x0] =	sbarrier.arrive $0xFFFF  }
.LBB2_2:
0x16: {  	s25 =	sshll.u32 s24, $0xC  }
0x17: {  	s26 =	sadd.s32 s10, s25  }
0x18: {  	s26 =	sshrl.u32 s26, $0x3  }
0x19: {  	s28 =	simm.s32 $0x0;
	s26 =	sadd.s32 s1, s26  }
0x1a: {  	[tilespmem:s28], [sflag:$0x3] =	stream.linear.gather [hbm4b:s26+s28], $0x1000, $0x38;
	[tilespmem:$0x1E000] =	vst v63  }
0x1b: {  	s25 =	sadd.s32 s7, s25;
	_ =	swait.ge [sflag:s14], $0x1000  }
0x1c: {  	s25 =	sshrl.u32 s25, $0x3;
	[sflag:s14] =	ssyncset.done $0x0  }
0x1d: {  	s25 =	sadd.s32 s6, s25;
	[sflag:s14] =	ssyncadd.s32 $0xFFFFF000  }
0x1e: {  	[tilespmem:s15], [sflag:$0x3] =	stream.linear.gather [hbm4b:s25+s28], $0x1000, $0x38;
	[tilespmem:$0x1E000] =	vst v63  }
0x1f: {  	_ =	swait.ge [sflag:s14], $0x1000  }
0x20: {  	[sflag:s14] =	ssyncset.done $0x0  }
0x21: {  	[sflag:s14] =	ssyncadd.s32 $0xFFFFF000  }
0x22: {  	[tilespmem:s17], [sflag:$0x1] =	stream.indirect.gather [hbm4b:s5+s16], $0x80, s28, s16, $0xb8;
	[tilespmem:$0x1E000] =	vst v63  }
0x23: {  	s28 =	simm.s32 $0x80  }
0x24: {  	[tilespmem:s18], [sflag:$0x2] =	stream.indirect.gather [hbm4b:s5+s16], $0x80, s28, s16, $0xb8;
	[tilespmem:$0x1E000] =	vst v63  }
0x25: {  	_ =	swait.ge [sflag:s19], $0x4000  }
0x26: {  	[sflag:s19] =	ssyncset.done $0x0  }
0x27: {  	s29 =	simm.s32 $0x1000;
	[sflag:s19] =	ssyncadd.s32 $0xFFFFC000  }
0x28: {  	[spmem:s2] =	stream.indirect.scatter.add.f32 [tilespmem:s17], [sflag:$0x3], $0x80, s29, s16, $0xb8;
	[tilespmem:$0x1E000] =	vst v63  }
0x29: {  	_ =	swait.ge [sflag:s14], $0x4000  }
0x2a: {  	[sflag:s14] =	ssyncset.done $0x0  }
0x2b: {  	s30 =	simm.s32 $0x100;
	[sflag:s14] =	ssyncadd.s32 $0xFFFFC000  }
0x2c: {  	[tilespmem:s17], [sflag:$0x1] =	stream.indirect.gather [hbm4b:s5+s16], $0x80, s30, s16, $0xb8;
	[tilespmem:$0x1E000] =	vst v63  }
0x2d: {  	_ =	swait.ge [sflag:s20], $0x4000  }
0x2e: {  	[sflag:s20] =	ssyncset.done $0x0  }
0x2f: {  	s31 =	simm.s32 $0x1080;
	[sflag:s20] =	ssyncadd.s32 $0xFFFFC000  }
0x30: {  	[spmem:s2] =	stream.indirect.scatter.add.f32 [tilespmem:s18], [sflag:$0x3], $0x80, s31, s16, $0xb8;
	[tilespmem:$0x1E000] =	vst v63  }
0x31: {  	_ =	swait.ge [sflag:s14], $0x4000  }
0x32: {  	s26 =	simm.s32 $0x800;
	s25 =	simm.s32 $0x100;
	[sflag:s14] =	ssyncset.done $0x0  }
.LBB2_3:
0x33: {  	s28 =	sadd.s32 $0x80, s25  }
0x34: {  	[sflag:s14] =	ssyncadd.s32 $0xFFFFC000;
	s29 =	smov.u32 s26;
	s30 =	sadd.s32 $0x400, s26  }
0x35: {  	[tilespmem:s18], [sflag:$0x2] =	stream.indirect.gather [hbm4b:s5+s16], $0x80, s28, s16, $0xb8;
	[tilespmem:$0x1E000] =	vst v63  }
0x36: {  	p0 =	sne.s32 s26, $0x3800;
	_ =	swait.ge [sflag:s19], $0x4000  }
0x37: {  	[sflag:s19] =	ssyncset.done $0x0  }
0x38: {  	s26 =	sadd.s32 $0x1000, s25;
	[sflag:s19] =	ssyncadd.s32 $0xFFFFC000  }
0x39: {  	[spmem:s2] =	stream.indirect.scatter.add.f32 [tilespmem:s17], [sflag:$0x3], $0x80, s26, s16, $0xb8;
	[tilespmem:$0x1E000] =	vst v63  }
0x3a: {  	_ =	swait.ge [sflag:s14], $0x4000  }
0x3b: {  	[sflag:s14] =	ssyncset.done $0x0  }
0x3c: {  	s26 =	sadd.s32 $0x100, s25;
	[sflag:s14] =	ssyncadd.s32 $0xFFFFC000  }
0x3d: {  	[tilespmem:s17], [sflag:$0x1] =	stream.indirect.gather [hbm4b:s5+s16], $0x80, s26, s16, $0xb8;
	[tilespmem:$0x1E000] =	vst v63  }
0x3e: {  	_ =	swait.ge [sflag:s20], $0x4000  }
.Ltmp0:
0x3f: {  	[sflag:s20] =	ssyncset.done $0x0;
	(pc) =	sbr.rel @p0 .LBB2_3-.Ltmp0, $4  }
0x40: {  	s25 =	sadd.s32 $0x1080, s25;
	[sflag:s20] =	ssyncadd.s32 $0xFFFFC000  }
0x41: {  	[spmem:s2] =	stream.indirect.scatter.add.f32 [tilespmem:s18], [sflag:$0x3], $0x80, s25, s16, $0xb8;
	[tilespmem:$0x1E000] =	vst v63  }
0x42: {  	_ =	swait.ge [sflag:s14], $0x4000  }
0x43: {  	s26 =	smov.u32 s30;
	s25 =	sshra.s32 s29, $0x2;
	[sflag:s14] =	ssyncset.done $0x0  }
0x44: {  	s26 =	sadd.s32 $0x80, s25;
	[sflag:s14] =	ssyncadd.s32 $0xFFFFC000  }
0x45: {  	[tilespmem:s18], [sflag:$0x2] =	stream.indirect.gather [hbm4b:s5+s16], $0x80, s26, s16, $0xb8;
	[tilespmem:$0x1E000] =	vst v63  }
0x46: {  	_ =	swait.ge [sflag:s19], $0x4000  }
0x47: {  	[sflag:s19] =	ssyncset.done $0x0  }
0x48: {  	s29 =	sadd.s32 $0x1000, s25;
	[sflag:s19] =	ssyncadd.s32 $0xFFFFC000  }
0x49: {  	[spmem:s2] =	stream.indirect.scatter.add.f32 [tilespmem:s17], [sflag:$0x3], $0x80, s29, s16, $0xb8;
	[tilespmem:$0x1E000] =	vst v63  }
0x4a: {  	_ =	swait.ge [sflag:s14], $0x4000  }
0x4b: {  	[sflag:s14] =	ssyncset.done $0x0  }
0x4c: {  	s30 =	sadd.s32 $0x100, s25;
	[sflag:s14] =	ssyncadd.s32 $0xFFFFC000  }
0x4d: {  	[tilespmem:s17], [sflag:$0x1] =	stream.indirect.gather [hbm4b:s5+s16], $0x80, s30, s16, $0xb8;
	[tilespmem:$0x1E000] =	vst v63  }
0x4e: {  	_ =	swait.ge [sflag:s20], $0x4000  }
0x4f: {  	[sflag:s20] =	ssyncset.done $0x0  }
0x50: {  	s31 =	sadd.s32 $0x1080, s25;
	[sflag:s20] =	ssyncadd.s32 $0xFFFFC000  }
0x51: {  	[spmem:s2] =	stream.indirect.scatter.add.f32 [tilespmem:s18], [sflag:$0x3], $0x80, s31, s16, $0xb8;
	[tilespmem:$0x1E000] =	vst v63  }
0x52: {  	_ =	swait.ge [sflag:s14], $0x4000  }
0x53: {  	[sflag:s14] =	ssyncset.done $0x0  }
0x54: {  	[sflag:s14] =	ssyncadd.s32 $0xFFFFC000  }
0x55: {  	[tilespmem:s18], [sflag:$0x2] =	stream.indirect.gather [hbm4b:s5+s16], $0x80, s21, s16, $0xb8;
	[tilespmem:$0x1E000] =	vst v63  }
0x56: {  	_ =	swait.ge [sflag:s19], $0x4000  }
0x57: {  	[sflag:s19] =	ssyncset.done $0x0  }
0x58: {  	[sflag:s19] =	ssyncadd.s32 $0xFFFFC000  }
0x59: {  	[spmem:s2] =	stream.indirect.scatter.add.f32 [tilespmem:s17], [sflag:$0x3], $0x80, s22, s16, $0xb8;
	[tilespmem:$0x1E000] =	vst v63  }
0x5a: {  	_ =	swait.ge [sflag:s14], $0x4000  }
0x5b: {  	[sflag:s14] =	ssyncset.done $0x0  }
0x5c: {  	[sflag:s14] =	ssyncadd.s32 $0xFFFFC000  }
0x5d: {  	s24 =	sadd.s32 $0x1, s24;
	_ =	swait.ge [sflag:s20], $0x4000  }
0x5e: {  	p0 =	sne.s32 s24, $0x5;
	[sflag:s20] =	ssyncset.done $0x0  }
.Ltmp1:
0x5f: {  	[sflag:s20] =	ssyncadd.s32 $0xFFFFC000;
	(pc) =	sbr.rel @p0 .LBB2_2-.Ltmp1, $4  }
0x60: {  	[spmem:s2] =	stream.indirect.scatter.add.f32 [tilespmem:s18], [sflag:$0x3], $0x80, s23, s16, $0xb8;
	[tilespmem:$0x1E000] =	vst v63  }
0x61: {  	_ =	swait.ge [sflag:s14], $0x4000  }
0x62: {  	[sflag:s14] =	ssyncset.done $0x0  }
0x63: {  	[sflag:s14] =	ssyncadd.s32 $0xFFFFC000  }
0x64: {  	s4 =	sadd.s32 $0x1, s4  }
0x65: {  	p0 =	sne.s32 s4, s12  }
.Ltmp2:
0x66: {  	[bflag:$0x0] =	sbarrier.arrive $0xFFFF;
	(pc) =	sbr.rel @p0 .LBB2_1-.Ltmp2, $4  }
0x67: {  	[hbm:s11], [sflag:s9] =	dma.local [spmem:s13], $0x2800  }
0x68: {  	_ =	swait.ge [sflag:s14], $0x2800  }
0x69: {  	[sflag:s14] =	ssyncset.done $0x0  }
0x6a: {  	[sflag:s14] =	ssyncadd.s32 $0xFFFFD800  }
0x6b: {  	_ =	sfence.sel $0x180000  }
0x6c: {  	[bflag:$0x0] =	sbarrier.arrive $0xFFFF  }
0x6d: {  	p0 =	sne.s32 s3, $0x0;
	_ =	strace $0x9000004A  }
0x6e: {  	s0 =	sadd.s32 @!p0 $0x100000, s0;
	[bflag:$0x2] =	sbarrier.arrive $0xFFFF  }
0x6f: {  	[sflag:s0] =	ssyncadd.tile.s32 @!p0 $0x1;
	_ =	shalt  }
.Lfunc_end2:
_tile_overlayer_lowered:
.L_overlay_start_2:
0x70: {  	(tag) =	ssettag $0x2  }
0x71: {  	s0 =	rddreg [dreg:$0x0];
	s2 =	stileid.u32  }
0x72: {  	s1 =	rddreg [dreg:$0x1];
	p0 =	sne.s32 s2, $0x0  }
0x73: {  	s3 =	rddreg [dreg:$0x2];
	[bflag:$0x3] =	sbarrier.arrive $0xFFFF;
	s2 =	simm.s32 @!p0 $0x1C03  }
0x74: {  	[timem:s3], [sflag:s2] =	dma.local @!p0 [hbm:s0], s1  }
0x75: {  	s0 =	simm.s32 @!p0 $0x3  }
0x76: {  	_ =	swait.ge @!p0 [sflag:s0], s1  }
0x77: {  	s1 =	ssub.s32 @!p0 $0x0, s1;
	[sflag:s0] =	ssyncset.done @!p0 $0x0  }
0x78: {  	[sflag:s0] =	ssyncadd.s32 @!p0 s1  }
0x79: {  	[bflag:$0x3] =	sbarrier.arrive $0xFFFF  }
0x7a: {  	_ =	shalt  }

// kernel: kernel.26.cloned.1.call-start
scs
__scs_entry_jumppad:
0x0: {  	(pc) =	sbr.rel $0x88, $3  }
0x1: {  	(tag) =	ssettag $0x0;
	lr =	simm.s32 $0x1  }
0x2: {  	[smem:$0x3F89] =	sst lr;
	_ =	strace $0xD0000000  }
0x3: {  	_ = 	snop  }
0x4: {  	_ = 	snop  }
0x5: {  	_ = 	snop  }
0x6: {  	_ = 	snop  }
0x7: {  	_ = 	snop  }
__scs_overlays_trampoline_lowered:
0x8: {  	[smem:$0x3F98] =	sst s0  }
0x9: {  	[smem:$0x3F99] =	sst s1  }
0xa: {  	[smem:$0x3F9A] =	sst s2  }
0xb: {  	[smem:$0x3F9B] =	sst s3  }
0xc: {  	[smem:$0x3F9C] =	sst s4  }
0xd: {  	[smem:$0x3F9D] =	sst s5  }
0xe: {  	[smem:$0x3F9E] =	sst s6  }
0xf: {  	[smem:$0x3F9F] =	sst s7  }
0x10: {  	[smem:$0x3FA0] =	sst s8  }
0x11: {  	[smem:$0x3FA1] =	sst s9;
	s0 =	simm.s32 @!p0 $0x0  }
0x12: {  	s1 =	sld [smem:$0x3F87];
	s0 =	simm.s32 @p0 $0x1  }
0x13: {  	[smem:$0x3FA2] =	sst s0;
	s0 =	simm.s32 @!p1 $0x0  }
0x14: {  	s2 =	sld [smem:$0x3F86];
	s0 =	simm.s32 @p1 $0x1  }
0x15: {  	[smem:$0x3FA3] =	sst s0;
	s0 =	simm.s32 @!p2 $0x0  }
0x16: {  	s3 =	sld [smem:$0x3FDB];
	s0 =	simm.s32 @p2 $0x1  }
0x17: {  	s4 =	simm.s32 $0x1BF5;
	[smem:$0x3FA5] =	sst s0  }
0x18: {  	s0 =	sld [smem:$0x3F88];
	_ =	swait.ge [sflag:s4], $0x0  }
0x19: {  	s7 =	sld [smem:$0x3F89]  }
0x1a: {  	s8 =	sadd.s32 $0xFFFFE003, lr  }
0x1b: {  	s9 =	sadd.s32 $0xFFFFFEF7, lr;
	s5 =	simm.s32 $0xFFFFFFFF;
	p2 =	slt.u32 s8, $0xFFFFF086  }
0x1c: {  	p1 =	slt.u32 s9, $0xF7A;
	s5 =	simm.s32 @!p2 $0x0  }
0x1d: {  	s5 =	simm.s32 @p1 $0x1;
	p0 =	seq.s32 s7, s2  }
0x1e: {  	s7 =	smul.u32 @!p0 $0xF7A, s2;
	p2 =	seq.s32 @!p0 s5, $0x0  }
0x1f: {  	s9 =	smul.u32 $0xF7A, s1;
	s8 =	simm.s32 @!p0 $0x1BF5;
	p2 =	por !p2, p0  }
0x20: {  	[sflag:s8] =	ssyncset.s32 @!p0 $0xFFFFF086;
	s6 =	sadd.s32 @!p0 s3, s7;
	s7 =	simm.s32 @!p0 $0x108  }
0x21: {  	s3 =	sadd.s32 s3, s9;
	s6 =	sadd.s32 @!p0 $0x88, s6;
	s7 =	simm.s32 @p2 $0x1082  }
0x22: {  	[simem:s7], [sflag:s8] =	dma.local @!p0 [hbm:s6], $0xF7A  }
0x23: {  	s9 =	sor.u32 $0xD0000000, s2;
	s6 =	simm.s32 $0x108;
	_ =	swait.ge @!p0 [sflag:s8], $0x0  }
0x24: {  	s3 =	sadd.s32 $0x88, s3;
	s6 =	simm.s32 @!p1 $0x1082;
	[sflag:s4] =	ssyncset.s32 $0xFFFFF086  }
0x25: {  	[simem:s6], [sflag:s4] =	dma.local [hbm:s3], $0xF7A  }
0x26: {  	[smem:$0x3F89] =	sst s1;
	(tag) =	ssettag s2;
	_ =	strace s9  }
0x27: {  	s1 =	sld [smem:$0x3F99]  }
0x28: {  	s2 =	sld [smem:$0x3F9A]  }
0x29: {  	s4 =	sld [smem:$0x3F9C]  }
0x2a: {  	p0 =	seq.s32 s5, $0x0;
	s5 =	sld [smem:$0x3F9D]  }
0x2b: {  	s6 =	sld [smem:$0x3F9E]  }
0x2c: {  	s7 =	sld [smem:$0x3F9F]  }
0x2d: {  	s3 =	simm.s32 $0x108;
	s8 =	sld [smem:$0x3FA0]  }
0x2e: {  	s3 =	simm.s32 @!p0 $0x1082;
	s9 =	sld [smem:$0x3FA1]  }
0x2f: {  	lr =	sadd.s32 s0, s3;
	s0 =	sld [smem:$0x3F98]  }
0x30: {  	s3 =	sld [smem:$0x3F9B]  }
0x31: {  	[smem:$0x3FA4] =	sst s10  }
0x32: {  	s10 =	sld [smem:$0x3FA2];
	_ =	sdelay $0x3  }
0x33: {  	p0 =	seq.s32 s10, $0x1;
	s10 =	sld [smem:$0x3FA4];
	_ =	sdelay $0x3  }
0x34: {  	[smem:$0x3FA4] =	sst s10  }
0x35: {  	s10 =	sld [smem:$0x3FA3];
	_ =	sdelay $0x3  }
0x36: {  	p1 =	seq.s32 s10, $0x1;
	s10 =	sld [smem:$0x3FA4];
	_ =	sdelay $0x3  }
0x37: {  	[smem:$0x3FA4] =	sst s10  }
0x38: {  	s10 =	sld [smem:$0x3FA5]  }
0x39: {  	_ = 	snop;
	(pc) =	sbr.ind lr, $3  }
0x3a: {  	_ = 	snop  }
0x3b: {  	_ = 	snop  }
0x3c: {  	p2 =	seq.s32 s10, $0x1;
	s10 =	sld [smem:$0x3FA4]  }
0x3d: {  	_ =	shalt  }
0x3e: {  	_ =	shalt  }
0x3f: {  	_ =	shalt  }
0x40: {  	_ =	shalt  }
0x41: {  	_ =	shalt  }
0x42: {  	_ =	shalt  }
0x43: {  	_ =	shalt  }
0x44: {  	_ =	shalt  }
0x45: {  	_ =	shalt  }
0x46: {  	_ =	shalt  }
0x47: {  	_ =	shalt  }
0x48: {  	_ =	shalt  }
0x49: {  	_ =	shalt  }
0x4a: {  	_ =	shalt  }
0x4b: {  	_ =	shalt  }
0x4c: {  	_ =	shalt  }
0x4d: {  	_ =	shalt  }
0x4e: {  	_ =	shalt  }
0x4f: {  	_ =	shalt  }
0x50: {  	_ =	shalt  }
0x51: {  	_ =	shalt  }
0x52: {  	_ =	shalt  }
0x53: {  	_ =	shalt  }
0x54: {  	_ =	shalt  }
0x55: {  	_ =	shalt  }
0x56: {  	_ =	shalt  }
0x57: {  	_ =	shalt  }
0x58: {  	_ =	shalt  }
0x59: {  	_ =	shalt  }
0x5a: {  	_ =	shalt  }
0x5b: {  	_ =	shalt  }
0x5c: {  	_ =	shalt  }
0x5d: {  	_ =	shalt  }
0x5e: {  	_ =	shalt  }
0x5f: {  	_ =	shalt  }
0x60: {  	_ =	shalt  }
0x61: {  	_ =	shalt  }
0x62: {  	_ =	shalt  }
0x63: {  	_ =	shalt  }
0x64: {  	_ =	shalt  }
0x65: {  	_ =	shalt  }
0x66: {  	_ =	shalt  }
0x67: {  	_ =	shalt  }
0x68: {  	_ =	shalt  }
0x69: {  	_ =	shalt  }
0x6a: {  	_ =	shalt  }
0x6b: {  	_ =	shalt  }
0x6c: {  	_ =	shalt  }
0x6d: {  	_ =	shalt  }
0x6e: {  	_ =	shalt  }
0x6f: {  	_ =	shalt  }
0x70: {  	_ =	shalt  }
0x71: {  	_ =	shalt  }
0x72: {  	_ =	shalt  }
0x73: {  	_ =	shalt  }
0x74: {  	_ =	shalt  }
0x75: {  	_ =	shalt  }
0x76: {  	_ =	shalt  }
0x77: {  	_ =	shalt  }
0x78: {  	_ =	shalt  }
0x79: {  	_ =	shalt  }
0x7a: {  	_ =	shalt  }
0x7b: {  	_ =	shalt  }
0x7c: {  	_ =	shalt  }
0x7d: {  	_ =	shalt  }
0x7e: {  	_ =	shalt  }
0x7f: {  	_ =	shalt  }
0x80: {  	_ =	shalt  }
0x81: {  	_ =	shalt  }
0x82: {  	_ =	shalt  }
0x83: {  	_ =	shalt  }
0x84: {  	_ =	shalt  }
0x85: {  	_ =	shalt  }
0x86: {  	_ =	shalt  }
0x87: {  	_ =	shalt  }
.Lfunc_end0:
.L_simem_size_0:
called_computation.2_lowered:
.L_overlay_start_0:
0x88: {  	s2 =	sld [smem:$0x3FD9]  }
0x89: {  	s3 =	sld [smem:$0x3FFE];
	_ =	sdelay $0x1  }
0x8a: {  	s1 =	srdreg.scid  }
0x8b: {  	s0 =	sand.u32 $0x1, s1  }
0x8c: {  	s14 =	sshll.u32 s0, $0xA;
	s2 =	sadd.s32 s3, s2  }
0x8d: {  	s2 =	sadd.s32 s2, s14  }
0x8e: {  	[smem:$0x3FB0] =	sst s2  }
0x8f: {  	_ = 	snop  }
0x90: {  	s2 =	sld [smem:$0x3FD0];
	_ =	sdelay $0x2  }
0x91: {  	s15 =	simm.s32 $0xA;
	s4 =	simm.s32 $0x10  }
0x92: {  	[smem:s4], [sflag:s15] =	dma.local [hbm:s2], $0x1  }
0x93: {  	_ =	swait.eq [sflag:s15], $0x1  }
0x94: {  	[sflag:s15] =	ssyncset.done $0x0  }
0x95: {  	[sflag:s15] =	ssyncadd.s32 $0xFFFFFFFF  }
0x96: {  	s16 =	sld [smem:$0x12];
	(tm) =	ssettm $0x1  }
0x97: {  	s17 =	sld [smem:$0x3FFB];
	_ =	sdelay $0x3  }
0x98: {  	_ =	strace s17  }
0x99: {  	s3 =	sld [smem:$0x3FFC];
	_ =	sdelay $0x3  }
0x9a: {  	_ =	strace s3  }
0x9b: {  	s3 =	sld [smem:$0x3FFD];
	_ =	sdelay $0x3  }
0x9c: {  	_ =	strace s3  }
0x9d: {  	_ =	strace $0x8FFFFFFF  }
0x9e: {  	s18 =	sld [smem:$0x3FDB];
	_ =	sdelay $0x1  }
0x9f: {  	s19 =	simm.s32 $_scs_section_size  }
0xa0: {  	s5 =	simm.s32 $_size__tile_overlayer_lowered;
	s6 =	simm.s32 $_tile_overlayer_lowered  }
0xa1: {  	s22 =	simm.s32 $0x1BFF;
	s21 =	sshll.u32 s6, $0x1;
	s3 =	sadd.s32 s19, s18  }
0xa2: {  	s7 =	simm.s32 $0x0;
	s20 =	sshll.u32 s5, $0x1;
	s5 =	sadd.s32 s21, s3  }
0xa3: {  	[timem:s7], [sflag:s22] =	dma.local [hbm:s5], s20  }
0xa4: {  	_ =	swait.ge [sflag:s22], s20  }
0xa5: {  	s4 =	ssub.s32 $0x0, s20;
	[sflag:s22] =	ssyncset.done $0x0  }
0xa6: {  	[sflag:s22] =	ssyncadd.s32 s4;
	_ =	sdelay $0x1  }
0xa7: {  	s23 =	simm.s32 $0x1B8B  }
0xa8: {  	_ =	swait.ge [sflag:s23], $0x1  }
0xa9: {  	[sflag:s23] =	ssyncset.done $0x0  }
0xaa: {  	s25 =	simm.s32 $0x1B8E;
	s24 =	sld [smem:$0x3FFE];
	[sflag:s23] =	ssyncadd.s32 $0xFFFFFFFF  }
0xab: {  	s26 =	simm.s32 $execute0_lowered;
	[smem:$0x3FD2] =	sst s25  }
0xac: {  	s5 =	sshll.u32 s26, $0x1;
	_ =	strace $0x8000004C;
	[dreg:$0x1] =	wrdreg $0xFFFFFFFF  }
0xad: {  	s28 =	simm.s32 $_size_execute0_lowered;
	s3 =	sadd.s32 s3, s5;
	[dreg:$0x0] =	wrdreg $0x0  }
0xae: {  	s5 =	sshll.u32 s28, $0x1;
	[dreg:$0x2] =	wrdreg s3  }
0xaf: {  	[dreg:$0x3] =	wrdreg s5  }
0xb0: {  	[dreg:$0x4] =	wrdreg $0xC0  }
0xb1: {  	_ =	task [dreg:s7], $0x5FFFF  }
0xb2: {  	[dreg:$0x1] =	wrdreg $0xFFFFFFFF  }
0xb3: {  	[dreg:$0x0] =	wrdreg $0x60  }
0xb4: {  	[dreg:$0x2] =	wrdreg s24  }
0xb5: {  	[dreg:$0x3] =	wrdreg s16  }
0xb6: {  	[dreg:$0x4] =	wrdreg $0xA0000  }
0xb7: {  	[dreg:$0x5] =	wrdreg $0x9  }
0xb8: {  	_ =	task.clear_ibuf [dreg:s7], $0x6FFFF;
	_ =	strace $0x9000004C  }
0xb9: {  	s29 =	simm.s32 $0x9;
	_ =	strace $0x8000004E  }
0xba: {  	_ =	swait.ge [sflag:s29], $0x1  }
0xbb: {  	[sflag:s29] =	ssyncadd.s32 $0xFFFFFFFF  }
0xbc: {  	_ =	strace $0x9000004E  }
0xbd: {  	_ =	sfence  }
0xbe: {  	s30 =	sld [smem:$0x0];
	_ =	sdelay $0x2  }
0xbf: {  	s31 =	sshll.u32 s1, $0xD;
	s1 =	sshrl.u32 s1, $0x2  }
0xc0: {  	s3 =	sand.u32 $0x4000, s31;
	s1 =	sadd.s32 s1, s30  }
0xc1: {  	s0 =	sor.u32 s3, s0;
	s1 =	sshll.u32 s1, $0x11  }
0xc2: {  	s0 =	sor.u32 s1, s0  }
0xc3: {  	s0 =	sadd.s32 $0x8F2B, s0  }
0xc4: {  	[sflag:s0] =	ssyncadd.remote.s32 $0x1  }
0xc5: {  	_ =	sfence.sel $0xFFFF  }
0xc6: {  	[dreg:$0x0] =	wrdreg $0xFFFFFFFF;
	(pc) =	sbr.abs _section_cstart, $3  }
0xc7: {  	[dreg:$0x1] =	wrdreg $0xFFFFFFFF  }
0xc8: {  	_ =	task.clear_ibuf [dreg:s7], $0x2FFFF;
	_ =	strace $0x9FFFFFFF  }
0xc9: {  	(tm) =	ssettm $0x7FFFFFFF  }
tec
execute0_lowered:
.L_overlay_start_1:
0x0: {  	(tag) =	ssettag $0x1  }
0x1: {  	s7 =	rddreg [dreg:$0x0]  }
0x2: {  	s1 =	rddreg [dreg:$0x1]  }
0x3: {  	s2 =	rddreg [dreg:$0x2]  }
0x4: {  	s3 =	srdreg.scid;
	s0 =	rddreg [dreg:$0x3];
	s4 =	simm.s32 $0x0  }
0x5: {  	s16 =	simm.s32 $0x80;
	s17 =	simm.s32 $0x2000;
	s18 =	simm.s32 $0x6000  }
0x6: {  	s19 =	simm.s32 $0x1;
	s20 =	simm.s32 $0x2;
	s21 =	simm.s32 $0xF80  }
0x7: {  	s22 =	simm.s32 $0x1F00;
	s8 =	sand.u32 $0x1, s3;
	s3 =	stileid.u32  }
0x8: {  	s23 =	simm.s32 $0x1F80;
	[smem:$0x7FF] =	sst s4;
	s9 =	smul.u32 $0x2800, s8  }
0x9: {  	s5 =	sadd.s32 $0x10A00, s7;
	s6 =	sadd.s32 $0x6A00, s7;
	s10 =	smul.u32 $0x280, s3  }
0xa: {  	_ =	strace $0x8000004D;
	s28 =	ssub.s32 $0x2, s8;
	s11 =	smul.u32 $0x50000, s3  }
0xb: {  	s13 =	smul.u32 $0x50000, s8;
	s31 =	sshll.u32 s3, $0x6;
	s9 =	sadd.s32 s10, s9  }
0xc: {  	s29 =	sshrl.u32 s28, $0x1;
	s30 =	sshrl.u32 s11, $0x2;
	s9 =	sshll.u32 s9, $0x4  }
0xd: {  	s14 =	ssub.s32 s28, s29;
	s15 =	sadd.s32 s30, s2;
	s12 =	sadd.s32 s9, s7  }
0xe: {  	s7 =	smul.u32 $0x5000, s3;
	s8 =	sadd.s32 s5, s9;
	s9 =	sor.u32 $0x1C03, s31  }
0xf: {  	s11 =	sadd.s32 $0x60A00, s12;
	s12 =	smax.u32 s14, $0x1;
	s14 =	simm.s32 $0x3  }
0x10: {  	s10 =	sadd.s32 s13, s7;
	s13 =	sshrl.u32 s15, $0x3;
	s15 =	simm.s32 $0x1000  }
.LBB2_1:
0x11: {  	[spmem:s13], [sflag:s9] =	dma.local [hbm:s8], $0x2800  }
0x12: {  	_ =	swait.ge [sflag:s14], $0x2800  }
0x13: {  	[sflag:s14] =	ssyncset.done $0x0  }
0x14: {  	[sflag:s14] =	ssyncadd.s32 $0xFFFFD800  }
0x15: {  	s24 =	simm.s32 $0x0;
	[bflag:$0x0] =	sbarrier.arrive $0xFFFF  }
.LBB2_2:
0x16: {  	s25 =	sshll.u32 s24, $0xC  }
0x17: {  	s26 =	sadd.s32 s10, s25  }
0x18: {  	s26 =	sshrl.u32 s26, $0x3  }
0x19: {  	s28 =	simm.s32 $0x0;
	s26 =	sadd.s32 s1, s26  }
0x1a: {  	[tilespmem:s28], [sflag:$0x3] =	stream.linear.gather [hbm4b:s26+s28], $0x1000, $0x38;
	[tilespmem:$0x1E000] =	vst v63  }
0x1b: {  	s25 =	sadd.s32 s7, s25;
	_ =	swait.ge [sflag:s14], $0x1000  }
0x1c: {  	s25 =	sshrl.u32 s25, $0x3;
	[sflag:s14] =	ssyncset.done $0x0  }
0x1d: {  	s25 =	sadd.s32 s6, s25;
	[sflag:s14] =	ssyncadd.s32 $0xFFFFF000  }
0x1e: {  	[tilespmem:s15], [sflag:$0x3] =	stream.linear.gather [hbm4b:s25+s28], $0x1000, $0x38;
	[tilespmem:$0x1E000] =	vst v63  }
0x1f: {  	_ =	swait.ge [sflag:s14], $0x1000  }
0x20: {  	[sflag:s14] =	ssyncset.done $0x0  }
0x21: {  	[sflag:s14] =	ssyncadd.s32 $0xFFFFF000  }
0x22: {  	[tilespmem:s17], [sflag:$0x1] =	stream.indirect.gather [hbm4b:s5+s16], $0x80, s28, s16, $0xb8;
	[tilespmem:$0x1E000] =	vst v63  }
0x23: {  	s28 =	simm.s32 $0x80  }
0x24: {  	[tilespmem:s18], [sflag:$0x2] =	stream.indirect.gather [hbm4b:s5+s16], $0x80, s28, s16, $0xb8;
	[tilespmem:$0x1E000] =	vst v63  }
0x25: {  	_ =	swait.ge [sflag:s19], $0x4000  }
0x26: {  	[sflag:s19] =	ssyncset.done $0x0  }
0x27: {  	s29 =	simm.s32 $0x1000;
	[sflag:s19] =	ssyncadd.s32 $0xFFFFC000  }
0x28: {  	[spmem:s2] =	stream.indirect.scatter.add.f32 [tilespmem:s17], [sflag:$0x3], $0x80, s29, s16, $0xb8;
	[tilespmem:$0x1E000] =	vst v63  }
0x29: {  	_ =	swait.ge [sflag:s14], $0x4000  }
0x2a: {  	[sflag:s14] =	ssyncset.done $0x0  }
0x2b: {  	s30 =	simm.s32 $0x100;
	[sflag:s14] =	ssyncadd.s32 $0xFFFFC000  }
0x2c: {  	[tilespmem:s17], [sflag:$0x1] =	stream.indirect.gather [hbm4b:s5+s16], $0x80, s30, s16, $0xb8;
	[tilespmem:$0x1E000] =	vst v63  }
0x2d: {  	_ =	swait.ge [sflag:s20], $0x4000  }
0x2e: {  	[sflag:s20] =	ssyncset.done $0x0  }
0x2f: {  	s31 =	simm.s32 $0x1080;
	[sflag:s20] =	ssyncadd.s32 $0xFFFFC000  }
0x30: {  	[spmem:s2] =	stream.indirect.scatter.add.f32 [tilespmem:s18], [sflag:$0x3], $0x80, s31, s16, $0xb8;
	[tilespmem:$0x1E000] =	vst v63  }
0x31: {  	_ =	swait.ge [sflag:s14], $0x4000  }
0x32: {  	s26 =	simm.s32 $0x800;
	s25 =	simm.s32 $0x100;
	[sflag:s14] =	ssyncset.done $0x0  }
.LBB2_3:
0x33: {  	s28 =	sadd.s32 $0x80, s25  }
0x34: {  	[sflag:s14] =	ssyncadd.s32 $0xFFFFC000;
	s29 =	smov.u32 s26;
	s30 =	sadd.s32 $0x400, s26  }
0x35: {  	[tilespmem:s18], [sflag:$0x2] =	stream.indirect.gather [hbm4b:s5+s16], $0x80, s28, s16, $0xb8;
	[tilespmem:$0x1E000] =	vst v63  }
0x36: {  	p0 =	sne.s32 s26, $0x3800;
	_ =	swait.ge [sflag:s19], $0x4000  }
0x37: {  	[sflag:s19] =	ssyncset.done $0x0  }
0x38: {  	s26 =	sadd.s32 $0x1000, s25;
	[sflag:s19] =	ssyncadd.s32 $0xFFFFC000  }
0x39: {  	[spmem:s2] =	stream.indirect.scatter.add.f32 [tilespmem:s17], [sflag:$0x3], $0x80, s26, s16, $0xb8;
	[tilespmem:$0x1E000] =	vst v63  }
0x3a: {  	_ =	swait.ge [sflag:s14], $0x4000  }
0x3b: {  	[sflag:s14] =	ssyncset.done $0x0  }
0x3c: {  	s26 =	sadd.s32 $0x100, s25;
	[sflag:s14] =	ssyncadd.s32 $0xFFFFC000  }
0x3d: {  	[tilespmem:s17], [sflag:$0x1] =	stream.indirect.gather [hbm4b:s5+s16], $0x80, s26, s16, $0xb8;
	[tilespmem:$0x1E000] =	vst v63  }
0x3e: {  	_ =	swait.ge [sflag:s20], $0x4000  }
.Ltmp0:
0x3f: {  	[sflag:s20] =	ssyncset.done $0x0;
	(pc) =	sbr.rel @p0 .LBB2_3-.Ltmp0, $4  }
0x40: {  	s25 =	sadd.s32 $0x1080, s25;
	[sflag:s20] =	ssyncadd.s32 $0xFFFFC000  }
0x41: {  	[spmem:s2] =	stream.indirect.scatter.add.f32 [tilespmem:s18], [sflag:$0x3], $0x80, s25, s16, $0xb8;
	[tilespmem:$0x1E000] =	vst v63  }
0x42: {  	_ =	swait.ge [sflag:s14], $0x4000  }
0x43: {  	s26 =	smov.u32 s30;
	s25 =	sshra.s32 s29, $0x2;
	[sflag:s14] =	ssyncset.done $0x0  }
0x44: {  	s26 =	sadd.s32 $0x80, s25;
	[sflag:s14] =	ssyncadd.s32 $0xFFFFC000  }
0x45: {  	[tilespmem:s18], [sflag:$0x2] =	stream.indirect.gather [hbm4b:s5+s16], $0x80, s26, s16, $0xb8;
	[tilespmem:$0x1E000] =	vst v63  }
0x46: {  	_ =	swait.ge [sflag:s19], $0x4000  }
0x47: {  	[sflag:s19] =	ssyncset.done $0x0  }
0x48: {  	s29 =	sadd.s32 $0x1000, s25;
	[sflag:s19] =	ssyncadd.s32 $0xFFFFC000  }
0x49: {  	[spmem:s2] =	stream.indirect.scatter.add.f32 [tilespmem:s17], [sflag:$0x3], $0x80, s29, s16, $0xb8;
	[tilespmem:$0x1E000] =	vst v63  }
0x4a: {  	_ =	swait.ge [sflag:s14], $0x4000  }
0x4b: {  	[sflag:s14] =	ssyncset.done $0x0  }
0x4c: {  	s30 =	sadd.s32 $0x100, s25;
	[sflag:s14] =	ssyncadd.s32 $0xFFFFC000  }
0x4d: {  	[tilespmem:s17], [sflag:$0x1] =	stream.indirect.gather [hbm4b:s5+s16], $0x80, s30, s16, $0xb8;
	[tilespmem:$0x1E000] =	vst v63  }
0x4e: {  	_ =	swait.ge [sflag:s20], $0x4000  }
0x4f: {  	[sflag:s20] =	ssyncset.done $0x0  }
0x50: {  	s31 =	sadd.s32 $0x1080, s25;
	[sflag:s20] =	ssyncadd.s32 $0xFFFFC000  }
0x51: {  	[spmem:s2] =	stream.indirect.scatter.add.f32 [tilespmem:s18], [sflag:$0x3], $0x80, s31, s16, $0xb8;
	[tilespmem:$0x1E000] =	vst v63  }
0x52: {  	_ =	swait.ge [sflag:s14], $0x4000  }
0x53: {  	[sflag:s14] =	ssyncset.done $0x0  }
0x54: {  	[sflag:s14] =	ssyncadd.s32 $0xFFFFC000  }
0x55: {  	[tilespmem:s18], [sflag:$0x2] =	stream.indirect.gather [hbm4b:s5+s16], $0x80, s21, s16, $0xb8;
	[tilespmem:$0x1E000] =	vst v63  }
0x56: {  	_ =	swait.ge [sflag:s19], $0x4000  }
0x57: {  	[sflag:s19] =	ssyncset.done $0x0  }
0x58: {  	[sflag:s19] =	ssyncadd.s32 $0xFFFFC000  }
0x59: {  	[spmem:s2] =	stream.indirect.scatter.add.f32 [tilespmem:s17], [sflag:$0x3], $0x80, s22, s16, $0xb8;
	[tilespmem:$0x1E000] =	vst v63  }
0x5a: {  	_ =	swait.ge [sflag:s14], $0x4000  }
0x5b: {  	[sflag:s14] =	ssyncset.done $0x0  }
0x5c: {  	[sflag:s14] =	ssyncadd.s32 $0xFFFFC000  }
0x5d: {  	s24 =	sadd.s32 $0x1, s24;
	_ =	swait.ge [sflag:s20], $0x4000  }
0x5e: {  	p0 =	sne.s32 s24, $0x5;
	[sflag:s20] =	ssyncset.done $0x0  }
.Ltmp1:
0x5f: {  	[sflag:s20] =	ssyncadd.s32 $0xFFFFC000;
	(pc) =	sbr.rel @p0 .LBB2_2-.Ltmp1, $4  }
0x60: {  	[spmem:s2] =	stream.indirect.scatter.add.f32 [tilespmem:s18], [sflag:$0x3], $0x80, s23, s16, $0xb8;
	[tilespmem:$0x1E000] =	vst v63  }
0x61: {  	_ =	swait.ge [sflag:s14], $0x4000  }
0x62: {  	[sflag:s14] =	ssyncset.done $0x0  }
0x63: {  	[sflag:s14] =	ssyncadd.s32 $0xFFFFC000  }
0x64: {  	s4 =	sadd.s32 $0x1, s4  }
0x65: {  	p0 =	sne.s32 s4, s12  }
.Ltmp2:
0x66: {  	[bflag:$0x0] =	sbarrier.arrive $0xFFFF;
	(pc) =	sbr.rel @p0 .LBB2_1-.Ltmp2, $4  }
0x67: {  	[hbm:s11], [sflag:s9] =	dma.local [spmem:s13], $0x2800  }
0x68: {  	_ =	swait.ge [sflag:s14], $0x2800  }
0x69: {  	[sflag:s14] =	ssyncset.done $0x0  }
0x6a: {  	[sflag:s14] =	ssyncadd.s32 $0xFFFFD800  }
0x6b: {  	_ =	sfence.sel $0x180000  }
0x6c: {  	[bflag:$0x0] =	sbarrier.arrive $0xFFFF  }
0x6d: {  	p0 =	sne.s32 s3, $0x0;
	_ =	strace $0x9000004D  }
0x6e: {  	s0 =	sadd.s32 @!p0 $0x100000, s0;
	[bflag:$0x2] =	sbarrier.arrive $0xFFFF  }
0x6f: {  	[sflag:s0] =	ssyncadd.tile.s32 @!p0 $0x1;
	_ =	shalt  }
.Lfunc_end2:
_tile_overlayer_lowered:
.L_overlay_start_2:
0x70: {  	(tag) =	ssettag $0x2  }
0x71: {  	s0 =	rddreg [dreg:$0x0];
	s2 =	stileid.u32  }
0x72: {  	s1 =	rddreg [dreg:$0x1];
	p0 =	sne.s32 s2, $0x0  }
0x73: {  	s3 =	rddreg [dreg:$0x2];
	[bflag:$0x3] =	sbarrier.arrive $0xFFFF;
	s2 =	simm.s32 @!p0 $0x1C03  }
0x74: {  	[timem:s3], [sflag:s2] =	dma.local @!p0 [hbm:s0], s1  }
0x75: {  	s0 =	simm.s32 @!p0 $0x3  }
0x76: {  	_ =	swait.ge @!p0 [sflag:s0], s1  }
0x77: {  	s1 =	ssub.s32 @!p0 $0x0, s1;
	[sflag:s0] =	ssyncset.done @!p0 $0x0  }
0x78: {  	[sflag:s0] =	ssyncadd.s32 @!p0 s1  }
0x79: {  	[bflag:$0x3] =	sbarrier.arrive $0xFFFF  }
0x7a: {  	_ =	shalt  }

// kernel: kernel.29.cloned.1.call-start
scs
__scs_entry_jumppad:
0x0: {  	(pc) =	sbr.rel $0x88, $3  }
0x1: {  	(tag) =	ssettag $0x0;
	lr =	simm.s32 $0x1  }
0x2: {  	[smem:$0x3F89] =	sst lr;
	_ =	strace $0xD0000000  }
0x3: {  	_ = 	snop  }
0x4: {  	_ = 	snop  }
0x5: {  	_ = 	snop  }
0x6: {  	_ = 	snop  }
0x7: {  	_ = 	snop  }
__scs_overlays_trampoline_lowered:
0x8: {  	[smem:$0x3F98] =	sst s0  }
0x9: {  	[smem:$0x3F99] =	sst s1  }
0xa: {  	[smem:$0x3F9A] =	sst s2  }
0xb: {  	[smem:$0x3F9B] =	sst s3  }
0xc: {  	[smem:$0x3F9C] =	sst s4  }
0xd: {  	[smem:$0x3F9D] =	sst s5  }
0xe: {  	[smem:$0x3F9E] =	sst s6  }
0xf: {  	[smem:$0x3F9F] =	sst s7  }
0x10: {  	[smem:$0x3FA0] =	sst s8  }
0x11: {  	[smem:$0x3FA1] =	sst s9;
	s0 =	simm.s32 @!p0 $0x0  }
0x12: {  	s1 =	sld [smem:$0x3F87];
	s0 =	simm.s32 @p0 $0x1  }
0x13: {  	[smem:$0x3FA2] =	sst s0;
	s0 =	simm.s32 @!p1 $0x0  }
0x14: {  	s2 =	sld [smem:$0x3F86];
	s0 =	simm.s32 @p1 $0x1  }
0x15: {  	[smem:$0x3FA3] =	sst s0;
	s0 =	simm.s32 @!p2 $0x0  }
0x16: {  	s3 =	sld [smem:$0x3FDB];
	s0 =	simm.s32 @p2 $0x1  }
0x17: {  	s4 =	simm.s32 $0x1BF5;
	[smem:$0x3FA5] =	sst s0  }
0x18: {  	s0 =	sld [smem:$0x3F88];
	_ =	swait.ge [sflag:s4], $0x0  }
0x19: {  	s7 =	sld [smem:$0x3F89]  }
0x1a: {  	s8 =	sadd.s32 $0xFFFFE003, lr  }
0x1b: {  	s9 =	sadd.s32 $0xFFFFFEF7, lr;
	s5 =	simm.s32 $0xFFFFFFFF;
	p2 =	slt.u32 s8, $0xFFFFF086  }
0x1c: {  	p1 =	slt.u32 s9, $0xF7A;
	s5 =	simm.s32 @!p2 $0x0  }
0x1d: {  	s5 =	simm.s32 @p1 $0x1;
	p0 =	seq.s32 s7, s2  }
0x1e: {  	s7 =	smul.u32 @!p0 $0xF7A, s2;
	p2 =	seq.s32 @!p0 s5, $0x0  }
0x1f: {  	s9 =	smul.u32 $0xF7A, s1;
	s8 =	simm.s32 @!p0 $0x1BF5;
	p2 =	por !p2, p0  }
0x20: {  	[sflag:s8] =	ssyncset.s32 @!p0 $0xFFFFF086;
	s6 =	sadd.s32 @!p0 s3, s7;
	s7 =	simm.s32 @!p0 $0x108  }
0x21: {  	s3 =	sadd.s32 s3, s9;
	s6 =	sadd.s32 @!p0 $0x88, s6;
	s7 =	simm.s32 @p2 $0x1082  }
0x22: {  	[simem:s7], [sflag:s8] =	dma.local @!p0 [hbm:s6], $0xF7A  }
0x23: {  	s9 =	sor.u32 $0xD0000000, s2;
	s6 =	simm.s32 $0x108;
	_ =	swait.ge @!p0 [sflag:s8], $0x0  }
0x24: {  	s3 =	sadd.s32 $0x88, s3;
	s6 =	simm.s32 @!p1 $0x1082;
	[sflag:s4] =	ssyncset.s32 $0xFFFFF086  }
0x25: {  	[simem:s6], [sflag:s4] =	dma.local [hbm:s3], $0xF7A  }
0x26: {  	[smem:$0x3F89] =	sst s1;
	(tag) =	ssettag s2;
	_ =	strace s9  }
0x27: {  	s1 =	sld [smem:$0x3F99]  }
0x28: {  	s2 =	sld [smem:$0x3F9A]  }
0x29: {  	s4 =	sld [smem:$0x3F9C]  }
0x2a: {  	p0 =	seq.s32 s5, $0x0;
	s5 =	sld [smem:$0x3F9D]  }
0x2b: {  	s6 =	sld [smem:$0x3F9E]  }
0x2c: {  	s7 =	sld [smem:$0x3F9F]  }
0x2d: {  	s3 =	simm.s32 $0x108;
	s8 =	sld [smem:$0x3FA0]  }
0x2e: {  	s3 =	simm.s32 @!p0 $0x1082;
	s9 =	sld [smem:$0x3FA1]  }
0x2f: {  	lr =	sadd.s32 s0, s3;
	s0 =	sld [smem:$0x3F98]  }
0x30: {  	s3 =	sld [smem:$0x3F9B]  }
0x31: {  	[smem:$0x3FA4] =	sst s10  }
0x32: {  	s10 =	sld [smem:$0x3FA2];
	_ =	sdelay $0x3  }
0x33: {  	p0 =	seq.s32 s10, $0x1;
	s10 =	sld [smem:$0x3FA4];
	_ =	sdelay $0x3  }
0x34: {  	[smem:$0x3FA4] =	sst s10  }
0x35: {  	s10 =	sld [smem:$0x3FA3];
	_ =	sdelay $0x3  }
0x36: {  	p1 =	seq.s32 s10, $0x1;
	s10 =	sld [smem:$0x3FA4];
	_ =	sdelay $0x3  }
0x37: {  	[smem:$0x3FA4] =	sst s10  }
0x38: {  	s10 =	sld [smem:$0x3FA5]  }
0x39: {  	_ = 	snop;
	(pc) =	sbr.ind lr, $3  }
0x3a: {  	_ = 	snop  }
0x3b: {  	_ = 	snop  }
0x3c: {  	p2 =	seq.s32 s10, $0x1;
	s10 =	sld [smem:$0x3FA4]  }
0x3d: {  	_ =	shalt  }
0x3e: {  	_ =	shalt  }
0x3f: {  	_ =	shalt  }
0x40: {  	_ =	shalt  }
0x41: {  	_ =	shalt  }
0x42: {  	_ =	shalt  }
0x43: {  	_ =	shalt  }
0x44: {  	_ =	shalt  }
0x45: {  	_ =	shalt  }
0x46: {  	_ =	shalt  }
0x47: {  	_ =	shalt  }
0x48: {  	_ =	shalt  }
0x49: {  	_ =	shalt  }
0x4a: {  	_ =	shalt  }
0x4b: {  	_ =	shalt  }
0x4c: {  	_ =	shalt  }
0x4d: {  	_ =	shalt  }
0x4e: {  	_ =	shalt  }
0x4f: {  	_ =	shalt  }
0x50: {  	_ =	shalt  }
0x51: {  	_ =	shalt  }
0x52: {  	_ =	shalt  }
0x53: {  	_ =	shalt  }
0x54: {  	_ =	shalt  }
0x55: {  	_ =	shalt  }
0x56: {  	_ =	shalt  }
0x57: {  	_ =	shalt  }
0x58: {  	_ =	shalt  }
0x59: {  	_ =	shalt  }
0x5a: {  	_ =	shalt  }
0x5b: {  	_ =	shalt  }
0x5c: {  	_ =	shalt  }
0x5d: {  	_ =	shalt  }
0x5e: {  	_ =	shalt  }
0x5f: {  	_ =	shalt  }
0x60: {  	_ =	shalt  }
0x61: {  	_ =	shalt  }
0x62: {  	_ =	shalt  }
0x63: {  	_ =	shalt  }
0x64: {  	_ =	shalt  }
0x65: {  	_ =	shalt  }
0x66: {  	_ =	shalt  }
0x67: {  	_ =	shalt  }
0x68: {  	_ =	shalt  }
0x69: {  	_ =	shalt  }
0x6a: {  	_ =	shalt  }
0x6b: {  	_ =	shalt  }
0x6c: {  	_ =	shalt  }
0x6d: {  	_ =	shalt  }
0x6e: {  	_ =	shalt  }
0x6f: {  	_ =	shalt  }
0x70: {  	_ =	shalt  }
0x71: {  	_ =	shalt  }
0x72: {  	_ =	shalt  }
0x73: {  	_ =	shalt  }
0x74: {  	_ =	shalt  }
0x75: {  	_ =	shalt  }
0x76: {  	_ =	shalt  }
0x77: {  	_ =	shalt  }
0x78: {  	_ =	shalt  }
0x79: {  	_ =	shalt  }
0x7a: {  	_ =	shalt  }
0x7b: {  	_ =	shalt  }
0x7c: {  	_ =	shalt  }
0x7d: {  	_ =	shalt  }
0x7e: {  	_ =	shalt  }
0x7f: {  	_ =	shalt  }
0x80: {  	_ =	shalt  }
0x81: {  	_ =	shalt  }
0x82: {  	_ =	shalt  }
0x83: {  	_ =	shalt  }
0x84: {  	_ =	shalt  }
0x85: {  	_ =	shalt  }
0x86: {  	_ =	shalt  }
0x87: {  	_ =	shalt  }
.Lfunc_end0:
.L_simem_size_0:
called_computation.3_lowered:
.L_overlay_start_0:
0x88: {  	s2 =	sld [smem:$0x3FD9]  }
0x89: {  	s3 =	sld [smem:$0x3FFE];
	_ =	sdelay $0x1  }
0x8a: {  	s1 =	srdreg.scid  }
0x8b: {  	s0 =	sand.u32 $0x1, s1  }
0x8c: {  	s14 =	sshll.u32 s0, $0xA;
	s2 =	sadd.s32 s3, s2  }
0x8d: {  	s2 =	sadd.s32 s2, s14  }
0x8e: {  	[smem:$0x3FB0] =	sst s2  }
0x8f: {  	_ = 	snop  }
0x90: {  	s2 =	sld [smem:$0x3FD0];
	_ =	sdelay $0x2  }
0x91: {  	s15 =	simm.s32 $0xA;
	s4 =	simm.s32 $0x10  }
0x92: {  	[smem:s4], [sflag:s15] =	dma.local [hbm:s2], $0x1  }
0x93: {  	_ =	swait.eq [sflag:s15], $0x1  }
0x94: {  	[sflag:s15] =	ssyncset.done $0x0  }
0x95: {  	[sflag:s15] =	ssyncadd.s32 $0xFFFFFFFF  }
0x96: {  	s16 =	sld [smem:$0x12];
	(tm) =	ssettm $0x1  }
0x97: {  	s17 =	sld [smem:$0x3FFB];
	_ =	sdelay $0x3  }
0x98: {  	_ =	strace s17  }
0x99: {  	s3 =	sld [smem:$0x3FFC];
	_ =	sdelay $0x3  }
0x9a: {  	_ =	strace s3  }
0x9b: {  	s3 =	sld [smem:$0x3FFD];
	_ =	sdelay $0x3  }
0x9c: {  	_ =	strace s3  }
0x9d: {  	_ =	strace $0x8FFFFFFF  }
0x9e: {  	s18 =	sld [smem:$0x3FDB];
	_ =	sdelay $0x1  }
0x9f: {  	s19 =	simm.s32 $_scs_section_size  }
0xa0: {  	s5 =	simm.s32 $_size__tile_overlayer_lowered;
	s6 =	simm.s32 $_tile_overlayer_lowered  }
0xa1: {  	s22 =	simm.s32 $0x1BFF;
	s21 =	sshll.u32 s6, $0x1;
	s3 =	sadd.s32 s19, s18  }
0xa2: {  	s7 =	simm.s32 $0x0;
	s20 =	sshll.u32 s5, $0x1;
	s5 =	sadd.s32 s21, s3  }
0xa3: {  	[timem:s7], [sflag:s22] =	dma.local [hbm:s5], s20  }
0xa4: {  	_ =	swait.ge [sflag:s22], s20  }
0xa5: {  	s4 =	ssub.s32 $0x0, s20;
	[sflag:s22] =	ssyncset.done $0x0  }
0xa6: {  	[sflag:s22] =	ssyncadd.s32 s4;
	_ =	sdelay $0x1  }
0xa7: {  	s23 =	simm.s32 $0x1B8B  }
0xa8: {  	_ =	swait.ge [sflag:s23], $0x1  }
0xa9: {  	[sflag:s23] =	ssyncset.done $0x0  }
0xaa: {  	s25 =	simm.s32 $0x1B8E;
	s24 =	sld [smem:$0x3FFE];
	[sflag:s23] =	ssyncadd.s32 $0xFFFFFFFF  }
0xab: {  	s26 =	simm.s32 $execute0_lowered;
	[smem:$0x3FD2] =	sst s25  }
0xac: {  	s5 =	sshll.u32 s26, $0x1;
	_ =	strace $0x8000004F;
	[dreg:$0x1] =	wrdreg $0xFFFFFFFF  }
0xad: {  	s28 =	simm.s32 $_size_execute0_lowered;
	s3 =	sadd.s32 s3, s5;
	[dreg:$0x0] =	wrdreg $0x0  }
0xae: {  	s5 =	sshll.u32 s28, $0x1;
	[dreg:$0x2] =	wrdreg s3  }
0xaf: {  	[dreg:$0x3] =	wrdreg s5  }
0xb0: {  	[dreg:$0x4] =	wrdreg $0xC0  }
0xb1: {  	_ =	task [dreg:s7], $0x5FFFF  }
0xb2: {  	[dreg:$0x1] =	wrdreg $0xFFFFFFFF  }
0xb3: {  	[dreg:$0x0] =	wrdreg $0x60  }
0xb4: {  	[dreg:$0x2] =	wrdreg s24  }
0xb5: {  	[dreg:$0x3] =	wrdreg s16  }
0xb6: {  	[dreg:$0x4] =	wrdreg $0xA0000  }
0xb7: {  	[dreg:$0x5] =	wrdreg $0x9  }
0xb8: {  	_ =	task.clear_ibuf [dreg:s7], $0x6FFFF;
	_ =	strace $0x9000004F  }
0xb9: {  	s29 =	simm.s32 $0x9;
	_ =	strace $0x80000051  }
0xba: {  	_ =	swait.ge [sflag:s29], $0x1  }
0xbb: {  	[sflag:s29] =	ssyncadd.s32 $0xFFFFFFFF  }
0xbc: {  	_ =	strace $0x90000051  }
0xbd: {  	_ =	sfence  }
0xbe: {  	s30 =	sld [smem:$0x0];
	_ =	sdelay $0x2  }
0xbf: {  	s31 =	sshll.u32 s1, $0xD;
	s1 =	sshrl.u32 s1, $0x2  }
0xc0: {  	s3 =	sand.u32 $0x4000, s31;
	s1 =	sadd.s32 s1, s30  }
0xc1: {  	s0 =	sor.u32 s3, s0;
	s1 =	sshll.u32 s1, $0x11  }
0xc2: {  	s0 =	sor.u32 s1, s0  }
0xc3: {  	s0 =	sadd.s32 $0x8F2B, s0  }
0xc4: {  	[sflag:s0] =	ssyncadd.remote.s32 $0x1  }
0xc5: {  	_ =	sfence.sel $0xFFFF  }
0xc6: {  	[dreg:$0x0] =	wrdreg $0xFFFFFFFF;
	(pc) =	sbr.abs _section_cstart, $3  }
0xc7: {  	[dreg:$0x1] =	wrdreg $0xFFFFFFFF  }
0xc8: {  	_ =	task.clear_ibuf [dreg:s7], $0x2FFFF;
	_ =	strace $0x9FFFFFFF  }
0xc9: {  	(tm) =	ssettm $0x7FFFFFFF  }
tec
execute0_lowered:
.L_overlay_start_1:
0x0: {  	(tag) =	ssettag $0x1  }
0x1: {  	s7 =	rddreg [dreg:$0x0]  }
0x2: {  	s1 =	rddreg [dreg:$0x1]  }
0x3: {  	s2 =	rddreg [dreg:$0x2]  }
0x4: {  	s3 =	srdreg.scid;
	s0 =	rddreg [dreg:$0x3];
	s4 =	simm.s32 $0x0  }
0x5: {  	s16 =	simm.s32 $0x80;
	s17 =	simm.s32 $0x2000;
	s18 =	simm.s32 $0x6000  }
0x6: {  	s19 =	simm.s32 $0x1;
	s20 =	simm.s32 $0x2;
	s21 =	simm.s32 $0xF80  }
0x7: {  	s22 =	simm.s32 $0x1F00;
	s8 =	sand.u32 $0x1, s3;
	s3 =	stileid.u32  }
0x8: {  	s23 =	simm.s32 $0x1F80;
	[smem:$0x7FF] =	sst s4;
	s9 =	smul.u32 $0x2800, s8  }
0x9: {  	s5 =	sadd.s32 $0x10A00, s7;
	s6 =	sadd.s32 $0x6A00, s7;
	s10 =	smul.u32 $0x280, s3  }
0xa: {  	_ =	strace $0x80000050;
	s28 =	ssub.s32 $0x2, s8;
	s11 =	smul.u32 $0x50000, s3  }
0xb: {  	s13 =	smul.u32 $0x50000, s8;
	s31 =	sshll.u32 s3, $0x6;
	s9 =	sadd.s32 s10, s9  }
0xc: {  	s29 =	sshrl.u32 s28, $0x1;
	s30 =	sshrl.u32 s11, $0x2;
	s9 =	sshll.u32 s9, $0x4  }
0xd: {  	s14 =	ssub.s32 s28, s29;
	s15 =	sadd.s32 s30, s2;
	s12 =	sadd.s32 s9, s7  }
0xe: {  	s7 =	smul.u32 $0x5000, s3;
	s8 =	sadd.s32 s5, s9;
	s9 =	sor.u32 $0x1C03, s31  }
0xf: {  	s11 =	sadd.s32 $0x60A00, s12;
	s12 =	smax.u32 s14, $0x1;
	s14 =	simm.s32 $0x3  }
0x10: {  	s10 =	sadd.s32 s13, s7;
	s13 =	sshrl.u32 s15, $0x3;
	s15 =	simm.s32 $0x1000  }
.LBB2_1:
0x11: {  	[spmem:s13], [sflag:s9] =	dma.local [hbm:s8], $0x2800  }
0x12: {  	_ =	swait.ge [sflag:s14], $0x2800  }
0x13: {  	[sflag:s14] =	ssyncset.done $0x0  }
0x14: {  	[sflag:s14] =	ssyncadd.s32 $0xFFFFD800  }
0x15: {  	s24 =	simm.s32 $0x0;
	[bflag:$0x0] =	sbarrier.arrive $0xFFFF  }
.LBB2_2:
0x16: {  	s25 =	sshll.u32 s24, $0xC  }
0x17: {  	s26 =	sadd.s32 s10, s25  }
0x18: {  	s26 =	sshrl.u32 s26, $0x3  }
0x19: {  	s28 =	simm.s32 $0x0;
	s26 =	sadd.s32 s1, s26  }
0x1a: {  	[tilespmem:s28], [sflag:$0x3] =	stream.linear.gather [hbm4b:s26+s28], $0x1000, $0x38;
	[tilespmem:$0x1E000] =	vst v63  }
0x1b: {  	s25 =	sadd.s32 s7, s25;
	_ =	swait.ge [sflag:s14], $0x1000  }
0x1c: {  	s25 =	sshrl.u32 s25, $0x3;
	[sflag:s14] =	ssyncset.done $0x0  }
0x1d: {  	s25 =	sadd.s32 s6, s25;
	[sflag:s14] =	ssyncadd.s32 $0xFFFFF000  }
0x1e: {  	[tilespmem:s15], [sflag:$0x3] =	stream.linear.gather [hbm4b:s25+s28], $0x1000, $0x38;
	[tilespmem:$0x1E000] =	vst v63  }
0x1f: {  	_ =	swait.ge [sflag:s14], $0x1000  }
0x20: {  	[sflag:s14] =	ssyncset.done $0x0  }
0x21: {  	[sflag:s14] =	ssyncadd.s32 $0xFFFFF000  }
0x22: {  	[tilespmem:s17], [sflag:$0x1] =	stream.indirect.gather [hbm4b:s5+s16], $0x80, s28, s16, $0xb8;
	[tilespmem:$0x1E000] =	vst v63  }
0x23: {  	s28 =	simm.s32 $0x80  }
0x24: {  	[tilespmem:s18], [sflag:$0x2] =	stream.indirect.gather [hbm4b:s5+s16], $0x80, s28, s16, $0xb8;
	[tilespmem:$0x1E000] =	vst v63  }
0x25: {  	_ =	swait.ge [sflag:s19], $0x4000  }
0x26: {  	[sflag:s19] =	ssyncset.done $0x0  }
0x27: {  	s29 =	simm.s32 $0x1000;
	[sflag:s19] =	ssyncadd.s32 $0xFFFFC000  }
0x28: {  	[spmem:s2] =	stream.indirect.scatter.add.f32 [tilespmem:s17], [sflag:$0x3], $0x80, s29, s16, $0xb8;
	[tilespmem:$0x1E000] =	vst v63  }
0x29: {  	_ =	swait.ge [sflag:s14], $0x4000  }
0x2a: {  	[sflag:s14] =	ssyncset.done $0x0  }
0x2b: {  	s30 =	simm.s32 $0x100;
	[sflag:s14] =	ssyncadd.s32 $0xFFFFC000  }
0x2c: {  	[tilespmem:s17], [sflag:$0x1] =	stream.indirect.gather [hbm4b:s5+s16], $0x80, s30, s16, $0xb8;
	[tilespmem:$0x1E000] =	vst v63  }
0x2d: {  	_ =	swait.ge [sflag:s20], $0x4000  }
0x2e: {  	[sflag:s20] =	ssyncset.done $0x0  }
0x2f: {  	s31 =	simm.s32 $0x1080;
	[sflag:s20] =	ssyncadd.s32 $0xFFFFC000  }
0x30: {  	[spmem:s2] =	stream.indirect.scatter.add.f32 [tilespmem:s18], [sflag:$0x3], $0x80, s31, s16, $0xb8;
	[tilespmem:$0x1E000] =	vst v63  }
0x31: {  	_ =	swait.ge [sflag:s14], $0x4000  }
0x32: {  	s26 =	simm.s32 $0x800;
	s25 =	simm.s32 $0x100;
	[sflag:s14] =	ssyncset.done $0x0  }
.LBB2_3:
0x33: {  	s28 =	sadd.s32 $0x80, s25  }
0x34: {  	[sflag:s14] =	ssyncadd.s32 $0xFFFFC000;
	s29 =	smov.u32 s26;
	s30 =	sadd.s32 $0x400, s26  }
0x35: {  	[tilespmem:s18], [sflag:$0x2] =	stream.indirect.gather [hbm4b:s5+s16], $0x80, s28, s16, $0xb8;
	[tilespmem:$0x1E000] =	vst v63  }
0x36: {  	p0 =	sne.s32 s26, $0x3800;
	_ =	swait.ge [sflag:s19], $0x4000  }
0x37: {  	[sflag:s19] =	ssyncset.done $0x0  }
0x38: {  	s26 =	sadd.s32 $0x1000, s25;
	[sflag:s19] =	ssyncadd.s32 $0xFFFFC000  }
0x39: {  	[spmem:s2] =	stream.indirect.scatter.add.f32 [tilespmem:s17], [sflag:$0x3], $0x80, s26, s16, $0xb8;
	[tilespmem:$0x1E000] =	vst v63  }
0x3a: {  	_ =	swait.ge [sflag:s14], $0x4000  }
0x3b: {  	[sflag:s14] =	ssyncset.done $0x0  }
0x3c: {  	s26 =	sadd.s32 $0x100, s25;
	[sflag:s14] =	ssyncadd.s32 $0xFFFFC000  }
0x3d: {  	[tilespmem:s17], [sflag:$0x1] =	stream.indirect.gather [hbm4b:s5+s16], $0x80, s26, s16, $0xb8;
	[tilespmem:$0x1E000] =	vst v63  }
0x3e: {  	_ =	swait.ge [sflag:s20], $0x4000  }
.Ltmp0:
0x3f: {  	[sflag:s20] =	ssyncset.done $0x0;
	(pc) =	sbr.rel @p0 .LBB2_3-.Ltmp0, $4  }
0x40: {  	s25 =	sadd.s32 $0x1080, s25;
	[sflag:s20] =	ssyncadd.s32 $0xFFFFC000  }
0x41: {  	[spmem:s2] =	stream.indirect.scatter.add.f32 [tilespmem:s18], [sflag:$0x3], $0x80, s25, s16, $0xb8;
	[tilespmem:$0x1E000] =	vst v63  }
0x42: {  	_ =	swait.ge [sflag:s14], $0x4000  }
0x43: {  	s26 =	smov.u32 s30;
	s25 =	sshra.s32 s29, $0x2;
	[sflag:s14] =	ssyncset.done $0x0  }
0x44: {  	s26 =	sadd.s32 $0x80, s25;
	[sflag:s14] =	ssyncadd.s32 $0xFFFFC000  }
0x45: {  	[tilespmem:s18], [sflag:$0x2] =	stream.indirect.gather [hbm4b:s5+s16], $0x80, s26, s16, $0xb8;
	[tilespmem:$0x1E000] =	vst v63  }
0x46: {  	_ =	swait.ge [sflag:s19], $0x4000  }
0x47: {  	[sflag:s19] =	ssyncset.done $0x0  }
0x48: {  	s29 =	sadd.s32 $0x1000, s25;
	[sflag:s19] =	ssyncadd.s32 $0xFFFFC000  }
0x49: {  	[spmem:s2] =	stream.indirect.scatter.add.f32 [tilespmem:s17], [sflag:$0x3], $0x80, s29, s16, $0xb8;
	[tilespmem:$0x1E000] =	vst v63  }
0x4a: {  	_ =	swait.ge [sflag:s14], $0x4000  }
0x4b: {  	[sflag:s14] =	ssyncset.done $0x0  }
0x4c: {  	s30 =	sadd.s32 $0x100, s25;
	[sflag:s14] =	ssyncadd.s32 $0xFFFFC000  }
0x4d: {  	[tilespmem:s17], [sflag:$0x1] =	stream.indirect.gather [hbm4b:s5+s16], $0x80, s30, s16, $0xb8;
	[tilespmem:$0x1E000] =	vst v63  }
0x4e: {  	_ =	swait.ge [sflag:s20], $0x4000  }
0x4f: {  	[sflag:s20] =	ssyncset.done $0x0  }
0x50: {  	s31 =	sadd.s32 $0x1080, s25;
	[sflag:s20] =	ssyncadd.s32 $0xFFFFC000  }
0x51: {  	[spmem:s2] =	stream.indirect.scatter.add.f32 [tilespmem:s18], [sflag:$0x3], $0x80, s31, s16, $0xb8;
	[tilespmem:$0x1E000] =	vst v63  }
0x52: {  	_ =	swait.ge [sflag:s14], $0x4000  }
0x53: {  	[sflag:s14] =	ssyncset.done $0x0  }
0x54: {  	[sflag:s14] =	ssyncadd.s32 $0xFFFFC000  }
0x55: {  	[tilespmem:s18], [sflag:$0x2] =	stream.indirect.gather [hbm4b:s5+s16], $0x80, s21, s16, $0xb8;
	[tilespmem:$0x1E000] =	vst v63  }
0x56: {  	_ =	swait.ge [sflag:s19], $0x4000  }
0x57: {  	[sflag:s19] =	ssyncset.done $0x0  }
0x58: {  	[sflag:s19] =	ssyncadd.s32 $0xFFFFC000  }
0x59: {  	[spmem:s2] =	stream.indirect.scatter.add.f32 [tilespmem:s17], [sflag:$0x3], $0x80, s22, s16, $0xb8;
	[tilespmem:$0x1E000] =	vst v63  }
0x5a: {  	_ =	swait.ge [sflag:s14], $0x4000  }
0x5b: {  	[sflag:s14] =	ssyncset.done $0x0  }
0x5c: {  	[sflag:s14] =	ssyncadd.s32 $0xFFFFC000  }
0x5d: {  	s24 =	sadd.s32 $0x1, s24;
	_ =	swait.ge [sflag:s20], $0x4000  }
0x5e: {  	p0 =	sne.s32 s24, $0x5;
	[sflag:s20] =	ssyncset.done $0x0  }
.Ltmp1:
0x5f: {  	[sflag:s20] =	ssyncadd.s32 $0xFFFFC000;
	(pc) =	sbr.rel @p0 .LBB2_2-.Ltmp1, $4  }
0x60: {  	[spmem:s2] =	stream.indirect.scatter.add.f32 [tilespmem:s18], [sflag:$0x3], $0x80, s23, s16, $0xb8;
	[tilespmem:$0x1E000] =	vst v63  }
0x61: {  	_ =	swait.ge [sflag:s14], $0x4000  }
0x62: {  	[sflag:s14] =	ssyncset.done $0x0  }
0x63: {  	[sflag:s14] =	ssyncadd.s32 $0xFFFFC000  }
0x64: {  	s4 =	sadd.s32 $0x1, s4  }
0x65: {  	p0 =	sne.s32 s4, s12  }
.Ltmp2:
0x66: {  	[bflag:$0x0] =	sbarrier.arrive $0xFFFF;
	(pc) =	sbr.rel @p0 .LBB2_1-.Ltmp2, $4  }
0x67: {  	[hbm:s11], [sflag:s9] =	dma.local [spmem:s13], $0x2800  }
0x68: {  	_ =	swait.ge [sflag:s14], $0x2800  }
0x69: {  	[sflag:s14] =	ssyncset.done $0x0  }
0x6a: {  	[sflag:s14] =	ssyncadd.s32 $0xFFFFD800  }
0x6b: {  	_ =	sfence.sel $0x180000  }
0x6c: {  	[bflag:$0x0] =	sbarrier.arrive $0xFFFF  }
0x6d: {  	p0 =	sne.s32 s3, $0x0;
	_ =	strace $0x90000050  }
0x6e: {  	s0 =	sadd.s32 @!p0 $0x100000, s0;
	[bflag:$0x2] =	sbarrier.arrive $0xFFFF  }
0x6f: {  	[sflag:s0] =	ssyncadd.tile.s32 @!p0 $0x1;
	_ =	shalt  }
.Lfunc_end2:
_tile_overlayer_lowered:
.L_overlay_start_2:
0x70: {  	(tag) =	ssettag $0x2  }
0x71: {  	s0 =	rddreg [dreg:$0x0];
	s2 =	stileid.u32  }
0x72: {  	s1 =	rddreg [dreg:$0x1];
	p0 =	sne.s32 s2, $0x0  }
0x73: {  	s3 =	rddreg [dreg:$0x2];
	[bflag:$0x3] =	sbarrier.arrive $0xFFFF;
	s2 =	simm.s32 @!p0 $0x1C03  }
0x74: {  	[timem:s3], [sflag:s2] =	dma.local @!p0 [hbm:s0], s1  }
0x75: {  	s0 =	simm.s32 @!p0 $0x3  }
0x76: {  	_ =	swait.ge @!p0 [sflag:s0], s1  }
0x77: {  	s1 =	ssub.s32 @!p0 $0x0, s1;
	[sflag:s0] =	ssyncset.done @!p0 $0x0  }
0x78: {  	[sflag:s0] =	ssyncadd.s32 @!p0 s1  }
0x79: {  	[bflag:$0x3] =	sbarrier.arrive $0xFFFF  }
0x7a: {  	_ =	shalt  }

</sc_bundles>
